<compile_context>
chip_gen: v7x
topology: tpu7x:2x2x1
jax: 0.10.2.dev20260603
libtpu: 0.0.44.dev20260713+nightly
codegen_flags: <defaults>
</compile_context>

<pallas_src>
import functools

import jax
import jax.numpy as jnp
from jax import lax
from jax.experimental import pallas as pl
from jax.experimental.pallas import tpu as pltpu
from jax.experimental.pallas import tpu_sc as plsc

_N = 10000
_E = 320000
_D = 128
_NC = 2
_NS = 16
_NW = _NC * _NS
_K = 80
_EPW = _E // _NW
_CH = _EPW // _K
_RPS = 624
_REM = _N - _NS * _RPS

_mesh = plsc.VectorSubcoreMesh(core_axis_name="c", subcore_axis_name="s")


@functools.partial(
    pl.kernel,
    out_type=jax.ShapeDtypeStruct((_NC, _N, _D), jnp.float32),
    mesh=_mesh,
    scratch_types=[
        pltpu.VMEM((8, _K), jnp.int32),
        pltpu.VMEM((8, _K), jnp.int32),
        pltpu.VMEM((4, _K, _D), jnp.float32),
        pltpu.VMEM_SHARED((_N, _D), jnp.float32),
        [pltpu.SemaphoreType.DMA] * 4,
        [pltpu.SemaphoreType.DMA] * 8,
        [pltpu.SemaphoreType.DMA] * 4,
    ],
)
def _sc_agg(x_hbm, src_hbm, dst_hbm, out_hbm, sidx, didx, rows, acc,
            semg, semi, sems):
    cid = lax.axis_index("c")
    sid = lax.axis_index("s")
    wid = sid * _NC + cid
    rbase = pl.multiple_of(sid * _RPS, 8)

    def idx_copies(j, bi):
        ebase = pl.multiple_of(wid * _EPW + j * _K, 8)
        return (pltpu.make_async_copy(src_hbm.at[pl.ds(ebase, _K)],
                                      sidx.at[bi], semi[bi]),
                pltpu.make_async_copy(dst_hbm.at[pl.ds(ebase, _K)],
                                      didx.at[bi], semi[bi]))

    def idx_start(j, bi):
        for c in idx_copies(j, bi):
            c.start()

    def idx_wait(j, bi):
        for c in idx_copies(j, bi):
            c.wait()

    def gather_copy(br, bi):
        return pltpu.make_async_copy(x_hbm.at[sidx.at[bi]], rows.at[br],
                                     semg[br])

    def scatter_start(br, bi):
        pltpu.async_copy(rows.at[br], acc.at[didx.at[bi]], sems[br],
                         add=True)

    def scatter_wait(br, bi):
        pltpu.make_async_copy(rows.at[br], acc.at[didx.at[bi]],
                              sems[br]).wait()

    for c in range(6):
        idx_start(c, c)
    pltpu.sync_copy(x_hbm.at[pl.ds(rbase, _RPS)], acc.at[pl.ds(rbase, _RPS)])

    @pl.when(sid == 0)
    def _():
        pltpu.sync_copy(x_hbm.at[pl.ds(_NS * _RPS, _REM)],
                        acc.at[pl.ds(_NS * _RPS, _REM)])

    plsc.subcore_barrier()
    idx_wait(0, 0)
    gather_copy(0, 0).start()
    idx_wait(1, 1)
    gather_copy(1, 1).start()
    idx_wait(2, 2)
    gather_copy(2, 2).start()
    gather_copy(0, 0).wait()
    scatter_start(0, 0)
    idx_start(6, 6)
    idx_wait(3, 3)
    gather_copy(3 % 4, 3).start()
    gather_copy(1, 1).wait()
    scatter_start(1, 1)
    idx_start(7, 7)

    def step(j, m4, m8):
        idx_wait(j + 2, (m8 + 2) % 8)
        scatter_wait((m4 + 2) % 4, (m8 + 6) % 8)
        gather_copy((m4 + 2) % 4, (m8 + 2) % 8).start()
        gather_copy(m4, m8).wait()
        scatter_start(m4, m8)

        @pl.when(j + 6 < _CH)
        def _():
            idx_start(j + 6, (m8 + 6) % 8)

    @pl.loop(0, 15)
    def _(i):
        for bb in range(8):
            step(2 + 8 * i + bb, (2 + bb) % 4, (2 + bb) % 8)

    idx_wait(124, 124 % 8)
    scatter_wait(120 % 4, 120 % 8)
    gather_copy(124 % 4, 124 % 8).start()
    gather_copy(122 % 4, 122 % 8).wait()
    scatter_start(122 % 4, 122 % 8)
    scatter_wait(121 % 4, 121 % 8)
    gather_copy(123 % 4, 123 % 8).wait()
    scatter_start(123 % 4, 123 % 8)
    scatter_wait(122 % 4, 122 % 8)
    gather_copy(124 % 4, 124 % 8).wait()
    scatter_start(124 % 4, 124 % 8)
    scatter_wait(123 % 4, 123 % 8)
    scatter_wait(124 % 4, 124 % 8)
    plsc.subcore_barrier()
    pltpu.sync_copy(acc.at[pl.ds(rbase, _RPS)],
                    out_hbm.at[cid, pl.ds(rbase, _RPS)])

    @pl.when(sid == 0)
    def _():
        pltpu.sync_copy(acc.at[pl.ds(_NS * _RPS, _REM)],
                        out_hbm.at[cid, pl.ds(_NS * _RPS, _REM)])


_ROWS = 2000


def _mlp_body(x_ref, a_ref, w1_ref, b1_ref, w2_ref, b2_ref, wo_ref, bo_ref,
              o_ref):
    h = a_ref[0] + a_ref[1] - x_ref[...]
    h = jnp.dot(h, w1_ref[...], preferred_element_type=jnp.float32) + b1_ref[...]
    h = jnp.maximum(h, 0.0)
    h = jnp.dot(h, w2_ref[...], preferred_element_type=jnp.float32) + b2_ref[...]
    h = h - jnp.max(h, axis=-1, keepdims=True)
    h = h - jnp.log(jnp.sum(jnp.exp(h), axis=-1, keepdims=True))
    o = jnp.dot(h, wo_ref[...], preferred_element_type=jnp.float32) + bo_ref[...]
    o = jnp.exp(o - jnp.max(o, axis=-1, keepdims=True))
    o_ref[...] = o / jnp.sum(o, axis=-1, keepdims=True)


_mlp = pl.pallas_call(
    _mlp_body,
    grid=(_N // _ROWS,),
    in_specs=[
        pl.BlockSpec((_ROWS, _D), lambda i: (i, 0)),
        pl.BlockSpec((_NC, _ROWS, _D), lambda i: (0, i, 0)),
        pl.BlockSpec((_D, _D), lambda i: (0, 0)),
        pl.BlockSpec((1, _D), lambda i: (0, 0)),
        pl.BlockSpec((_D, _D), lambda i: (0, 0)),
        pl.BlockSpec((1, _D), lambda i: (0, 0)),
        pl.BlockSpec((_D, _D), lambda i: (0, 0)),
        pl.BlockSpec((1, _D), lambda i: (0, 0)),
    ],
    out_specs=pl.BlockSpec((_ROWS, _D), lambda i: (i, 0)),
    out_shape=jax.ShapeDtypeStruct((_N, _D), jnp.float32),
)


def kernel(x, edge_index, W1, b1, W2, b2, Wo, bo):
    agg = _sc_agg(x, edge_index[0], edge_index[1])
    return _mlp(x, agg, W1, b1.reshape(1, _D), W2, b2.reshape(1, _D),
                Wo, bo.reshape(1, _D))

# --- scband reference (transcript-rebuilt; emitter-appended) ---
"""Pipeline reference for scband-gnn-gin-60868276519663 (READ-ONLY COPY).

The authoritative reference and input builder live on the scoring server;
editing this copy changes nothing except your own understanding.
"""

import jax, jax.numpy as jnp
import numpy as np

N = 10000
E = 320000
D = 128
EPS = 0.0


def setup_inputs(seed: int = 0) -> dict:
    key = jax.random.key(seed)
    ks = jax.random.split(key, 8)
    x = jax.random.normal(ks[0], (N, D), dtype=jnp.float32)
    edge_index = jax.random.randint(ks[1], (2, E), 0, N, dtype=jnp.int32)
    scale = 1.0 / np.sqrt(D)
    W1 = jax.random.normal(ks[2], (D, D), dtype=jnp.float32) * scale
    b1 = jnp.zeros((D,), dtype=jnp.float32)
    W2 = jax.random.normal(ks[3], (D, D), dtype=jnp.float32) * scale
    b2 = jnp.zeros((D,), dtype=jnp.float32)
    Wo = jax.random.normal(ks[4], (D, D), dtype=jnp.float32) * scale
    bo = jnp.zeros((D,), dtype=jnp.float32)
    return {"x": x, "edge_index": edge_index, "W1": W1, "b1": b1, "W2": W2, "b2": b2, "Wo": Wo, "bo": bo}


def reference(x, edge_index, W1, b1, W2, b2, Wo, bo):
    # GINConv: h = MLP((1+eps)*x + sum_{j in N(i)} x_j)
    src = edge_index[0]
    dst = edge_index[1]
    msgs = jnp.take(x, src, axis=0)            # gather: [E, D]
    agg = jax.ops.segment_sum(msgs, dst, num_segments=N)  # scatter-add: [N, D]
    h = (1.0 + EPS) * x + agg
    # MLP: Linear -> ReLU -> Linear -> LogSoftmax
    h = jnp.dot(h, W1) + b1
    h = jax.nn.relu(h)
    h = jnp.dot(h, W2) + b2
    h = jax.nn.log_softmax(h, axis=-1)
    # output head: Linear -> Softmax
    out = jnp.dot(h, Wo) + bo
    return jax.nn.softmax(out, axis=-1)

if __name__ == "__main__":
    import jax
    _d = setup_inputs()
    print(jax.jit(kernel)(*tuple(_d.values())))

</pallas_src>

<mosaic_0001>
#map = affine_map<(d0, d1) -> (0, 0)>
#map1 = affine_map<(d0, d1) -> (0)>
#map2 = affine_map<(d0, d1) -> (0, 0, 0)>
module attributes {stable_mosaic.version = 14 : i64} {
  func.func @_sc_agg(%arg0: i32, %arg1: i32, %arg2: memref<10000x128xf32, #tpu.memory_space<hbm>>, %arg3: memref<320000xi32, #tpu.memory_space<hbm>>, %arg4: memref<320000xi32, #tpu.memory_space<hbm>>, %arg5: memref<2x10000x128xf32, #tpu.memory_space<hbm>>, %arg6: memref<8x80xi32, #tpu.memory_space<vmem>>, %arg7: memref<8x80xi32, #tpu.memory_space<vmem>>, %arg8: memref<4x80x128xf32, #tpu.memory_space<vmem>>, %arg9: memref<10000x128xf32, #tpu.memory_space<vmem_shared>>, %arg10: memref<!tpu.dma_semaphore, #tpu.memory_space<semaphore_mem>>, %arg11: memref<!tpu.dma_semaphore, #tpu.memory_space<semaphore_mem>>, %arg12: memref<!tpu.dma_semaphore, #tpu.memory_space<semaphore_mem>>, %arg13: memref<!tpu.dma_semaphore, #tpu.memory_space<semaphore_mem>>, %arg14: memref<!tpu.dma_semaphore, #tpu.memory_space<semaphore_mem>>, %arg15: memref<!tpu.dma_semaphore, #tpu.memory_space<semaphore_mem>>, %arg16: memref<!tpu.dma_semaphore, #tpu.memory_space<semaphore_mem>>, %arg17: memref<!tpu.dma_semaphore, #tpu.memory_space<semaphore_mem>>, %arg18: memref<!tpu.dma_semaphore, #tpu.memory_space<semaphore_mem>>, %arg19: memref<!tpu.dma_semaphore, #tpu.memory_space<semaphore_mem>>, %arg20: memref<!tpu.dma_semaphore, #tpu.memory_space<semaphore_mem>>, %arg21: memref<!tpu.dma_semaphore, #tpu.memory_space<semaphore_mem>>, %arg22: memref<!tpu.dma_semaphore, #tpu.memory_space<semaphore_mem>>, %arg23: memref<!tpu.dma_semaphore, #tpu.memory_space<semaphore_mem>>, %arg24: memref<!tpu.dma_semaphore, #tpu.memory_space<semaphore_mem>>, %arg25: memref<!tpu.dma_semaphore, #tpu.memory_space<semaphore_mem>>) attributes {dimension_semantics = [#tpu.dimension_semantics<core_parallel>, #tpu.dimension_semantics<subcore_parallel>], iteration_bounds = array<i64: 2, 16>, scalar_prefetch = 0 : i64, scratch_operands = 20 : i64, tpu.core_type = #tpu.core_type<sc_vector_subcore>, window_params = [{transform_indices = #map}, {transform_indices = #map1}, {transform_indices = #map1}, {transform_indices = #map2}]} {
    %mul3A = arith.constant 2 : i32
    %mul3A_0 = arith.muli %arg1, %mul3A : i32
    %add3A = arith.addi %mul3A_0, %arg0 : i32
    %mul3A_1 = arith.constant 624 : i32
    %mul3A_2 = arith.muli %arg1, %mul3A_1 : i32
    %multiple_of3A = tpu.assume_multiple %mul3A_2, 8 : i32
    %mul3A_3 = arith.constant 10000 : i32
    %mul3A_4 = arith.muli %add3A, %mul3A_3 : i32
    %add3A_5 = arith.constant 0 : i32
    %add3A_6 = arith.addi %mul3A_4, %add3A_5 : i32
    %multiple_of3A_7 = tpu.assume_multiple %add3A_6, 8 : i32
    %dma_start3A = arith.constant 0 : i32
    %dma_start3A_8 = arith.constant 0 : i32
    %dma_start3A_9 = tpu.memref_slice %arg6[%dma_start3A, %dma_start3A_8] : memref<8x80xi32, #tpu.memory_space<vmem>> -> memref<1x80xi32, #tpu.memory_space<vmem>>
    %dma_start3A_10 = tpu.memref_squeeze %dma_start3A_9 : memref<1x80xi32, #tpu.memory_space<vmem>> -> memref<80xi32, #tpu.memory_space<vmem>>
    %dma_start3A_11 = tpu.memref_slice %arg3[%multiple_of3A_7] : memref<320000xi32, #tpu.memory_space<hbm>> -> memref<80xi32, #tpu.memory_space<hbm>>
    %dma_start3A_12 = arith.constant 0 : i32
    %dma_start3A_13 = tpu.memref_slice %arg6[%dma_start3A, %dma_start3A_12] : memref<8x80xi32, #tpu.memory_space<vmem>> -> memref<1x80xi32, #tpu.memory_space<vmem>>
    %dma_start3A_14 = tpu.memref_squeeze %dma_start3A_13 : memref<1x80xi32, #tpu.memory_space<vmem>> -> memref<80xi32, #tpu.memory_space<vmem>>
    %dma_start3A_15 = tpu.memref_slice %arg3[%multiple_of3A_7] : memref<320000xi32, #tpu.memory_space<hbm>> -> memref<80xi32, #tpu.memory_space<hbm>>
    tpu.enqueue_dma source(%dma_start3A_15 : memref<80xi32, #tpu.memory_space<hbm>>) target(%dma_start3A_14 : memref<80xi32, #tpu.memory_space<vmem>>) target_semaphore(%arg14 : memref<!tpu.dma_semaphore, #tpu.memory_space<semaphore_mem>>)
    %dma_start3A_16 = arith.constant 0 : i32
    %dma_start3A_17 = arith.constant 0 : i32
    %dma_start3A_18 = tpu.memref_slice %arg7[%dma_start3A_16, %dma_start3A_17] : memref<8x80xi32, #tpu.memory_space<vmem>> -> memref<1x80xi32, #tpu.memory_space<vmem>>
    %dma_start3A_19 = tpu.memref_squeeze %dma_start3A_18 : memref<1x80xi32, #tpu.memory_space<vmem>> -> memref<80xi32, #tpu.memory_space<vmem>>
    %dma_start3A_20 = tpu.memref_slice %arg4[%multiple_of3A_7] : memref<320000xi32, #tpu.memory_space<hbm>> -> memref<80xi32, #tpu.memory_space<hbm>>
    %dma_start3A_21 = arith.constant 0 : i32
    %dma_start3A_22 = tpu.memref_slice %arg7[%dma_start3A_16, %dma_start3A_21] : memref<8x80xi32, #tpu.memory_space<vmem>> -> memref<1x80xi32, #tpu.memory_space<vmem>>
    %dma_start3A_23 = tpu.memref_squeeze %dma_start3A_22 : memref<1x80xi32, #tpu.memory_space<vmem>> -> memref<80xi32, #tpu.memory_space<vmem>>
    %dma_start3A_24 = tpu.memref_slice %arg4[%multiple_of3A_7] : memref<320000xi32, #tpu.memory_space<hbm>> -> memref<80xi32, #tpu.memory_space<hbm>>
    tpu.enqueue_dma source(%dma_start3A_24 : memref<80xi32, #tpu.memory_space<hbm>>) target(%dma_start3A_23 : memref<80xi32, #tpu.memory_space<vmem>>) target_semaphore(%arg14 : memref<!tpu.dma_semaphore, #tpu.memory_space<semaphore_mem>>)
    %mul3A_25 = arith.constant 10000 : i32
    %mul3A_26 = arith.muli %add3A, %mul3A_25 : i32
    %add3A_27 = arith.constant 80 : i32
    %add3A_28 = arith.addi %mul3A_26, %add3A_27 : i32
    %multiple_of3A_29 = tpu.assume_multiple %add3A_28, 8 : i32
    %dma_start3A_30 = arith.constant 1 : i32
    %dma_start3A_31 = arith.constant 0 : i32
    %dma_start3A_32 = tpu.memref_slice %arg6[%dma_start3A_30, %dma_start3A_31] : memref<8x80xi32, #tpu.memory_space<vmem>> -> memref<1x80xi32, #tpu.memory_space<vmem>>
    %dma_start3A_33 = tpu.memref_squeeze %dma_start3A_32 : memref<1x80xi32, #tpu.memory_space<vmem>> -> memref<80xi32, #tpu.memory_space<vmem>>
    %dma_start3A_34 = tpu.memref_slice %arg3[%multiple_of3A_29] : memref<320000xi32, #tpu.memory_space<hbm>> -> memref<80xi32, #tpu.memory_space<hbm>>
    %dma_start3A_35 = arith.constant 0 : i32
    %dma_start3A_36 = tpu.memref_slice %arg6[%dma_start3A_30, %dma_start3A_35] : memref<8x80xi32, #tpu.memory_space<vmem>> -> memref<1x80xi32, #tpu.memory_space<vmem>>
    %dma_start3A_37 = tpu.memref_squeeze %dma_start3A_36 : memref<1x80xi32, #tpu.memory_space<vmem>> -> memref<80xi32, #tpu.memory_space<vmem>>
    %dma_start3A_38 = tpu.memref_slice %arg3[%multiple_of3A_29] : memref<320000xi32, #tpu.memory_space<hbm>> -> memref<80xi32, #tpu.memory_space<hbm>>
    tpu.enqueue_dma source(%dma_start3A_38 : memref<80xi32, #tpu.memory_space<hbm>>) target(%dma_start3A_37 : memref<80xi32, #tpu.memory_space<vmem>>) target_semaphore(%arg15 : memref<!tpu.dma_semaphore, #tpu.memory_space<semaphore_mem>>)
    %dma_start3A_39 = arith.constant 1 : i32
    %dma_start3A_40 = arith.constant 0 : i32
    %dma_start3A_41 = tpu.memref_slice %arg7[%dma_start3A_39, %dma_start3A_40] : memref<8x80xi32, #tpu.memory_space<vmem>> -> memref<1x80xi32, #tpu.memory_space<vmem>>
    %dma_start3A_42 = tpu.memref_squeeze %dma_start3A_41 : memref<1x80xi32, #tpu.memory_space<vmem>> -> memref<80xi32, #tpu.memory_space<vmem>>
    %dma_start3A_43 = tpu.memref_slice %arg4[%multiple_of3A_29] : memref<320000xi32, #tpu.memory_space<hbm>> -> memref<80xi32, #tpu.memory_space<hbm>>
    %dma_start3A_44 = arith.constant 0 : i32
    %dma_start3A_45 = tpu.memref_slice %arg7[%dma_start3A_39, %dma_start3A_44] : memref<8x80xi32, #tpu.memory_space<vmem>> -> memref<1x80xi32, #tpu.memory_space<vmem>>
    %dma_start3A_46 = tpu.memref_squeeze %dma_start3A_45 : memref<1x80xi32, #tpu.memory_space<vmem>> -> memref<80xi32, #tpu.memory_space<vmem>>
    %dma_start3A_47 = tpu.memref_slice %arg4[%multiple_of3A_29] : memref<320000xi32, #tpu.memory_space<hbm>> -> memref<80xi32, #tpu.memory_space<hbm>>
    tpu.enqueue_dma source(%dma_start3A_47 : memref<80xi32, #tpu.memory_space<hbm>>) target(%dma_start3A_46 : memref<80xi32, #tpu.memory_space<vmem>>) target_semaphore(%arg15 : memref<!tpu.dma_semaphore, #tpu.memory_space<semaphore_mem>>)
    %mul3A_48 = arith.constant 10000 : i32
    %mul3A_49 = arith.muli %add3A, %mul3A_48 : i32
    %add3A_50 = arith.constant 160 : i32
    %add3A_51 = arith.addi %mul3A_49, %add3A_50 : i32
    %multiple_of3A_52 = tpu.assume_multiple %add3A_51, 8 : i32
    %dma_start3A_53 = arith.constant 2 : i32
    %dma_start3A_54 = arith.constant 0 : i32
    %dma_start3A_55 = tpu.memref_slice %arg6[%dma_start3A_53, %dma_start3A_54] : memref<8x80xi32, #tpu.memory_space<vmem>> -> memref<1x80xi32, #tpu.memory_space<vmem>>
    %dma_start3A_56 = tpu.memref_squeeze %dma_start3A_55 : memref<1x80xi32, #tpu.memory_space<vmem>> -> memref<80xi32, #tpu.memory_space<vmem>>
    %dma_start3A_57 = tpu.memref_slice %arg3[%multiple_of3A_52] : memref<320000xi32, #tpu.memory_space<hbm>> -> memref<80xi32, #tpu.memory_space<hbm>>
    %dma_start3A_58 = arith.constant 0 : i32
    %dma_start3A_59 = tpu.memref_slice %arg6[%dma_start3A_53, %dma_start3A_58] : memref<8x80xi32, #tpu.memory_space<vmem>> -> memref<1x80xi32, #tpu.memory_space<vmem>>
    %dma_start3A_60 = tpu.memref_squeeze %dma_start3A_59 : memref<1x80xi32, #tpu.memory_space<vmem>> -> memref<80xi32, #tpu.memory_space<vmem>>
    %dma_start3A_61 = tpu.memref_slice %arg3[%multiple_of3A_52] : memref<320000xi32, #tpu.memory_space<hbm>> -> memref<80xi32, #tpu.memory_space<hbm>>
    tpu.enqueue_dma source(%dma_start3A_61 : memref<80xi32, #tpu.memory_space<hbm>>) target(%dma_start3A_60 : memref<80xi32, #tpu.memory_space<vmem>>) target_semaphore(%arg16 : memref<!tpu.dma_semaphore, #tpu.memory_space<semaphore_mem>>)
    %dma_start3A_62 = arith.constant 2 : i32
    %dma_start3A_63 = arith.constant 0 : i32
    %dma_start3A_64 = tpu.memref_slice %arg7[%dma_start3A_62, %dma_start3A_63] : memref<8x80xi32, #tpu.memory_space<vmem>> -> memref<1x80xi32, #tpu.memory_space<vmem>>
    %dma_start3A_65 = tpu.memref_squeeze %dma_start3A_64 : memref<1x80xi32, #tpu.memory_space<vmem>> -> memref<80xi32, #tpu.memory_space<vmem>>
    %dma_start3A_66 = tpu.memref_slice %arg4[%multiple_of3A_52] : memref<320000xi32, #tpu.memory_space<hbm>> -> memref<80xi32, #tpu.memory_space<hbm>>
    %dma_start3A_67 = arith.constant 0 : i32
    %dma_start3A_68 = tpu.memref_slice %arg7[%dma_start3A_62, %dma_start3A_67] : memref<8x80xi32, #tpu.memory_space<vmem>> -> memref<1x80xi32, #tpu.memory_space<vmem>>
    %dma_start3A_69 = tpu.memref_squeeze %dma_start3A_68 : memref<1x80xi32, #tpu.memory_space<vmem>> -> memref<80xi32, #tpu.memory_space<vmem>>
    %dma_start3A_70 = tpu.memref_slice %arg4[%multiple_of3A_52] : memref<320000xi32, #tpu.memory_space<hbm>> -> memref<80xi32, #tpu.memory_space<hbm>>
    tpu.enqueue_dma source(%dma_start3A_70 : memref<80xi32, #tpu.memory_space<hbm>>) target(%dma_start3A_69 : memref<80xi32, #tpu.memory_space<vmem>>) target_semaphore(%arg16 : memref<!tpu.dma_semaphore, #tpu.memory_space<semaphore_mem>>)
    %mul3A_71 = arith.constant 10000 : i32
    %mul3A_72 = arith.muli %add3A, %mul3A_71 : i32
    %add3A_73 = arith.constant 240 : i32
    %add3A_74 = arith.addi %mul3A_72, %add3A_73 : i32
    %multiple_of3A_75 = tpu.assume_multiple %add3A_74, 8 : i32
    %dma_start3A_76 = arith.constant 3 : i32
    %dma_start3A_77 = arith.constant 0 : i32
    %dma_start3A_78 = tpu.memref_slice %arg6[%dma_start3A_76, %dma_start3A_77] : memref<8x80xi32, #tpu.memory_space<vmem>> -> memref<1x80xi32, #tpu.memory_space<vmem>>
    %dma_start3A_79 = tpu.memref_squeeze %dma_start3A_78 : memref<1x80xi32, #tpu.memory_space<vmem>> -> memref<80xi32, #tpu.memory_space<vmem>>
    %dma_start3A_80 = tpu.memref_slice %arg3[%multiple_of3A_75] : memref<320000xi32, #tpu.memory_space<hbm>> -> memref<80xi32, #tpu.memory_space<hbm>>
    %dma_start3A_81 = arith.constant 0 : i32
    %dma_start3A_82 = tpu.memref_slice %arg6[%dma_start3A_76, %dma_start3A_81] : memref<8x80xi32, #tpu.memory_space<vmem>> -> memref<1x80xi32, #tpu.memory_space<vmem>>
    %dma_start3A_83 = tpu.memref_squeeze %dma_start3A_82 : memref<1x80xi32, #tpu.memory_space<vmem>> -> memref<80xi32, #tpu.memory_space<vmem>>
    %dma_start3A_84 = tpu.memref_slice %arg3[%multiple_of3A_75] : memref<320000xi32, #tpu.memory_space<hbm>> -> memref<80xi32, #tpu.memory_space<hbm>>
    tpu.enqueue_dma source(%dma_start3A_84 : memref<80xi32, #tpu.memory_space<hbm>>) target(%dma_start3A_83 : memref<80xi32, #tpu.memory_space<vmem>>) target_semaphore(%arg17 : memref<!tpu.dma_semaphore, #tpu.memory_space<semaphore_mem>>)
    %dma_start3A_85 = arith.constant 3 : i32
    %dma_start3A_86 = arith.constant 0 : i32
    %dma_start3A_87 = tpu.memref_slice %arg7[%dma_start3A_85, %dma_start3A_86] : memref<8x80xi32, #tpu.memory_space<vmem>> -> memref<1x80xi32, #tpu.memory_space<vmem>>
    %dma_start3A_88 = tpu.memref_squeeze %dma_start3A_87 : memref<1x80xi32, #tpu.memory_space<vmem>> -> memref<80xi32, #tpu.memory_space<vmem>>
    %dma_start3A_89 = tpu.memref_slice %arg4[%multiple_of3A_75] : memref<320000xi32, #tpu.memory_space<hbm>> -> memref<80xi32, #tpu.memory_space<hbm>>
    %dma_start3A_90 = arith.constant 0 : i32
    %dma_start3A_91 = tpu.memref_slice %arg7[%dma_start3A_85, %dma_start3A_90] : memref<8x80xi32, #tpu.memory_space<vmem>> -> memref<1x80xi32, #tpu.memory_space<vmem>>
    %dma_start3A_92 = tpu.memref_squeeze %dma_start3A_91 : memref<1x80xi32, #tpu.memory_space<vmem>> -> memref<80xi32, #tpu.memory_space<vmem>>
    %dma_start3A_93 = tpu.memref_slice %arg4[%multiple_of3A_75] : memref<320000xi32, #tpu.memory_space<hbm>> -> memref<80xi32, #tpu.memory_space<hbm>>
    tpu.enqueue_dma source(%dma_start3A_93 : memref<80xi32, #tpu.memory_space<hbm>>) target(%dma_start3A_92 : memref<80xi32, #tpu.memory_space<vmem>>) target_semaphore(%arg17 : memref<!tpu.dma_semaphore, #tpu.memory_space<semaphore_mem>>)
    %mul3A_94 = arith.constant 10000 : i32
    %mul3A_95 = arith.muli %add3A, %mul3A_94 : i32
    %add3A_96 = arith.constant 320 : i32
    %add3A_97 = arith.addi %mul3A_95, %add3A_96 : i32
    %multiple_of3A_98 = tpu.assume_multiple %add3A_97, 8 : i32
    %dma_start3A_99 = arith.constant 4 : i32
    %dma_start3A_100 = arith.constant 0 : i32
    %dma_start3A_101 = tpu.memref_slice %arg6[%dma_start3A_99, %dma_start3A_100] : memref<8x80xi32, #tpu.memory_space<vmem>> -> memref<1x80xi32, #tpu.memory_space<vmem>>
    %dma_start3A_102 = tpu.memref_squeeze %dma_start3A_101 : memref<1x80xi32, #tpu.memory_space<vmem>> -> memref<80xi32, #tpu.memory_space<vmem>>
    %dma_start3A_103 = tpu.memref_slice %arg3[%multiple_of3A_98] : memref<320000xi32, #tpu.memory_space<hbm>> -> memref<80xi32, #tpu.memory_space<hbm>>
    %dma_start3A_104 = arith.constant 0 : i32
    %dma_start3A_105 = tpu.memref_slice %arg6[%dma_start3A_99, %dma_start3A_104] : memref<8x80xi32, #tpu.memory_space<vmem>> -> memref<1x80xi32, #tpu.memory_space<vmem>>
    %dma_start3A_106 = tpu.memref_squeeze %dma_start3A_105 : memref<1x80xi32, #tpu.memory_space<vmem>> -> memref<80xi32, #tpu.memory_space<vmem>>
    %dma_start3A_107 = tpu.memref_slice %arg3[%multiple_of3A_98] : memref<320000xi32, #tpu.memory_space<hbm>> -> memref<80xi32, #tpu.memory_space<hbm>>
    tpu.enqueue_dma source(%dma_start3A_107 : memref<80xi32, #tpu.memory_space<hbm>>) target(%dma_start3A_106 : memref<80xi32, #tpu.memory_space<vmem>>) target_semaphore(%arg18 : memref<!tpu.dma_semaphore, #tpu.memory_space<semaphore_mem>>)
    %dma_start3A_108 = arith.constant 4 : i32
    %dma_start3A_109 = arith.constant 0 : i32
    %dma_start3A_110 = tpu.memref_slice %arg7[%dma_start3A_108, %dma_start3A_109] : memref<8x80xi32, #tpu.memory_space<vmem>> -> memref<1x80xi32, #tpu.memory_space<vmem>>
    %dma_start3A_111 = tpu.memref_squeeze %dma_start3A_110 : memref<1x80xi32, #tpu.memory_space<vmem>> -> memref<80xi32, #tpu.memory_space<vmem>>
    %dma_start3A_112 = tpu.memref_slice %arg4[%multiple_of3A_98] : memref<320000xi32, #tpu.memory_space<hbm>> -> memref<80xi32, #tpu.memory_space<hbm>>
    %dma_start3A_113 = arith.constant 0 : i32
    %dma_start3A_114 = tpu.memref_slice %arg7[%dma_start3A_108, %dma_start3A_113] : memref<8x80xi32, #tpu.memory_space<vmem>> -> memref<1x80xi32, #tpu.memory_space<vmem>>
    %dma_start3A_115 = tpu.memref_squeeze %dma_start3A_114 : memref<1x80xi32, #tpu.memory_space<vmem>> -> memref<80xi32, #tpu.memory_space<vmem>>
    %dma_start3A_116 = tpu.memref_slice %arg4[%multiple_of3A_98] : memref<320000xi32, #tpu.memory_space<hbm>> -> memref<80xi32, #tpu.memory_space<hbm>>
    tpu.enqueue_dma source(%dma_start3A_116 : memref<80xi32, #tpu.memory_space<hbm>>) target(%dma_start3A_115 : memref<80xi32, #tpu.memory_space<vmem>>) target_semaphore(%arg18 : memref<!tpu.dma_semaphore, #tpu.memory_space<semaphore_mem>>)
    %mul3A_117 = arith.constant 10000 : i32
    %mul3A_118 = arith.muli %add3A, %mul3A_117 : i32
    %add3A_119 = arith.constant 400 : i32
    %add3A_120 = arith.addi %mul3A_118, %add3A_119 : i32
    %multiple_of3A_121 = tpu.assume_multiple %add3A_120, 8 : i32
    %dma_start3A_122 = arith.constant 5 : i32
    %dma_start3A_123 = arith.constant 0 : i32
    %dma_start3A_124 = tpu.memref_slice %arg6[%dma_start3A_122, %dma_start3A_123] : memref<8x80xi32, #tpu.memory_space<vmem>> -> memref<1x80xi32, #tpu.memory_space<vmem>>
    %dma_start3A_125 = tpu.memref_squeeze %dma_start3A_124 : memref<1x80xi32, #tpu.memory_space<vmem>> -> memref<80xi32, #tpu.memory_space<vmem>>
    %dma_start3A_126 = tpu.memref_slice %arg3[%multiple_of3A_121] : memref<320000xi32, #tpu.memory_space<hbm>> -> memref<80xi32, #tpu.memory_space<hbm>>
    %dma_start3A_127 = arith.constant 0 : i32
    %dma_start3A_128 = tpu.memref_slice %arg6[%dma_start3A_122, %dma_start3A_127] : memref<8x80xi32, #tpu.memory_space<vmem>> -> memref<1x80xi32, #tpu.memory_space<vmem>>
    %dma_start3A_129 = tpu.memref_squeeze %dma_start3A_128 : memref<1x80xi32, #tpu.memory_space<vmem>> -> memref<80xi32, #tpu.memory_space<vmem>>
    %dma_start3A_130 = tpu.memref_slice %arg3[%multiple_of3A_121] : memref<320000xi32, #tpu.memory_space<hbm>> -> memref<80xi32, #tpu.memory_space<hbm>>
    tpu.enqueue_dma source(%dma_start3A_130 : memref<80xi32, #tpu.memory_space<hbm>>) target(%dma_start3A_129 : memref<80xi32, #tpu.memory_space<vmem>>) target_semaphore(%arg19 : memref<!tpu.dma_semaphore, #tpu.memory_space<semaphore_mem>>)
    %dma_start3A_131 = arith.constant 5 : i32
    %dma_start3A_132 = arith.constant 0 : i32
    %dma_start3A_133 = tpu.memref_slice %arg7[%dma_start3A_131, %dma_start3A_132] : memref<8x80xi32, #tpu.memory_space<vmem>> -> memref<1x80xi32, #tpu.memory_space<vmem>>
    %dma_start3A_134 = tpu.memref_squeeze %dma_start3A_133 : memref<1x80xi32, #tpu.memory_space<vmem>> -> memref<80xi32, #tpu.memory_space<vmem>>
    %dma_start3A_135 = tpu.memref_slice %arg4[%multiple_of3A_121] : memref<320000xi32, #tpu.memory_space<hbm>> -> memref<80xi32, #tpu.memory_space<hbm>>
    %dma_start3A_136 = arith.constant 0 : i32
    %dma_start3A_137 = tpu.memref_slice %arg7[%dma_start3A_131, %dma_start3A_136] : memref<8x80xi32, #tpu.memory_space<vmem>> -> memref<1x80xi32, #tpu.memory_space<vmem>>
    %dma_start3A_138 = tpu.memref_squeeze %dma_start3A_137 : memref<1x80xi32, #tpu.memory_space<vmem>> -> memref<80xi32, #tpu.memory_space<vmem>>
    %dma_start3A_139 = tpu.memref_slice %arg4[%multiple_of3A_121] : memref<320000xi32, #tpu.memory_space<hbm>> -> memref<80xi32, #tpu.memory_space<hbm>>
    tpu.enqueue_dma source(%dma_start3A_139 : memref<80xi32, #tpu.memory_space<hbm>>) target(%dma_start3A_138 : memref<80xi32, #tpu.memory_space<vmem>>) target_semaphore(%arg19 : memref<!tpu.dma_semaphore, #tpu.memory_space<semaphore_mem>>)
    "tpu.region"() ({
      %run_scoped3A = tpu.sem_alloc : memref<!tpu.dma_semaphore, #tpu.memory_space<semaphore_mem>>
      %dma_start3A_552 = arith.constant 0 : i32
      %dma_start3A_553 = tpu.memref_slice %arg9[%multiple_of3A, %dma_start3A_552] : memref<10000x128xf32, #tpu.memory_space<vmem_shared>> -> memref<624x128xf32, #tpu.memory_space<vmem_shared>>
      %dma_start3A_554 = arith.constant 0 : i32
      %dma_start3A_555 = tpu.memref_slice %arg2[%multiple_of3A, %dma_start3A_554] : memref<10000x128xf32, #tpu.memory_space<hbm>> -> memref<624x128xf32, #tpu.memory_space<hbm>>
      tpu.enqueue_dma source(%dma_start3A_555 : memref<624x128xf32, #tpu.memory_space<hbm>>) target(%dma_start3A_553 : memref<624x128xf32, #tpu.memory_space<vmem_shared>>) target_semaphore(%run_scoped3A : memref<!tpu.dma_semaphore, #tpu.memory_space<semaphore_mem>>)
      %dma_wait3A_556 = arith.constant 0 : i32
      %dma_wait3A_557 = tpu.memref_slice %arg9[%multiple_of3A, %dma_wait3A_556] : memref<10000x128xf32, #tpu.memory_space<vmem_shared>> -> memref<624x128xf32, #tpu.memory_space<vmem_shared>>
      %dma_wait3A_558 = arith.constant 0 : i32
      %dma_wait3A_559 = tpu.memref_slice %arg2[%multiple_of3A, %dma_wait3A_558] : memref<10000x128xf32, #tpu.memory_space<hbm>> -> memref<624x128xf32, #tpu.memory_space<hbm>>
      tpu.wait_dma2 semaphore(%run_scoped3A : memref<!tpu.dma_semaphore, #tpu.memory_space<semaphore_mem>>) src(%dma_wait3A_559 : memref<624x128xf32, #tpu.memory_space<hbm>>) dst(%dma_wait3A_557 : memref<624x128xf32, #tpu.memory_space<vmem_shared>>)
      tpu.yield
    }) : () -> ()
    %eq3A = arith.constant 0 : i32
    %eq3A_140 = arith.cmpi eq, %arg1, %eq3A : i32
    %convert_element_type3A = arith.extui %eq3A_140 : i1 to i32
    %cond3A = arith.constant 0 : i32
    %cond3A_141 = arith.cmpi ne, %convert_element_type3A, %cond3A : i32
    scf.if %cond3A_141 {
      "tpu.region"() ({
        %run_scoped3A = tpu.sem_alloc : memref<!tpu.dma_semaphore, #tpu.memory_space<semaphore_mem>>
        %dma_start3A_552 = arith.constant 9984 : i32
        %dma_start3A_553 = arith.constant 0 : i32
        %dma_start3A_554 = tpu.memref_slice %arg9[%dma_start3A_552, %dma_start3A_553] : memref<10000x128xf32, #tpu.memory_space<vmem_shared>> -> memref<16x128xf32, #tpu.memory_space<vmem_shared>>
        %dma_start3A_555 = arith.constant 9984 : i32
        %dma_start3A_556 = arith.constant 0 : i32
        %dma_start3A_557 = tpu.memref_slice %arg2[%dma_start3A_555, %dma_start3A_556] : memref<10000x128xf32, #tpu.memory_space<hbm>> -> memref<16x128xf32, #tpu.memory_space<hbm>>
        tpu.enqueue_dma source(%dma_start3A_557 : memref<16x128xf32, #tpu.memory_space<hbm>>) target(%dma_start3A_554 : memref<16x128xf32, #tpu.memory_space<vmem_shared>>) target_semaphore(%run_scoped3A : memref<!tpu.dma_semaphore, #tpu.memory_space<semaphore_mem>>)
        %dma_wait3A_558 = arith.constant 9984 : i32
        %dma_wait3A_559 = arith.constant 0 : i32
        %dma_wait3A_560 = tpu.memref_slice %arg9[%dma_wait3A_558, %dma_wait3A_559] : memref<10000x128xf32, #tpu.memory_space<vmem_shared>> -> memref<16x128xf32, #tpu.memory_space<vmem_shared>>
        %dma_wait3A_561 = arith.constant 9984 : i32
        %dma_wait3A_562 = arith.constant 0 : i32
        %dma_wait3A_563 = tpu.memref_slice %arg2[%dma_wait3A_561, %dma_wait3A_562] : memref<10000x128xf32, #tpu.memory_space<hbm>> -> memref<16x128xf32, #tpu.memory_space<hbm>>
        tpu.wait_dma2 semaphore(%run_scoped3A : memref<!tpu.dma_semaphore, #tpu.memory_space<semaphore_mem>>) src(%dma_wait3A_563 : memref<16x128xf32, #tpu.memory_space<hbm>>) dst(%dma_wait3A_560 : memref<16x128xf32, #tpu.memory_space<vmem_shared>>)
        tpu.yield
      }) : () -> ()
    } else {
    }
    %barrier3A = arith.constant 0 : index
    tpu.barrier barrier_id(%barrier3A)
    %mul3A_142 = arith.constant 10000 : i32
    %mul3A_143 = arith.muli %add3A, %mul3A_142 : i32
    %add3A_144 = arith.constant 0 : i32
    %add3A_145 = arith.addi %mul3A_143, %add3A_144 : i32
    %multiple_of3A_146 = tpu.assume_multiple %add3A_145, 8 : i32
    %dma_wait3A = arith.constant 0 : i32
    %dma_wait3A_147 = arith.constant 0 : i32
    %dma_wait3A_148 = tpu.memref_slice %arg6[%dma_wait3A, %dma_wait3A_147] : memref<8x80xi32, #tpu.memory_space<vmem>> -> memref<1x80xi32, #tpu.memory_space<vmem>>
    %dma_wait3A_149 = tpu.memref_squeeze %dma_wait3A_148 : memref<1x80xi32, #tpu.memory_space<vmem>> -> memref<80xi32, #tpu.memory_space<vmem>>
    %dma_wait3A_150 = tpu.memref_slice %arg3[%multiple_of3A_146] : memref<320000xi32, #tpu.memory_space<hbm>> -> memref<80xi32, #tpu.memory_space<hbm>>
    %dma_wait3A_151 = arith.constant 0 : i32
    %dma_wait3A_152 = tpu.memref_slice %arg6[%dma_wait3A, %dma_wait3A_151] : memref<8x80xi32, #tpu.memory_space<vmem>> -> memref<1x80xi32, #tpu.memory_space<vmem>>
    %dma_wait3A_153 = tpu.memref_squeeze %dma_wait3A_152 : memref<1x80xi32, #tpu.memory_space<vmem>> -> memref<80xi32, #tpu.memory_space<vmem>>
    %dma_wait3A_154 = tpu.memref_slice %arg3[%multiple_of3A_146] : memref<320000xi32, #tpu.memory_space<hbm>> -> memref<80xi32, #tpu.memory_space<hbm>>
    tpu.wait_dma2 semaphore(%arg14 : memref<!tpu.dma_semaphore, #tpu.memory_space<semaphore_mem>>) src(%dma_wait3A_154 : memref<80xi32, #tpu.memory_space<hbm>>) dst(%dma_wait3A_153 : memref<80xi32, #tpu.memory_space<vmem>>)
    %dma_wait3A_155 = arith.constant 0 : i32
    %dma_wait3A_156 = arith.constant 0 : i32
    %dma_wait3A_157 = tpu.memref_slice %arg7[%dma_wait3A_155, %dma_wait3A_156] : memref<8x80xi32, #tpu.memory_space<vmem>> -> memref<1x80xi32, #tpu.memory_space<vmem>>
    %dma_wait3A_158 = tpu.memref_squeeze %dma_wait3A_157 : memref<1x80xi32, #tpu.memory_space<vmem>> -> memref<80xi32, #tpu.memory_space<vmem>>
    %dma_wait3A_159 = tpu.memref_slice %arg4[%multiple_of3A_146] : memref<320000xi32, #tpu.memory_space<hbm>> -> memref<80xi32, #tpu.memory_space<hbm>>
    %dma_wait3A_160 = arith.constant 0 : i32
    %dma_wait3A_161 = tpu.memref_slice %arg7[%dma_wait3A_155, %dma_wait3A_160] : memref<8x80xi32, #tpu.memory_space<vmem>> -> memref<1x80xi32, #tpu.memory_space<vmem>>
    %dma_wait3A_162 = tpu.memref_squeeze %dma_wait3A_161 : memref<1x80xi32, #tpu.memory_space<vmem>> -> memref<80xi32, #tpu.memory_space<vmem>>
    %dma_wait3A_163 = tpu.memref_slice %arg4[%multiple_of3A_146] : memref<320000xi32, #tpu.memory_space<hbm>> -> memref<80xi32, #tpu.memory_space<hbm>>
    tpu.wait_dma2 semaphore(%arg14 : memref<!tpu.dma_semaphore, #tpu.memory_space<semaphore_mem>>) src(%dma_wait3A_163 : memref<80xi32, #tpu.memory_space<hbm>>) dst(%dma_wait3A_162 : memref<80xi32, #tpu.memory_space<vmem>>)
    %dma_start3A_164 = arith.constant 0 : i32
    %dma_start3A_165 = arith.constant 0 : i32
    %dma_start3A_166 = arith.constant 0 : i32
    %dma_start3A_167 = arith.constant 0 : i32
    %dma_start3A_168 = tpu.memref_slice %arg8[%dma_start3A_165, %dma_start3A_166, %dma_start3A_167] : memref<4x80x128xf32, #tpu.memory_space<vmem>> -> memref<1x80x128xf32, #tpu.memory_space<vmem>>
    %dma_start3A_169 = tpu.memref_squeeze %dma_start3A_168 : memref<1x80x128xf32, #tpu.memory_space<vmem>> -> memref<80x128xf32, #tpu.memory_space<vmem>>
    %dma_start3A_170 = arith.constant 0 : i32
    %dma_start3A_171 = tpu.memref_slice %arg6[%dma_start3A_164, %dma_start3A_170] : memref<8x80xi32, #tpu.memory_space<vmem>> -> memref<1x80xi32, #tpu.memory_space<vmem>>
    %dma_start3A_172 = tpu.memref_squeeze %dma_start3A_171 : memref<1x80xi32, #tpu.memory_space<vmem>> -> memref<80xi32, #tpu.memory_space<vmem>>
    %dma_start3A_173 = arith.constant 0 : i32
    %dma_start3A_174 = arith.constant 0 : i32
    %dma_start3A_175 = tpu.memref_slice %arg2[%dma_start3A_173, %dma_start3A_174] : memref<10000x128xf32, #tpu.memory_space<hbm>> -> memref<10000x128xf32, #tpu.memory_space<hbm>>
    tpu.enqueue_indirect_dma source(%dma_start3A_175 : memref<10000x128xf32, #tpu.memory_space<hbm>>) target(%dma_start3A_169 : memref<80x128xf32, #tpu.memory_space<vmem>>) offsets(%dma_start3A_172 : memref<80xi32, #tpu.memory_space<vmem>>) semaphore(%arg10 : memref<!tpu.dma_semaphore, #tpu.memory_space<semaphore_mem>>)
    %mul3A_176 = arith.constant 10000 : i32
    %mul3A_177 = arith.muli %add3A, %mul3A_176 : i32
    %add3A_178 = arith.constant 80 : i32
    %add3A_179 = arith.addi %mul3A_177, %add3A_178 : i32
    %multiple_of3A_180 = tpu.assume_multiple %add3A_179, 8 : i32
    %dma_wait3A_181 = arith.constant 1 : i32
    %dma_wait3A_182 = arith.constant 0 : i32
    %dma_wait3A_183 = tpu.memref_slice %arg6[%dma_wait3A_181, %dma_wait3A_182] : memref<8x80xi32, #tpu.memory_space<vmem>> -> memref<1x80xi32, #tpu.memory_space<vmem>>
    %dma_wait3A_184 = tpu.memref_squeeze %dma_wait3A_183 : memref<1x80xi32, #tpu.memory_space<vmem>> -> memref<80xi32, #tpu.memory_space<vmem>>
    %dma_wait3A_185 = tpu.memref_slice %arg3[%multiple_of3A_180] : memref<320000xi32, #tpu.memory_space<hbm>> -> memref<80xi32, #tpu.memory_space<hbm>>
    %dma_wait3A_186 = arith.constant 0 : i32
    %dma_wait3A_187 = tpu.memref_slice %arg6[%dma_wait3A_181, %dma_wait3A_186] : memref<8x80xi32, #tpu.memory_space<vmem>> -> memref<1x80xi32, #tpu.memory_space<vmem>>
    %dma_wait3A_188 = tpu.memref_squeeze %dma_wait3A_187 : memref<1x80xi32, #tpu.memory_space<vmem>> -> memref<80xi32, #tpu.memory_space<vmem>>
    %dma_wait3A_189 = tpu.memref_slice %arg3[%multiple_of3A_180] : memref<320000xi32, #tpu.memory_space<hbm>> -> memref<80xi32, #tpu.memory_space<hbm>>
    tpu.wait_dma2 semaphore(%arg15 : memref<!tpu.dma_semaphore, #tpu.memory_space<semaphore_mem>>) src(%dma_wait3A_189 : memref<80xi32, #tpu.memory_space<hbm>>) dst(%dma_wait3A_188 : memref<80xi32, #tpu.memory_space<vmem>>)
    %dma_wait3A_190 = arith.constant 1 : i32
    %dma_wait3A_191 = arith.constant 0 : i32
    %dma_wait3A_192 = tpu.memref_slice %arg7[%dma_wait3A_190, %dma_wait3A_191] : memref<8x80xi32, #tpu.memory_space<vmem>> -> memref<1x80xi32, #tpu.memory_space<vmem>>
    %dma_wait3A_193 = tpu.memref_squeeze %dma_wait3A_192 : memref<1x80xi32, #tpu.memory_space<vmem>> -> memref<80xi32, #tpu.memory_space<vmem>>
    %dma_wait3A_194 = tpu.memref_slice %arg4[%multiple_of3A_180] : memref<320000xi32, #tpu.memory_space<hbm>> -> memref<80xi32, #tpu.memory_space<hbm>>
    %dma_wait3A_195 = arith.constant 0 : i32
    %dma_wait3A_196 = tpu.memref_slice %arg7[%dma_wait3A_190, %dma_wait3A_195] : memref<8x80xi32, #tpu.memory_space<vmem>> -> memref<1x80xi32, #tpu.memory_space<vmem>>
    %dma_wait3A_197 = tpu.memref_squeeze %dma_wait3A_196 : memref<1x80xi32, #tpu.memory_space<vmem>> -> memref<80xi32, #tpu.memory_space<vmem>>
    %dma_wait3A_198 = tpu.memref_slice %arg4[%multiple_of3A_180] : memref<320000xi32, #tpu.memory_space<hbm>> -> memref<80xi32, #tpu.memory_space<hbm>>
    tpu.wait_dma2 semaphore(%arg15 : memref<!tpu.dma_semaphore, #tpu.memory_space<semaphore_mem>>) src(%dma_wait3A_198 : memref<80xi32, #tpu.memory_space<hbm>>) dst(%dma_wait3A_197 : memref<80xi32, #tpu.memory_space<vmem>>)
    %dma_start3A_199 = arith.constant 1 : i32
    %dma_start3A_200 = arith.constant 1 : i32
    %dma_start3A_201 = arith.constant 0 : i32
    %dma_start3A_202 = arith.constant 0 : i32
    %dma_start3A_203 = tpu.memref_slice %arg8[%dma_start3A_200, %dma_start3A_201, %dma_start3A_202] : memref<4x80x128xf32, #tpu.memory_space<vmem>> -> memref<1x80x128xf32, #tpu.memory_space<vmem>>
    %dma_start3A_204 = tpu.memref_squeeze %dma_start3A_203 : memref<1x80x128xf32, #tpu.memory_space<vmem>> -> memref<80x128xf32, #tpu.memory_space<vmem>>
    %dma_start3A_205 = arith.constant 0 : i32
    %dma_start3A_206 = tpu.memref_slice %arg6[%dma_start3A_199, %dma_start3A_205] : memref<8x80xi32, #tpu.memory_space<vmem>> -> memref<1x80xi32, #tpu.memory_space<vmem>>
    %dma_start3A_207 = tpu.memref_squeeze %dma_start3A_206 : memref<1x80xi32, #tpu.memory_space<vmem>> -> memref<80xi32, #tpu.memory_space<vmem>>
    %dma_start3A_208 = arith.constant 0 : i32
    %dma_start3A_209 = arith.constant 0 : i32
    %dma_start3A_210 = tpu.memref_slice %arg2[%dma_start3A_208, %dma_start3A_209] : memref<10000x128xf32, #tpu.memory_space<hbm>> -> memref<10000x128xf32, #tpu.memory_space<hbm>>
    tpu.enqueue_indirect_dma source(%dma_start3A_210 : memref<10000x128xf32, #tpu.memory_space<hbm>>) target(%dma_start3A_204 : memref<80x128xf32, #tpu.memory_space<vmem>>) offsets(%dma_start3A_207 : memref<80xi32, #tpu.memory_space<vmem>>) semaphore(%arg11 : memref<!tpu.dma_semaphore, #tpu.memory_space<semaphore_mem>>)
    %mul3A_211 = arith.constant 10000 : i32
    %mul3A_212 = arith.muli %add3A, %mul3A_211 : i32
    %add3A_213 = arith.constant 160 : i32
    %add3A_214 = arith.addi %mul3A_212, %add3A_213 : i32
    %multiple_of3A_215 = tpu.assume_multiple %add3A_214, 8 : i32
    %dma_wait3A_216 = arith.constant 2 : i32
    %dma_wait3A_217 = arith.constant 0 : i32
    %dma_wait3A_218 = tpu.memref_slice %arg6[%dma_wait3A_216, %dma_wait3A_217] : memref<8x80xi32, #tpu.memory_space<vmem>> -> memref<1x80xi32, #tpu.memory_space<vmem>>
    %dma_wait3A_219 = tpu.memref_squeeze %dma_wait3A_218 : memref<1x80xi32, #tpu.memory_space<vmem>> -> memref<80xi32, #tpu.memory_space<vmem>>
    %dma_wait3A_220 = tpu.memref_slice %arg3[%multiple_of3A_215] : memref<320000xi32, #tpu.memory_space<hbm>> -> memref<80xi32, #tpu.memory_space<hbm>>
    %dma_wait3A_221 = arith.constant 0 : i32
    %dma_wait3A_222 = tpu.memref_slice %arg6[%dma_wait3A_216, %dma_wait3A_221] : memref<8x80xi32, #tpu.memory_space<vmem>> -> memref<1x80xi32, #tpu.memory_space<vmem>>
    %dma_wait3A_223 = tpu.memref_squeeze %dma_wait3A_222 : memref<1x80xi32, #tpu.memory_space<vmem>> -> memref<80xi32, #tpu.memory_space<vmem>>
    %dma_wait3A_224 = tpu.memref_slice %arg3[%multiple_of3A_215] : memref<320000xi32, #tpu.memory_space<hbm>> -> memref<80xi32, #tpu.memory_space<hbm>>
    tpu.wait_dma2 semaphore(%arg16 : memref<!tpu.dma_semaphore, #tpu.memory_space<semaphore_mem>>) src(%dma_wait3A_224 : memref<80xi32, #tpu.memory_space<hbm>>) dst(%dma_wait3A_223 : memref<80xi32, #tpu.memory_space<vmem>>)
    %dma_wait3A_225 = arith.constant 2 : i32
    %dma_wait3A_226 = arith.constant 0 : i32
    %dma_wait3A_227 = tpu.memref_slice %arg7[%dma_wait3A_225, %dma_wait3A_226] : memref<8x80xi32, #tpu.memory_space<vmem>> -> memref<1x80xi32, #tpu.memory_space<vmem>>
    %dma_wait3A_228 = tpu.memref_squeeze %dma_wait3A_227 : memref<1x80xi32, #tpu.memory_space<vmem>> -> memref<80xi32, #tpu.memory_space<vmem>>
    %dma_wait3A_229 = tpu.memref_slice %arg4[%multiple_of3A_215] : memref<320000xi32, #tpu.memory_space<hbm>> -> memref<80xi32, #tpu.memory_space<hbm>>
    %dma_wait3A_230 = arith.constant 0 : i32
    %dma_wait3A_231 = tpu.memref_slice %arg7[%dma_wait3A_225, %dma_wait3A_230] : memref<8x80xi32, #tpu.memory_space<vmem>> -> memref<1x80xi32, #tpu.memory_space<vmem>>
    %dma_wait3A_232 = tpu.memref_squeeze %dma_wait3A_231 : memref<1x80xi32, #tpu.memory_space<vmem>> -> memref<80xi32, #tpu.memory_space<vmem>>
    %dma_wait3A_233 = tpu.memref_slice %arg4[%multiple_of3A_215] : memref<320000xi32, #tpu.memory_space<hbm>> -> memref<80xi32, #tpu.memory_space<hbm>>
    tpu.wait_dma2 semaphore(%arg16 : memref<!tpu.dma_semaphore, #tpu.memory_space<semaphore_mem>>) src(%dma_wait3A_233 : memref<80xi32, #tpu.memory_space<hbm>>) dst(%dma_wait3A_232 : memref<80xi32, #tpu.memory_space<vmem>>)
    %dma_start3A_234 = arith.constant 2 : i32
    %dma_start3A_235 = arith.constant 2 : i32
    %dma_start3A_236 = arith.constant 0 : i32
    %dma_start3A_237 = arith.constant 0 : i32
    %dma_start3A_238 = tpu.memref_slice %arg8[%dma_start3A_235, %dma_start3A_236, %dma_start3A_237] : memref<4x80x128xf32, #tpu.memory_space<vmem>> -> memref<1x80x128xf32, #tpu.memory_space<vmem>>
    %dma_start3A_239 = tpu.memref_squeeze %dma_start3A_238 : memref<1x80x128xf32, #tpu.memory_space<vmem>> -> memref<80x128xf32, #tpu.memory_space<vmem>>
    %dma_start3A_240 = arith.constant 0 : i32
    %dma_start3A_241 = tpu.memref_slice %arg6[%dma_start3A_234, %dma_start3A_240] : memref<8x80xi32, #tpu.memory_space<vmem>> -> memref<1x80xi32, #tpu.memory_space<vmem>>
    %dma_start3A_242 = tpu.memref_squeeze %dma_start3A_241 : memref<1x80xi32, #tpu.memory_space<vmem>> -> memref<80xi32, #tpu.memory_space<vmem>>
    %dma_start3A_243 = arith.constant 0 : i32
    %dma_start3A_244 = arith.constant 0 : i32
    %dma_start3A_245 = tpu.memref_slice %arg2[%dma_start3A_243, %dma_start3A_244] : memref<10000x128xf32, #tpu.memory_space<hbm>> -> memref<10000x128xf32, #tpu.memory_space<hbm>>
    tpu.enqueue_indirect_dma source(%dma_start3A_245 : memref<10000x128xf32, #tpu.memory_space<hbm>>) target(%dma_start3A_239 : memref<80x128xf32, #tpu.memory_space<vmem>>) offsets(%dma_start3A_242 : memref<80xi32, #tpu.memory_space<vmem>>) semaphore(%arg12 : memref<!tpu.dma_semaphore, #tpu.memory_space<semaphore_mem>>)
    %dma_wait3A_246 = arith.constant 0 : i32
    %dma_wait3A_247 = arith.constant 0 : i32
    %dma_wait3A_248 = arith.constant 0 : i32
    %dma_wait3A_249 = arith.constant 0 : i32
    %dma_wait3A_250 = tpu.memref_slice %arg8[%dma_wait3A_247, %dma_wait3A_248, %dma_wait3A_249] : memref<4x80x128xf32, #tpu.memory_space<vmem>> -> memref<1x80x128xf32, #tpu.memory_space<vmem>>
    %dma_wait3A_251 = tpu.memref_squeeze %dma_wait3A_250 : memref<1x80x128xf32, #tpu.memory_space<vmem>> -> memref<80x128xf32, #tpu.memory_space<vmem>>
    %dma_wait3A_252 = arith.constant 0 : i32
    %dma_wait3A_253 = tpu.memref_slice %arg6[%dma_wait3A_246, %dma_wait3A_252] : memref<8x80xi32, #tpu.memory_space<vmem>> -> memref<1x80xi32, #tpu.memory_space<vmem>>
    %dma_wait3A_254 = tpu.memref_squeeze %dma_wait3A_253 : memref<1x80xi32, #tpu.memory_space<vmem>> -> memref<80xi32, #tpu.memory_space<vmem>>
    %dma_wait3A_255 = arith.constant 0 : i32
    %dma_wait3A_256 = arith.constant 0 : i32
    %dma_wait3A_257 = tpu.memref_slice %arg2[%dma_wait3A_255, %dma_wait3A_256] : memref<10000x128xf32, #tpu.memory_space<hbm>> -> memref<10000x128xf32, #tpu.memory_space<hbm>>
    tpu.wait_indirect_dma semaphore(%arg10 : memref<!tpu.dma_semaphore, #tpu.memory_space<semaphore_mem>>) src(%dma_wait3A_257 : memref<10000x128xf32, #tpu.memory_space<hbm>>) dst(%dma_wait3A_251 : memref<80x128xf32, #tpu.memory_space<vmem>>)
    %dma_start3A_258 = arith.constant 0 : i32
    %dma_start3A_259 = arith.constant 0 : i32
    %dma_start3A_260 = arith.constant 0 : i32
    %dma_start3A_261 = arith.constant 0 : i32
    %dma_start3A_262 = tpu.memref_slice %arg8[%dma_start3A_258, %dma_start3A_260, %dma_start3A_261] : memref<4x80x128xf32, #tpu.memory_space<vmem>> -> memref<1x80x128xf32, #tpu.memory_space<vmem>>
    %dma_start3A_263 = tpu.memref_squeeze %dma_start3A_262 : memref<1x80x128xf32, #tpu.memory_space<vmem>> -> memref<80x128xf32, #tpu.memory_space<vmem>>
    %dma_start3A_264 = arith.constant 0 : i32
    %dma_start3A_265 = tpu.memref_slice %arg7[%dma_start3A_259, %dma_start3A_264] : memref<8x80xi32, #tpu.memory_space<vmem>> -> memref<1x80xi32, #tpu.memory_space<vmem>>
    %dma_start3A_266 = tpu.memref_squeeze %dma_start3A_265 : memref<1x80xi32, #tpu.memory_space<vmem>> -> memref<80xi32, #tpu.memory_space<vmem>>
    %dma_start3A_267 = arith.constant 0 : i32
    %dma_start3A_268 = arith.constant 0 : i32
    %dma_start3A_269 = tpu.memref_slice %arg9[%dma_start3A_267, %dma_start3A_268] : memref<10000x128xf32, #tpu.memory_space<vmem_shared>> -> memref<10000x128xf32, #tpu.memory_space<vmem_shared>>
    tpu.enqueue_indirect_dma source(%dma_start3A_263 : memref<80x128xf32, #tpu.memory_space<vmem>>) target(%dma_start3A_269 : memref<10000x128xf32, #tpu.memory_space<vmem_shared>>) offsets(%dma_start3A_266 : memref<80xi32, #tpu.memory_space<vmem>>) semaphore(%arg22 : memref<!tpu.dma_semaphore, #tpu.memory_space<semaphore_mem>>) {add = true}
    %mul3A_270 = arith.constant 10000 : i32
    %mul3A_271 = arith.muli %add3A, %mul3A_270 : i32
    %add3A_272 = arith.constant 480 : i32
    %add3A_273 = arith.addi %mul3A_271, %add3A_272 : i32
    %multiple_of3A_274 = tpu.assume_multiple %add3A_273, 8 : i32
    %dma_start3A_275 = arith.constant 6 : i32
    %dma_start3A_276 = arith.constant 0 : i32
    %dma_start3A_277 = tpu.memref_slice %arg6[%dma_start3A_275, %dma_start3A_276] : memref<8x80xi32, #tpu.memory_space<vmem>> -> memref<1x80xi32, #tpu.memory_space<vmem>>
    %dma_start3A_278 = tpu.memref_squeeze %dma_start3A_277 : memref<1x80xi32, #tpu.memory_space<vmem>> -> memref<80xi32, #tpu.memory_space<vmem>>
    %dma_start3A_279 = tpu.memref_slice %arg3[%multiple_of3A_274] : memref<320000xi32, #tpu.memory_space<hbm>> -> memref<80xi32, #tpu.memory_space<hbm>>
    %dma_start3A_280 = arith.constant 0 : i32
    %dma_start3A_281 = tpu.memref_slice %arg6[%dma_start3A_275, %dma_start3A_280] : memref<8x80xi32, #tpu.memory_space<vmem>> -> memref<1x80xi32, #tpu.memory_space<vmem>>
    %dma_start3A_282 = tpu.memref_squeeze %dma_start3A_281 : memref<1x80xi32, #tpu.memory_space<vmem>> -> memref<80xi32, #tpu.memory_space<vmem>>
    %dma_start3A_283 = tpu.memref_slice %arg3[%multiple_of3A_274] : memref<320000xi32, #tpu.memory_space<hbm>> -> memref<80xi32, #tpu.memory_space<hbm>>
    tpu.enqueue_dma source(%dma_start3A_283 : memref<80xi32, #tpu.memory_space<hbm>>) target(%dma_start3A_282 : memref<80xi32, #tpu.memory_space<vmem>>) target_semaphore(%arg20 : memref<!tpu.dma_semaphore, #tpu.memory_space<semaphore_mem>>)
    %dma_start3A_284 = arith.constant 6 : i32
    %dma_start3A_285 = arith.constant 0 : i32
    %dma_start3A_286 = tpu.memref_slice %arg7[%dma_start3A_284, %dma_start3A_285] : memref<8x80xi32, #tpu.memory_space<vmem>> -> memref<1x80xi32, #tpu.memory_space<vmem>>
    %dma_start3A_287 = tpu.memref_squeeze %dma_start3A_286 : memref<1x80xi32, #tpu.memory_space<vmem>> -> memref<80xi32, #tpu.memory_space<vmem>>
    %dma_start3A_288 = tpu.memref_slice %arg4[%multiple_of3A_274] : memref<320000xi32, #tpu.memory_space<hbm>> -> memref<80xi32, #tpu.memory_space<hbm>>
    %dma_start3A_289 = arith.constant 0 : i32
    %dma_start3A_290 = tpu.memref_slice %arg7[%dma_start3A_284, %dma_start3A_289] : memref<8x80xi32, #tpu.memory_space<vmem>> -> memref<1x80xi32, #tpu.memory_space<vmem>>
    %dma_start3A_291 = tpu.memref_squeeze %dma_start3A_290 : memref<1x80xi32, #tpu.memory_space<vmem>> -> memref<80xi32, #tpu.memory_space<vmem>>
    %dma_start3A_292 = tpu.memref_slice %arg4[%multiple_of3A_274] : memref<320000xi32, #tpu.memory_space<hbm>> -> memref<80xi32, #tpu.memory_space<hbm>>
    tpu.enqueue_dma source(%dma_start3A_292 : memref<80xi32, #tpu.memory_space<hbm>>) target(%dma_start3A_291 : memref<80xi32, #tpu.memory_space<vmem>>) target_semaphore(%arg20 : memref<!tpu.dma_semaphore, #tpu.memory_space<semaphore_mem>>)
    %mul3A_293 = arith.constant 10000 : i32
    %mul3A_294 = arith.muli %add3A, %mul3A_293 : i32
    %add3A_295 = arith.constant 240 : i32
    %add3A_296 = arith.addi %mul3A_294, %add3A_295 : i32
    %multiple_of3A_297 = tpu.assume_multiple %add3A_296, 8 : i32
    %dma_wait3A_298 = arith.constant 3 : i32
    %dma_wait3A_299 = arith.constant 0 : i32
    %dma_wait3A_300 = tpu.memref_slice %arg6[%dma_wait3A_298, %dma_wait3A_299] : memref<8x80xi32, #tpu.memory_space<vmem>> -> memref<1x80xi32, #tpu.memory_space<vmem>>
    %dma_wait3A_301 = tpu.memref_squeeze %dma_wait3A_300 : memref<1x80xi32, #tpu.memory_space<vmem>> -> memref<80xi32, #tpu.memory_space<vmem>>
    %dma_wait3A_302 = tpu.memref_slice %arg3[%multiple_of3A_297] : memref<320000xi32, #tpu.memory_space<hbm>> -> memref<80xi32, #tpu.memory_space<hbm>>
    %dma_wait3A_303 = arith.constant 0 : i32
    %dma_wait3A_304 = tpu.memref_slice %arg6[%dma_wait3A_298, %dma_wait3A_303] : memref<8x80xi32, #tpu.memory_space<vmem>> -> memref<1x80xi32, #tpu.memory_space<vmem>>
    %dma_wait3A_305 = tpu.memref_squeeze %dma_wait3A_304 : memref<1x80xi32, #tpu.memory_space<vmem>> -> memref<80xi32, #tpu.memory_space<vmem>>
    %dma_wait3A_306 = tpu.memref_slice %arg3[%multiple_of3A_297] : memref<320000xi32, #tpu.memory_space<hbm>> -> memref<80xi32, #tpu.memory_space<hbm>>
    tpu.wait_dma2 semaphore(%arg17 : memref<!tpu.dma_semaphore, #tpu.memory_space<semaphore_mem>>) src(%dma_wait3A_306 : memref<80xi32, #tpu.memory_space<hbm>>) dst(%dma_wait3A_305 : memref<80xi32, #tpu.memory_space<vmem>>)
    %dma_wait3A_307 = arith.constant 3 : i32
    %dma_wait3A_308 = arith.constant 0 : i32
    %dma_wait3A_309 = tpu.memref_slice %arg7[%dma_wait3A_307, %dma_wait3A_308] : memref<8x80xi32, #tpu.memory_space<vmem>> -> memref<1x80xi32, #tpu.memory_space<vmem>>
    %dma_wait3A_310 = tpu.memref_squeeze %dma_wait3A_309 : memref<1x80xi32, #tpu.memory_space<vmem>> -> memref<80xi32, #tpu.memory_space<vmem>>
    %dma_wait3A_311 = tpu.memref_slice %arg4[%multiple_of3A_297] : memref<320000xi32, #tpu.memory_space<hbm>> -> memref<80xi32, #tpu.memory_space<hbm>>
    %dma_wait3A_312 = arith.constant 0 : i32
    %dma_wait3A_313 = tpu.memref_slice %arg7[%dma_wait3A_307, %dma_wait3A_312] : memref<8x80xi32, #tpu.memory_space<vmem>> -> memref<1x80xi32, #tpu.memory_space<vmem>>
    %dma_wait3A_314 = tpu.memref_squeeze %dma_wait3A_313 : memref<1x80xi32, #tpu.memory_space<vmem>> -> memref<80xi32, #tpu.memory_space<vmem>>
    %dma_wait3A_315 = tpu.memref_slice %arg4[%multiple_of3A_297] : memref<320000xi32, #tpu.memory_space<hbm>> -> memref<80xi32, #tpu.memory_space<hbm>>
    tpu.wait_dma2 semaphore(%arg17 : memref<!tpu.dma_semaphore, #tpu.memory_space<semaphore_mem>>) src(%dma_wait3A_315 : memref<80xi32, #tpu.memory_space<hbm>>) dst(%dma_wait3A_314 : memref<80xi32, #tpu.memory_space<vmem>>)
    %dma_start3A_316 = arith.constant 3 : i32
    %dma_start3A_317 = arith.constant 3 : i32
    %dma_start3A_318 = arith.constant 0 : i32
    %dma_start3A_319 = arith.constant 0 : i32
    %dma_start3A_320 = tpu.memref_slice %arg8[%dma_start3A_317, %dma_start3A_318, %dma_start3A_319] : memref<4x80x128xf32, #tpu.memory_space<vmem>> -> memref<1x80x128xf32, #tpu.memory_space<vmem>>
    %dma_start3A_321 = tpu.memref_squeeze %dma_start3A_320 : memref<1x80x128xf32, #tpu.memory_space<vmem>> -> memref<80x128xf32, #tpu.memory_space<vmem>>
    %dma_start3A_322 = arith.constant 0 : i32
    %dma_start3A_323 = tpu.memref_slice %arg6[%dma_start3A_316, %dma_start3A_322] : memref<8x80xi32, #tpu.memory_space<vmem>> -> memref<1x80xi32, #tpu.memory_space<vmem>>
    %dma_start3A_324 = tpu.memref_squeeze %dma_start3A_323 : memref<1x80xi32, #tpu.memory_space<vmem>> -> memref<80xi32, #tpu.memory_space<vmem>>
    %dma_start3A_325 = arith.constant 0 : i32
    %dma_start3A_326 = arith.constant 0 : i32
    %dma_start3A_327 = tpu.memref_slice %arg2[%dma_start3A_325, %dma_start3A_326] : memref<10000x128xf32, #tpu.memory_space<hbm>> -> memref<10000x128xf32, #tpu.memory_space<hbm>>
    tpu.enqueue_indirect_dma source(%dma_start3A_327 : memref<10000x128xf32, #tpu.memory_space<hbm>>) target(%dma_start3A_321 : memref<80x128xf32, #tpu.memory_space<vmem>>) offsets(%dma_start3A_324 : memref<80xi32, #tpu.memory_space<vmem>>) semaphore(%arg13 : memref<!tpu.dma_semaphore, #tpu.memory_space<semaphore_mem>>)
    %dma_wait3A_328 = arith.constant 1 : i32
    %dma_wait3A_329 = arith.constant 1 : i32
    %dma_wait3A_330 = arith.constant 0 : i32
    %dma_wait3A_331 = arith.constant 0 : i32
    %dma_wait3A_332 = tpu.memref_slice %arg8[%dma_wait3A_329, %dma_wait3A_330, %dma_wait3A_331] : memref<4x80x128xf32, #tpu.memory_space<vmem>> -> memref<1x80x128xf32, #tpu.memory_space<vmem>>
    %dma_wait3A_333 = tpu.memref_squeeze %dma_wait3A_332 : memref<1x80x128xf32, #tpu.memory_space<vmem>> -> memref<80x128xf32, #tpu.memory_space<vmem>>
    %dma_wait3A_334 = arith.constant 0 : i32
    %dma_wait3A_335 = tpu.memref_slice %arg6[%dma_wait3A_328, %dma_wait3A_334] : memref<8x80xi32, #tpu.memory_space<vmem>> -> memref<1x80xi32, #tpu.memory_space<vmem>>
    %dma_wait3A_336 = tpu.memref_squeeze %dma_wait3A_335 : memref<1x80xi32, #tpu.memory_space<vmem>> -> memref<80xi32, #tpu.memory_space<vmem>>
    %dma_wait3A_337 = arith.constant 0 : i32
    %dma_wait3A_338 = arith.constant 0 : i32
    %dma_wait3A_339 = tpu.memref_slice %arg2[%dma_wait3A_337, %dma_wait3A_338] : memref<10000x128xf32, #tpu.memory_space<hbm>> -> memref<10000x128xf32, #tpu.memory_space<hbm>>
    tpu.wait_indirect_dma semaphore(%arg11 : memref<!tpu.dma_semaphore, #tpu.memory_space<semaphore_mem>>) src(%dma_wait3A_339 : memref<10000x128xf32, #tpu.memory_space<hbm>>) dst(%dma_wait3A_333 : memref<80x128xf32, #tpu.memory_space<vmem>>)
    %dma_start3A_340 = arith.constant 1 : i32
    %dma_start3A_341 = arith.constant 1 : i32
    %dma_start3A_342 = arith.constant 0 : i32
    %dma_start3A_343 = arith.constant 0 : i32
    %dma_start3A_344 = tpu.memref_slice %arg8[%dma_start3A_340, %dma_start3A_342, %dma_start3A_343] : memref<4x80x128xf32, #tpu.memory_space<vmem>> -> memref<1x80x128xf32, #tpu.memory_space<vmem>>
    %dma_start3A_345 = tpu.memref_squeeze %dma_start3A_344 : memref<1x80x128xf32, #tpu.memory_space<vmem>> -> memref<80x128xf32, #tpu.memory_space<vmem>>
    %dma_start3A_346 = arith.constant 0 : i32
    %dma_start3A_347 = tpu.memref_slice %arg7[%dma_start3A_341, %dma_start3A_346] : memref<8x80xi32, #tpu.memory_space<vmem>> -> memref<1x80xi32, #tpu.memory_space<vmem>>
    %dma_start3A_348 = tpu.memref_squeeze %dma_start3A_347 : memref<1x80xi32, #tpu.memory_space<vmem>> -> memref<80xi32, #tpu.memory_space<vmem>>
    %dma_start3A_349 = arith.constant 0 : i32
    %dma_start3A_350 = arith.constant 0 : i32
    %dma_start3A_351 = tpu.memref_slice %arg9[%dma_start3A_349, %dma_start3A_350] : memref<10000x128xf32, #tpu.memory_space<vmem_shared>> -> memref<10000x128xf32, #tpu.memory_space<vmem_shared>>
    tpu.enqueue_indirect_dma source(%dma_start3A_345 : memref<80x128xf32, #tpu.memory_space<vmem>>) target(%dma_start3A_351 : memref<10000x128xf32, #tpu.memory_space<vmem_shared>>) offsets(%dma_start3A_348 : memref<80xi32, #tpu.memory_space<vmem>>) semaphore(%arg23 : memref<!tpu.dma_semaphore, #tpu.memory_space<semaphore_mem>>) {add = true}
    %mul3A_352 = arith.constant 10000 : i32
    %mul3A_353 = arith.muli %add3A, %mul3A_352 : i32
    %add3A_354 = arith.constant 560 : i32
    %add3A_355 = arith.addi %mul3A_353, %add3A_354 : i32
    %multiple_of3A_356 = tpu.assume_multiple %add3A_355, 8 : i32
    %dma_start3A_357 = arith.constant 7 : i32
    %dma_start3A_358 = arith.constant 0 : i32
    %dma_start3A_359 = tpu.memref_slice %arg6[%dma_start3A_357, %dma_start3A_358] : memref<8x80xi32, #tpu.memory_space<vmem>> -> memref<1x80xi32, #tpu.memory_space<vmem>>
    %dma_start3A_360 = tpu.memref_squeeze %dma_start3A_359 : memref<1x80xi32, #tpu.memory_space<vmem>> -> memref<80xi32, #tpu.memory_space<vmem>>
    %dma_start3A_361 = tpu.memref_slice %arg3[%multiple_of3A_356] : memref<320000xi32, #tpu.memory_space<hbm>> -> memref<80xi32, #tpu.memory_space<hbm>>
    %dma_start3A_362 = arith.constant 0 : i32
    %dma_start3A_363 = tpu.memref_slice %arg6[%dma_start3A_357, %dma_start3A_362] : memref<8x80xi32, #tpu.memory_space<vmem>> -> memref<1x80xi32, #tpu.memory_space<vmem>>
    %dma_start3A_364 = tpu.memref_squeeze %dma_start3A_363 : memref<1x80xi32, #tpu.memory_space<vmem>> -> memref<80xi32, #tpu.memory_space<vmem>>
    %dma_start3A_365 = tpu.memref_slice %arg3[%multiple_of3A_356] : memref<320000xi32, #tpu.memory_space<hbm>> -> memref<80xi32, #tpu.memory_space<hbm>>
    tpu.enqueue_dma source(%dma_start3A_365 : memref<80xi32, #tpu.memory_space<hbm>>) target(%dma_start3A_364 : memref<80xi32, #tpu.memory_space<vmem>>) target_semaphore(%arg21 : memref<!tpu.dma_semaphore, #tpu.memory_space<semaphore_mem>>)
    %dma_start3A_366 = arith.constant 7 : i32
    %dma_start3A_367 = arith.constant 0 : i32
    %dma_start3A_368 = tpu.memref_slice %arg7[%dma_start3A_366, %dma_start3A_367] : memref<8x80xi32, #tpu.memory_space<vmem>> -> memref<1x80xi32, #tpu.memory_space<vmem>>
    %dma_start3A_369 = tpu.memref_squeeze %dma_start3A_368 : memref<1x80xi32, #tpu.memory_space<vmem>> -> memref<80xi32, #tpu.memory_space<vmem>>
    %dma_start3A_370 = tpu.memref_slice %arg4[%multiple_of3A_356] : memref<320000xi32, #tpu.memory_space<hbm>> -> memref<80xi32, #tpu.memory_space<hbm>>
    %dma_start3A_371 = arith.constant 0 : i32
    %dma_start3A_372 = tpu.memref_slice %arg7[%dma_start3A_366, %dma_start3A_371] : memref<8x80xi32, #tpu.memory_space<vmem>> -> memref<1x80xi32, #tpu.memory_space<vmem>>
    %dma_start3A_373 = tpu.memref_squeeze %dma_start3A_372 : memref<1x80xi32, #tpu.memory_space<vmem>> -> memref<80xi32, #tpu.memory_space<vmem>>
    %dma_start3A_374 = tpu.memref_slice %arg4[%multiple_of3A_356] : memref<320000xi32, #tpu.memory_space<hbm>> -> memref<80xi32, #tpu.memory_space<hbm>>
    tpu.enqueue_dma source(%dma_start3A_374 : memref<80xi32, #tpu.memory_space<hbm>>) target(%dma_start3A_373 : memref<80xi32, #tpu.memory_space<vmem>>) target_semaphore(%arg21 : memref<!tpu.dma_semaphore, #tpu.memory_space<semaphore_mem>>)
    %scan3A = arith.constant 0 : i32
    %scan3A_375 = arith.constant 15 : i32
    %scan3A_376 = arith.addi %scan3A, %scan3A_375 : i32
    %scan3A_377 = arith.constant 1 : i32
    scf.for %scan3A_552 = %scan3A to %scan3A_376 step %scan3A_377  : i32 {
      %mul3A_553 = arith.constant 1 : i32
      %mul3A_554 = arith.muli %scan3A_552, %mul3A_553 : i32
      %add3A_555 = arith.constant 0 : i32
      %add3A_556 = arith.addi %add3A_555, %mul3A_554 : i32
      %mul3A_557 = arith.constant 8 : i32
      %mul3A_558 = arith.muli %mul3A_557, %add3A_556 : i32
      %add3A_559 = arith.constant 2 : i32
      %add3A_560 = arith.addi %add3A_559, %mul3A_558 : i32
      %add3A_561 = arith.constant 0 : i32
      %add3A_562 = arith.addi %add3A_560, %add3A_561 : i32
      %add3A_563 = arith.constant 2 : i32
      %add3A_564 = arith.addi %add3A_562, %add3A_563 : i32
      %mul3A_565 = arith.constant 10000 : i32
      %mul3A_566 = arith.muli %add3A, %mul3A_565 : i32
      %mul3A_567 = arith.constant 80 : i32
      %mul3A_568 = arith.muli %add3A_564, %mul3A_567 : i32
      %add3A_569 = arith.addi %mul3A_566, %mul3A_568 : i32
      %multiple_of3A_570 = tpu.assume_multiple %add3A_569, 8 : i32
      %dma_wait3A_571 = arith.constant 4 : i32
      %dma_wait3A_572 = arith.constant 0 : i32
      %dma_wait3A_573 = tpu.memref_slice %arg6[%dma_wait3A_571, %dma_wait3A_572] : memref<8x80xi32, #tpu.memory_space<vmem>> -> memref<1x80xi32, #tpu.memory_space<vmem>>
      %dma_wait3A_574 = tpu.memref_squeeze %dma_wait3A_573 : memref<1x80xi32, #tpu.memory_space<vmem>> -> memref<80xi32, #tpu.memory_space<vmem>>
      %dma_wait3A_575 = tpu.memref_slice %arg3[%multiple_of3A_570] : memref<320000xi32, #tpu.memory_space<hbm>> -> memref<80xi32, #tpu.memory_space<hbm>>
      %dma_wait3A_576 = arith.constant 0 : i32
      %dma_wait3A_577 = tpu.memref_slice %arg6[%dma_wait3A_571, %dma_wait3A_576] : memref<8x80xi32, #tpu.memory_space<vmem>> -> memref<1x80xi32, #tpu.memory_space<vmem>>
      %dma_wait3A_578 = tpu.memref_squeeze %dma_wait3A_577 : memref<1x80xi32, #tpu.memory_space<vmem>> -> memref<80xi32, #tpu.memory_space<vmem>>
      %dma_wait3A_579 = tpu.memref_slice %arg3[%multiple_of3A_570] : memref<320000xi32, #tpu.memory_space<hbm>> -> memref<80xi32, #tpu.memory_space<hbm>>
      tpu.wait_dma2 semaphore(%arg18 : memref<!tpu.dma_semaphore, #tpu.memory_space<semaphore_mem>>) src(%dma_wait3A_579 : memref<80xi32, #tpu.memory_space<hbm>>) dst(%dma_wait3A_578 : memref<80xi32, #tpu.memory_space<vmem>>)
      %dma_wait3A_580 = arith.constant 4 : i32
      %dma_wait3A_581 = arith.constant 0 : i32
      %dma_wait3A_582 = tpu.memref_slice %arg7[%dma_wait3A_580, %dma_wait3A_581] : memref<8x80xi32, #tpu.memory_space<vmem>> -> memref<1x80xi32, #tpu.memory_space<vmem>>
      %dma_wait3A_583 = tpu.memref_squeeze %dma_wait3A_582 : memref<1x80xi32, #tpu.memory_space<vmem>> -> memref<80xi32, #tpu.memory_space<vmem>>
      %dma_wait3A_584 = tpu.memref_slice %arg4[%multiple_of3A_570] : memref<320000xi32, #tpu.memory_space<hbm>> -> memref<80xi32, #tpu.memory_space<hbm>>
      %dma_wait3A_585 = arith.constant 0 : i32
      %dma_wait3A_586 = tpu.memref_slice %arg7[%dma_wait3A_580, %dma_wait3A_585] : memref<8x80xi32, #tpu.memory_space<vmem>> -> memref<1x80xi32, #tpu.memory_space<vmem>>
      %dma_wait3A_587 = tpu.memref_squeeze %dma_wait3A_586 : memref<1x80xi32, #tpu.memory_space<vmem>> -> memref<80xi32, #tpu.memory_space<vmem>>
      %dma_wait3A_588 = tpu.memref_slice %arg4[%multiple_of3A_570] : memref<320000xi32, #tpu.memory_space<hbm>> -> memref<80xi32, #tpu.memory_space<hbm>>
      tpu.wait_dma2 semaphore(%arg18 : memref<!tpu.dma_semaphore, #tpu.memory_space<semaphore_mem>>) src(%dma_wait3A_588 : memref<80xi32, #tpu.memory_space<hbm>>) dst(%dma_wait3A_587 : memref<80xi32, #tpu.memory_space<vmem>>)
      %dma_wait3A_589 = arith.constant 0 : i32
      %dma_wait3A_590 = arith.constant 0 : i32
      %dma_wait3A_591 = arith.constant 0 : i32
      %dma_wait3A_592 = arith.constant 0 : i32
      %dma_wait3A_593 = tpu.memref_slice %arg8[%dma_wait3A_589, %dma_wait3A_591, %dma_wait3A_592] : memref<4x80x128xf32, #tpu.memory_space<vmem>> -> memref<1x80x128xf32, #tpu.memory_space<vmem>>
      %dma_wait3A_594 = tpu.memref_squeeze %dma_wait3A_593 : memref<1x80x128xf32, #tpu.memory_space<vmem>> -> memref<80x128xf32, #tpu.memory_space<vmem>>
      %dma_wait3A_595 = arith.constant 0 : i32
      %dma_wait3A_596 = tpu.memref_slice %arg7[%dma_wait3A_590, %dma_wait3A_595] : memref<8x80xi32, #tpu.memory_space<vmem>> -> memref<1x80xi32, #tpu.memory_space<vmem>>
      %dma_wait3A_597 = tpu.memref_squeeze %dma_wait3A_596 : memref<1x80xi32, #tpu.memory_space<vmem>> -> memref<80xi32, #tpu.memory_space<vmem>>
      %dma_wait3A_598 = arith.constant 0 : i32
      %dma_wait3A_599 = arith.constant 0 : i32
      %dma_wait3A_600 = tpu.memref_slice %arg9[%dma_wait3A_598, %dma_wait3A_599] : memref<10000x128xf32, #tpu.memory_space<vmem_shared>> -> memref<10000x128xf32, #tpu.memory_space<vmem_shared>>
      tpu.wait_indirect_dma semaphore(%arg22 : memref<!tpu.dma_semaphore, #tpu.memory_space<semaphore_mem>>) src(%dma_wait3A_594 : memref<80x128xf32, #tpu.memory_space<vmem>>) dst(%dma_wait3A_600 : memref<10000x128xf32, #tpu.memory_space<vmem_shared>>)
      %dma_start3A_601 = arith.constant 4 : i32
      %dma_start3A_602 = arith.constant 0 : i32
      %dma_start3A_603 = arith.constant 0 : i32
      %dma_start3A_604 = arith.constant 0 : i32
      %dma_start3A_605 = tpu.memref_slice %arg8[%dma_start3A_602, %dma_start3A_603, %dma_start3A_604] : memref<4x80x128xf32, #tpu.memory_space<vmem>> -> memref<1x80x128xf32, #tpu.memory_space<vmem>>
      %dma_start3A_606 = tpu.memref_squeeze %dma_start3A_605 : memref<1x80x128xf32, #tpu.memory_space<vmem>> -> memref<80x128xf32, #tpu.memory_space<vmem>>
      %dma_start3A_607 = arith.constant 0 : i32
      %dma_start3A_608 = tpu.memref_slice %arg6[%dma_start3A_601, %dma_start3A_607] : memref<8x80xi32, #tpu.memory_space<vmem>> -> memref<1x80xi32, #tpu.memory_space<vmem>>
      %dma_start3A_609 = tpu.memref_squeeze %dma_start3A_608 : memref<1x80xi32, #tpu.memory_space<vmem>> -> memref<80xi32, #tpu.memory_space<vmem>>
      %dma_start3A_610 = arith.constant 0 : i32
      %dma_start3A_611 = arith.constant 0 : i32
      %dma_start3A_612 = tpu.memref_slice %arg2[%dma_start3A_610, %dma_start3A_611] : memref<10000x128xf32, #tpu.memory_space<hbm>> -> memref<10000x128xf32, #tpu.memory_space<hbm>>
      tpu.enqueue_indirect_dma source(%dma_start3A_612 : memref<10000x128xf32, #tpu.memory_space<hbm>>) target(%dma_start3A_606 : memref<80x128xf32, #tpu.memory_space<vmem>>) offsets(%dma_start3A_609 : memref<80xi32, #tpu.memory_space<vmem>>) semaphore(%arg10 : memref<!tpu.dma_semaphore, #tpu.memory_space<semaphore_mem>>)
      %dma_wait3A_613 = arith.constant 2 : i32
      %dma_wait3A_614 = arith.constant 2 : i32
      %dma_wait3A_615 = arith.constant 0 : i32
      %dma_wait3A_616 = arith.constant 0 : i32
      %dma_wait3A_617 = tpu.memref_slice %arg8[%dma_wait3A_614, %dma_wait3A_615, %dma_wait3A_616] : memref<4x80x128xf32, #tpu.memory_space<vmem>> -> memref<1x80x128xf32, #tpu.memory_space<vmem>>
      %dma_wait3A_618 = tpu.memref_squeeze %dma_wait3A_617 : memref<1x80x128xf32, #tpu.memory_space<vmem>> -> memref<80x128xf32, #tpu.memory_space<vmem>>
      %dma_wait3A_619 = arith.constant 0 : i32
      %dma_wait3A_620 = tpu.memref_slice %arg6[%dma_wait3A_613, %dma_wait3A_619] : memref<8x80xi32, #tpu.memory_space<vmem>> -> memref<1x80xi32, #tpu.memory_space<vmem>>
      %dma_wait3A_621 = tpu.memref_squeeze %dma_wait3A_620 : memref<1x80xi32, #tpu.memory_space<vmem>> -> memref<80xi32, #tpu.memory_space<vmem>>
      %dma_wait3A_622 = arith.constant 0 : i32
      %dma_wait3A_623 = arith.constant 0 : i32
      %dma_wait3A_624 = tpu.memref_slice %arg2[%dma_wait3A_622, %dma_wait3A_623] : memref<10000x128xf32, #tpu.memory_space<hbm>> -> memref<10000x128xf32, #tpu.memory_space<hbm>>
      tpu.wait_indirect_dma semaphore(%arg12 : memref<!tpu.dma_semaphore, #tpu.memory_space<semaphore_mem>>) src(%dma_wait3A_624 : memref<10000x128xf32, #tpu.memory_space<hbm>>) dst(%dma_wait3A_618 : memref<80x128xf32, #tpu.memory_space<vmem>>)
      %dma_start3A_625 = arith.constant 2 : i32
      %dma_start3A_626 = arith.constant 2 : i32
      %dma_start3A_627 = arith.constant 0 : i32
      %dma_start3A_628 = arith.constant 0 : i32
      %dma_start3A_629 = tpu.memref_slice %arg8[%dma_start3A_625, %dma_start3A_627, %dma_start3A_628] : memref<4x80x128xf32, #tpu.memory_space<vmem>> -> memref<1x80x128xf32, #tpu.memory_space<vmem>>
      %dma_start3A_630 = tpu.memref_squeeze %dma_start3A_629 : memref<1x80x128xf32, #tpu.memory_space<vmem>> -> memref<80x128xf32, #tpu.memory_space<vmem>>
      %dma_start3A_631 = arith.constant 0 : i32
      %dma_start3A_632 = tpu.memref_slice %arg7[%dma_start3A_626, %dma_start3A_631] : memref<8x80xi32, #tpu.memory_space<vmem>> -> memref<1x80xi32, #tpu.memory_space<vmem>>
      %dma_start3A_633 = tpu.memref_squeeze %dma_start3A_632 : memref<1x80xi32, #tpu.memory_space<vmem>> -> memref<80xi32, #tpu.memory_space<vmem>>
      %dma_start3A_634 = arith.constant 0 : i32
      %dma_start3A_635 = arith.constant 0 : i32
      %dma_start3A_636 = tpu.memref_slice %arg9[%dma_start3A_634, %dma_start3A_635] : memref<10000x128xf32, #tpu.memory_space<vmem_shared>> -> memref<10000x128xf32, #tpu.memory_space<vmem_shared>>
      tpu.enqueue_indirect_dma source(%dma_start3A_630 : memref<80x128xf32, #tpu.memory_space<vmem>>) target(%dma_start3A_636 : memref<10000x128xf32, #tpu.memory_space<vmem_shared>>) offsets(%dma_start3A_633 : memref<80xi32, #tpu.memory_space<vmem>>) semaphore(%arg24 : memref<!tpu.dma_semaphore, #tpu.memory_space<semaphore_mem>>) {add = true}
      %add3A_637 = arith.constant 6 : i32
      %add3A_638 = arith.addi %add3A_562, %add3A_637 : i32
      %lt3A = arith.constant 125 : i32
      %lt3A_639 = arith.cmpi slt, %add3A_638, %lt3A : i32
      %convert_element_type3A_640 = arith.extui %lt3A_639 : i1 to i32
      %cond3A_641 = arith.constant 0 : i32
      %cond3A_642 = arith.cmpi ne, %convert_element_type3A_640, %cond3A_641 : i32
      scf.if %cond3A_642 {
        %add3A_1252 = arith.constant 6 : i32
        %add3A_1253 = arith.addi %add3A_562, %add3A_1252 : i32
        %mul3A_1254 = arith.constant 10000 : i32
        %mul3A_1255 = arith.muli %add3A, %mul3A_1254 : i32
        %mul3A_1256 = arith.constant 80 : i32
        %mul3A_1257 = arith.muli %add3A_1253, %mul3A_1256 : i32
        %add3A_1258 = arith.addi %mul3A_1255, %mul3A_1257 : i32
        %multiple_of3A_1259 = tpu.assume_multiple %add3A_1258, 8 : i32
        %dma_start3A_1260 = arith.constant 0 : i32
        %dma_start3A_1261 = arith.constant 0 : i32
        %dma_start3A_1262 = tpu.memref_slice %arg6[%dma_start3A_1260, %dma_start3A_1261] : memref<8x80xi32, #tpu.memory_space<vmem>> -> memref<1x80xi32, #tpu.memory_space<vmem>>
        %dma_start3A_1263 = tpu.memref_squeeze %dma_start3A_1262 : memref<1x80xi32, #tpu.memory_space<vmem>> -> memref<80xi32, #tpu.memory_space<vmem>>
        %dma_start3A_1264 = tpu.memref_slice %arg3[%multiple_of3A_1259] : memref<320000xi32, #tpu.memory_space<hbm>> -> memref<80xi32, #tpu.memory_space<hbm>>
        %dma_start3A_1265 = arith.constant 0 : i32
        %dma_start3A_1266 = tpu.memref_slice %arg6[%dma_start3A_1260, %dma_start3A_1265] : memref<8x80xi32, #tpu.memory_space<vmem>> -> memref<1x80xi32, #tpu.memory_space<vmem>>
        %dma_start3A_1267 = tpu.memref_squeeze %dma_start3A_1266 : memref<1x80xi32, #tpu.memory_space<vmem>> -> memref<80xi32, #tpu.memory_space<vmem>>
        %dma_start3A_1268 = tpu.memref_slice %arg3[%multiple_of3A_1259] : memref<320000xi32, #tpu.memory_space<hbm>> -> memref<80xi32, #tpu.memory_space<hbm>>
        tpu.enqueue_dma source(%dma_start3A_1268 : memref<80xi32, #tpu.memory_space<hbm>>) target(%dma_start3A_1267 : memref<80xi32, #tpu.memory_space<vmem>>) target_semaphore(%arg14 : memref<!tpu.dma_semaphore, #tpu.memory_space<semaphore_mem>>)
        %dma_start3A_1269 = arith.constant 0 : i32
        %dma_start3A_1270 = arith.constant 0 : i32
        %dma_start3A_1271 = tpu.memref_slice %arg7[%dma_start3A_1269, %dma_start3A_1270] : memref<8x80xi32, #tpu.memory_space<vmem>> -> memref<1x80xi32, #tpu.memory_space<vmem>>
        %dma_start3A_1272 = tpu.memref_squeeze %dma_start3A_1271 : memref<1x80xi32, #tpu.memory_space<vmem>> -> memref<80xi32, #tpu.memory_space<vmem>>
        %dma_start3A_1273 = tpu.memref_slice %arg4[%multiple_of3A_1259] : memref<320000xi32, #tpu.memory_space<hbm>> -> memref<80xi32, #tpu.memory_space<hbm>>
        %dma_start3A_1274 = arith.constant 0 : i32
        %dma_start3A_1275 = tpu.memref_slice %arg7[%dma_start3A_1269, %dma_start3A_1274] : memref<8x80xi32, #tpu.memory_space<vmem>> -> memref<1x80xi32, #tpu.memory_space<vmem>>
        %dma_start3A_1276 = tpu.memref_squeeze %dma_start3A_1275 : memref<1x80xi32, #tpu.memory_space<vmem>> -> memref<80xi32, #tpu.memory_space<vmem>>
        %dma_start3A_1277 = tpu.memref_slice %arg4[%multiple_of3A_1259] : memref<320000xi32, #tpu.memory_space<hbm>> -> memref<80xi32, #tpu.memory_space<hbm>>
        tpu.enqueue_dma source(%dma_start3A_1277 : memref<80xi32, #tpu.memory_space<hbm>>) target(%dma_start3A_1276 : memref<80xi32, #tpu.memory_space<vmem>>) target_semaphore(%arg14 : memref<!tpu.dma_semaphore, #tpu.memory_space<semaphore_mem>>)
      } else {
      }
      %mul3A_643 = arith.constant 8 : i32
      %mul3A_644 = arith.muli %mul3A_643, %add3A_556 : i32
      %add3A_645 = arith.constant 2 : i32
      %add3A_646 = arith.addi %add3A_645, %mul3A_644 : i32
      %add3A_647 = arith.constant 1 : i32
      %add3A_648 = arith.addi %add3A_646, %add3A_647 : i32
      %add3A_649 = arith.constant 2 : i32
      %add3A_650 = arith.addi %add3A_648, %add3A_649 : i32
      %mul3A_651 = arith.constant 10000 : i32
      %mul3A_652 = arith.muli %add3A, %mul3A_651 : i32
      %mul3A_653 = arith.constant 80 : i32
      %mul3A_654 = arith.muli %add3A_650, %mul3A_653 : i32
      %add3A_655 = arith.addi %mul3A_652, %mul3A_654 : i32
      %multiple_of3A_656 = tpu.assume_multiple %add3A_655, 8 : i32
      %dma_wait3A_657 = arith.constant 5 : i32
      %dma_wait3A_658 = arith.constant 0 : i32
      %dma_wait3A_659 = tpu.memref_slice %arg6[%dma_wait3A_657, %dma_wait3A_658] : memref<8x80xi32, #tpu.memory_space<vmem>> -> memref<1x80xi32, #tpu.memory_space<vmem>>
      %dma_wait3A_660 = tpu.memref_squeeze %dma_wait3A_659 : memref<1x80xi32, #tpu.memory_space<vmem>> -> memref<80xi32, #tpu.memory_space<vmem>>
      %dma_wait3A_661 = tpu.memref_slice %arg3[%multiple_of3A_656] : memref<320000xi32, #tpu.memory_space<hbm>> -> memref<80xi32, #tpu.memory_space<hbm>>
      %dma_wait3A_662 = arith.constant 0 : i32
      %dma_wait3A_663 = tpu.memref_slice %arg6[%dma_wait3A_657, %dma_wait3A_662] : memref<8x80xi32, #tpu.memory_space<vmem>> -> memref<1x80xi32, #tpu.memory_space<vmem>>
      %dma_wait3A_664 = tpu.memref_squeeze %dma_wait3A_663 : memref<1x80xi32, #tpu.memory_space<vmem>> -> memref<80xi32, #tpu.memory_space<vmem>>
      %dma_wait3A_665 = tpu.memref_slice %arg3[%multiple_of3A_656] : memref<320000xi32, #tpu.memory_space<hbm>> -> memref<80xi32, #tpu.memory_space<hbm>>
      tpu.wait_dma2 semaphore(%arg19 : memref<!tpu.dma_semaphore, #tpu.memory_space<semaphore_mem>>) src(%dma_wait3A_665 : memref<80xi32, #tpu.memory_space<hbm>>) dst(%dma_wait3A_664 : memref<80xi32, #tpu.memory_space<vmem>>)
      %dma_wait3A_666 = arith.constant 5 : i32
      %dma_wait3A_667 = arith.constant 0 : i32
      %dma_wait3A_668 = tpu.memref_slice %arg7[%dma_wait3A_666, %dma_wait3A_667] : memref<8x80xi32, #tpu.memory_space<vmem>> -> memref<1x80xi32, #tpu.memory_space<vmem>>
      %dma_wait3A_669 = tpu.memref_squeeze %dma_wait3A_668 : memref<1x80xi32, #tpu.memory_space<vmem>> -> memref<80xi32, #tpu.memory_space<vmem>>
      %dma_wait3A_670 = tpu.memref_slice %arg4[%multiple_of3A_656] : memref<320000xi32, #tpu.memory_space<hbm>> -> memref<80xi32, #tpu.memory_space<hbm>>
      %dma_wait3A_671 = arith.constant 0 : i32
      %dma_wait3A_672 = tpu.memref_slice %arg7[%dma_wait3A_666, %dma_wait3A_671] : memref<8x80xi32, #tpu.memory_space<vmem>> -> memref<1x80xi32, #tpu.memory_space<vmem>>
      %dma_wait3A_673 = tpu.memref_squeeze %dma_wait3A_672 : memref<1x80xi32, #tpu.memory_space<vmem>> -> memref<80xi32, #tpu.memory_space<vmem>>
      %dma_wait3A_674 = tpu.memref_slice %arg4[%multiple_of3A_656] : memref<320000xi32, #tpu.memory_space<hbm>> -> memref<80xi32, #tpu.memory_space<hbm>>
      tpu.wait_dma2 semaphore(%arg19 : memref<!tpu.dma_semaphore, #tpu.memory_space<semaphore_mem>>) src(%dma_wait3A_674 : memref<80xi32, #tpu.memory_space<hbm>>) dst(%dma_wait3A_673 : memref<80xi32, #tpu.memory_space<vmem>>)
      %dma_wait3A_675 = arith.constant 1 : i32
      %dma_wait3A_676 = arith.constant 1 : i32
      %dma_wait3A_677 = arith.constant 0 : i32
      %dma_wait3A_678 = arith.constant 0 : i32
      %dma_wait3A_679 = tpu.memref_slice %arg8[%dma_wait3A_675, %dma_wait3A_677, %dma_wait3A_678] : memref<4x80x128xf32, #tpu.memory_space<vmem>> -> memref<1x80x128xf32, #tpu.memory_space<vmem>>
      %dma_wait3A_680 = tpu.memref_squeeze %dma_wait3A_679 : memref<1x80x128xf32, #tpu.memory_space<vmem>> -> memref<80x128xf32, #tpu.memory_space<vmem>>
      %dma_wait3A_681 = arith.constant 0 : i32
      %dma_wait3A_682 = tpu.memref_slice %arg7[%dma_wait3A_676, %dma_wait3A_681] : memref<8x80xi32, #tpu.memory_space<vmem>> -> memref<1x80xi32, #tpu.memory_space<vmem>>
      %dma_wait3A_683 = tpu.memref_squeeze %dma_wait3A_682 : memref<1x80xi32, #tpu.memory_space<vmem>> -> memref<80xi32, #tpu.memory_space<vmem>>
      %dma_wait3A_684 = arith.constant 0 : i32
      %dma_wait3A_685 = arith.constant 0 : i32
      %dma_wait3A_686 = tpu.memref_slice %arg9[%dma_wait3A_684, %dma_wait3A_685] : memref<10000x128xf32, #tpu.memory_space<vmem_shared>> -> memref<10000x128xf32, #tpu.memory_space<vmem_shared>>
      tpu.wait_indirect_dma semaphore(%arg23 : memref<!tpu.dma_semaphore, #tpu.memory_space<semaphore_mem>>) src(%dma_wait3A_680 : memref<80x128xf32, #tpu.memory_space<vmem>>) dst(%dma_wait3A_686 : memref<10000x128xf32, #tpu.memory_space<vmem_shared>>)
      %dma_start3A_687 = arith.constant 5 : i32
      %dma_start3A_688 = arith.constant 1 : i32
      %dma_start3A_689 = arith.constant 0 : i32
      %dma_start3A_690 = arith.constant 0 : i32
      %dma_start3A_691 = tpu.memref_slice %arg8[%dma_start3A_688, %dma_start3A_689, %dma_start3A_690] : memref<4x80x128xf32, #tpu.memory_space<vmem>> -> memref<1x80x128xf32, #tpu.memory_space<vmem>>
      %dma_start3A_692 = tpu.memref_squeeze %dma_start3A_691 : memref<1x80x128xf32, #tpu.memory_space<vmem>> -> memref<80x128xf32, #tpu.memory_space<vmem>>
      %dma_start3A_693 = arith.constant 0 : i32
      %dma_start3A_694 = tpu.memref_slice %arg6[%dma_start3A_687, %dma_start3A_693] : memref<8x80xi32, #tpu.memory_space<vmem>> -> memref<1x80xi32, #tpu.memory_space<vmem>>
      %dma_start3A_695 = tpu.memref_squeeze %dma_start3A_694 : memref<1x80xi32, #tpu.memory_space<vmem>> -> memref<80xi32, #tpu.memory_space<vmem>>
      %dma_start3A_696 = arith.constant 0 : i32
      %dma_start3A_697 = arith.constant 0 : i32
      %dma_start3A_698 = tpu.memref_slice %arg2[%dma_start3A_696, %dma_start3A_697] : memref<10000x128xf32, #tpu.memory_space<hbm>> -> memref<10000x128xf32, #tpu.memory_space<hbm>>
      tpu.enqueue_indirect_dma source(%dma_start3A_698 : memref<10000x128xf32, #tpu.memory_space<hbm>>) target(%dma_start3A_692 : memref<80x128xf32, #tpu.memory_space<vmem>>) offsets(%dma_start3A_695 : memref<80xi32, #tpu.memory_space<vmem>>) semaphore(%arg11 : memref<!tpu.dma_semaphore, #tpu.memory_space<semaphore_mem>>)
      %dma_wait3A_699 = arith.constant 3 : i32
      %dma_wait3A_700 = arith.constant 3 : i32
      %dma_wait3A_701 = arith.constant 0 : i32
      %dma_wait3A_702 = arith.constant 0 : i32
      %dma_wait3A_703 = tpu.memref_slice %arg8[%dma_wait3A_700, %dma_wait3A_701, %dma_wait3A_702] : memref<4x80x128xf32, #tpu.memory_space<vmem>> -> memref<1x80x128xf32, #tpu.memory_space<vmem>>
      %dma_wait3A_704 = tpu.memref_squeeze %dma_wait3A_703 : memref<1x80x128xf32, #tpu.memory_space<vmem>> -> memref<80x128xf32, #tpu.memory_space<vmem>>
      %dma_wait3A_705 = arith.constant 0 : i32
      %dma_wait3A_706 = tpu.memref_slice %arg6[%dma_wait3A_699, %dma_wait3A_705] : memref<8x80xi32, #tpu.memory_space<vmem>> -> memref<1x80xi32, #tpu.memory_space<vmem>>
      %dma_wait3A_707 = tpu.memref_squeeze %dma_wait3A_706 : memref<1x80xi32, #tpu.memory_space<vmem>> -> memref<80xi32, #tpu.memory_space<vmem>>
      %dma_wait3A_708 = arith.constant 0 : i32
      %dma_wait3A_709 = arith.constant 0 : i32
      %dma_wait3A_710 = tpu.memref_slice %arg2[%dma_wait3A_708, %dma_wait3A_709] : memref<10000x128xf32, #tpu.memory_space<hbm>> -> memref<10000x128xf32, #tpu.memory_space<hbm>>
      tpu.wait_indirect_dma semaphore(%arg13 : memref<!tpu.dma_semaphore, #tpu.memory_space<semaphore_mem>>) src(%dma_wait3A_710 : memref<10000x128xf32, #tpu.memory_space<hbm>>) dst(%dma_wait3A_704 : memref<80x128xf32, #tpu.memory_space<vmem>>)
      %dma_start3A_711 = arith.constant 3 : i32
      %dma_start3A_712 = arith.constant 3 : i32
      %dma_start3A_713 = arith.constant 0 : i32
      %dma_start3A_714 = arith.constant 0 : i32
      %dma_start3A_715 = tpu.memref_slice %arg8[%dma_start3A_711, %dma_start3A_713, %dma_start3A_714] : memref<4x80x128xf32, #tpu.memory_space<vmem>> -> memref<1x80x128xf32, #tpu.memory_space<vmem>>
      %dma_start3A_716 = tpu.memref_squeeze %dma_start3A_715 : memref<1x80x128xf32, #tpu.memory_space<vmem>> -> memref<80x128xf32, #tpu.memory_space<vmem>>
      %dma_start3A_717 = arith.constant 0 : i32
      %dma_start3A_718 = tpu.memref_slice %arg7[%dma_start3A_712, %dma_start3A_717] : memref<8x80xi32, #tpu.memory_space<vmem>> -> memref<1x80xi32, #tpu.memory_space<vmem>>
      %dma_start3A_719 = tpu.memref_squeeze %dma_start3A_718 : memref<1x80xi32, #tpu.memory_space<vmem>> -> memref<80xi32, #tpu.memory_space<vmem>>
      %dma_start3A_720 = arith.constant 0 : i32
      %dma_start3A_721 = arith.constant 0 : i32
      %dma_start3A_722 = tpu.memref_slice %arg9[%dma_start3A_720, %dma_start3A_721] : memref<10000x128xf32, #tpu.memory_space<vmem_shared>> -> memref<10000x128xf32, #tpu.memory_space<vmem_shared>>
      tpu.enqueue_indirect_dma source(%dma_start3A_716 : memref<80x128xf32, #tpu.memory_space<vmem>>) target(%dma_start3A_722 : memref<10000x128xf32, #tpu.memory_space<vmem_shared>>) offsets(%dma_start3A_719 : memref<80xi32, #tpu.memory_space<vmem>>) semaphore(%arg25 : memref<!tpu.dma_semaphore, #tpu.memory_space<semaphore_mem>>) {add = true}
      %add3A_723 = arith.constant 6 : i32
      %add3A_724 = arith.addi %add3A_648, %add3A_723 : i32
      %lt3A_725 = arith.constant 125 : i32
      %lt3A_726 = arith.cmpi slt, %add3A_724, %lt3A_725 : i32
      %convert_element_type3A_727 = arith.extui %lt3A_726 : i1 to i32
      %cond3A_728 = arith.constant 0 : i32
      %cond3A_729 = arith.cmpi ne, %convert_element_type3A_727, %cond3A_728 : i32
      scf.if %cond3A_729 {
        %add3A_1252 = arith.constant 6 : i32
        %add3A_1253 = arith.addi %add3A_648, %add3A_1252 : i32
        %mul3A_1254 = arith.constant 10000 : i32
        %mul3A_1255 = arith.muli %add3A, %mul3A_1254 : i32
        %mul3A_1256 = arith.constant 80 : i32
        %mul3A_1257 = arith.muli %add3A_1253, %mul3A_1256 : i32
        %add3A_1258 = arith.addi %mul3A_1255, %mul3A_1257 : i32
        %multiple_of3A_1259 = tpu.assume_multiple %add3A_1258, 8 : i32
        %dma_start3A_1260 = arith.constant 1 : i32
        %dma_start3A_1261 = arith.constant 0 : i32
        %dma_start3A_1262 = tpu.memref_slice %arg6[%dma_start3A_1260, %dma_start3A_1261] : memref<8x80xi32, #tpu.memory_space<vmem>> -> memref<1x80xi32, #tpu.memory_space<vmem>>
        %dma_start3A_1263 = tpu.memref_squeeze %dma_start3A_1262 : memref<1x80xi32, #tpu.memory_space<vmem>> -> memref<80xi32, #tpu.memory_space<vmem>>
        %dma_start3A_1264 = tpu.memref_slice %arg3[%multiple_of3A_1259] : memref<320000xi32, #tpu.memory_space<hbm>> -> memref<80xi32, #tpu.memory_space<hbm>>
        %dma_start3A_1265 = arith.constant 0 : i32
        %dma_start3A_1266 = tpu.memref_slice %arg6[%dma_start3A_1260, %dma_start3A_1265] : memref<8x80xi32, #tpu.memory_space<vmem>> -> memref<1x80xi32, #tpu.memory_space<vmem>>
        %dma_start3A_1267 = tpu.memref_squeeze %dma_start3A_1266 : memref<1x80xi32, #tpu.memory_space<vmem>> -> memref<80xi32, #tpu.memory_space<vmem>>
        %dma_start3A_1268 = tpu.memref_slice %arg3[%multiple_of3A_1259] : memref<320000xi32, #tpu.memory_space<hbm>> -> memref<80xi32, #tpu.memory_space<hbm>>
        tpu.enqueue_dma source(%dma_start3A_1268 : memref<80xi32, #tpu.memory_space<hbm>>) target(%dma_start3A_1267 : memref<80xi32, #tpu.memory_space<vmem>>) target_semaphore(%arg15 : memref<!tpu.dma_semaphore, #tpu.memory_space<semaphore_mem>>)
        %dma_start3A_1269 = arith.constant 1 : i32
        %dma_start3A_1270 = arith.constant 0 : i32
        %dma_start3A_1271 = tpu.memref_slice %arg7[%dma_start3A_1269, %dma_start3A_1270] : memref<8x80xi32, #tpu.memory_space<vmem>> -> memref<1x80xi32, #tpu.memory_space<vmem>>
        %dma_start3A_1272 = tpu.memref_squeeze %dma_start3A_1271 : memref<1x80xi32, #tpu.memory_space<vmem>> -> memref<80xi32, #tpu.memory_space<vmem>>
        %dma_start3A_1273 = tpu.memref_slice %arg4[%multiple_of3A_1259] : memref<320000xi32, #tpu.memory_space<hbm>> -> memref<80xi32, #tpu.memory_space<hbm>>
        %dma_start3A_1274 = arith.constant 0 : i32
        %dma_start3A_1275 = tpu.memref_slice %arg7[%dma_start3A_1269, %dma_start3A_1274] : memref<8x80xi32, #tpu.memory_space<vmem>> -> memref<1x80xi32, #tpu.memory_space<vmem>>
        %dma_start3A_1276 = tpu.memref_squeeze %dma_start3A_1275 : memref<1x80xi32, #tpu.memory_space<vmem>> -> memref<80xi32, #tpu.memory_space<vmem>>
        %dma_start3A_1277 = tpu.memref_slice %arg4[%multiple_of3A_1259] : memref<320000xi32, #tpu.memory_space<hbm>> -> memref<80xi32, #tpu.memory_space<hbm>>
        tpu.enqueue_dma source(%dma_start3A_1277 : memref<80xi32, #tpu.memory_space<hbm>>) target(%dma_start3A_1276 : memref<80xi32, #tpu.memory_space<vmem>>) target_semaphore(%arg15 : memref<!tpu.dma_semaphore, #tpu.memory_space<semaphore_mem>>)
      } else {
      }
      %mul3A_730 = arith.constant 8 : i32
      %mul3A_731 = arith.muli %mul3A_730, %add3A_556 : i32
      %add3A_732 = arith.constant 2 : i32
      %add3A_733 = arith.addi %add3A_732, %mul3A_731 : i32
      %add3A_734 = arith.constant 2 : i32
      %add3A_735 = arith.addi %add3A_733, %add3A_734 : i32
      %add3A_736 = arith.constant 2 : i32
      %add3A_737 = arith.addi %add3A_735, %add3A_736 : i32
      %mul3A_738 = arith.constant 10000 : i32
      %mul3A_739 = arith.muli %add3A, %mul3A_738 : i32
      %mul3A_740 = arith.constant 80 : i32
      %mul3A_741 = arith.muli %add3A_737, %mul3A_740 : i32
      %add3A_742 = arith.addi %mul3A_739, %mul3A_741 : i32
      %multiple_of3A_743 = tpu.assume_multiple %add3A_742, 8 : i32
      %dma_wait3A_744 = arith.constant 6 : i32
      %dma_wait3A_745 = arith.constant 0 : i32
      %dma_wait3A_746 = tpu.memref_slice %arg6[%dma_wait3A_744, %dma_wait3A_745] : memref<8x80xi32, #tpu.memory_space<vmem>> -> memref<1x80xi32, #tpu.memory_space<vmem>>
      %dma_wait3A_747 = tpu.memref_squeeze %dma_wait3A_746 : memref<1x80xi32, #tpu.memory_space<vmem>> -> memref<80xi32, #tpu.memory_space<vmem>>
      %dma_wait3A_748 = tpu.memref_slice %arg3[%multiple_of3A_743] : memref<320000xi32, #tpu.memory_space<hbm>> -> memref<80xi32, #tpu.memory_space<hbm>>
      %dma_wait3A_749 = arith.constant 0 : i32
      %dma_wait3A_750 = tpu.memref_slice %arg6[%dma_wait3A_744, %dma_wait3A_749] : memref<8x80xi32, #tpu.memory_space<vmem>> -> memref<1x80xi32, #tpu.memory_space<vmem>>
      %dma_wait3A_751 = tpu.memref_squeeze %dma_wait3A_750 : memref<1x80xi32, #tpu.memory_space<vmem>> -> memref<80xi32, #tpu.memory_space<vmem>>
      %dma_wait3A_752 = tpu.memref_slice %arg3[%multiple_of3A_743] : memref<320000xi32, #tpu.memory_space<hbm>> -> memref<80xi32, #tpu.memory_space<hbm>>
      tpu.wait_dma2 semaphore(%arg20 : memref<!tpu.dma_semaphore, #tpu.memory_space<semaphore_mem>>) src(%dma_wait3A_752 : memref<80xi32, #tpu.memory_space<hbm>>) dst(%dma_wait3A_751 : memref<80xi32, #tpu.memory_space<vmem>>)
      %dma_wait3A_753 = arith.constant 6 : i32
      %dma_wait3A_754 = arith.constant 0 : i32
      %dma_wait3A_755 = tpu.memref_slice %arg7[%dma_wait3A_753, %dma_wait3A_754] : memref<8x80xi32, #tpu.memory_space<vmem>> -> memref<1x80xi32, #tpu.memory_space<vmem>>
      %dma_wait3A_756 = tpu.memref_squeeze %dma_wait3A_755 : memref<1x80xi32, #tpu.memory_space<vmem>> -> memref<80xi32, #tpu.memory_space<vmem>>
      %dma_wait3A_757 = tpu.memref_slice %arg4[%multiple_of3A_743] : memref<320000xi32, #tpu.memory_space<hbm>> -> memref<80xi32, #tpu.memory_space<hbm>>
      %dma_wait3A_758 = arith.constant 0 : i32
      %dma_wait3A_759 = tpu.memref_slice %arg7[%dma_wait3A_753, %dma_wait3A_758] : memref<8x80xi32, #tpu.memory_space<vmem>> -> memref<1x80xi32, #tpu.memory_space<vmem>>
      %dma_wait3A_760 = tpu.memref_squeeze %dma_wait3A_759 : memref<1x80xi32, #tpu.memory_space<vmem>> -> memref<80xi32, #tpu.memory_space<vmem>>
      %dma_wait3A_761 = tpu.memref_slice %arg4[%multiple_of3A_743] : memref<320000xi32, #tpu.memory_space<hbm>> -> memref<80xi32, #tpu.memory_space<hbm>>
      tpu.wait_dma2 semaphore(%arg20 : memref<!tpu.dma_semaphore, #tpu.memory_space<semaphore_mem>>) src(%dma_wait3A_761 : memref<80xi32, #tpu.memory_space<hbm>>) dst(%dma_wait3A_760 : memref<80xi32, #tpu.memory_space<vmem>>)
      %dma_wait3A_762 = arith.constant 2 : i32
      %dma_wait3A_763 = arith.constant 2 : i32
      %dma_wait3A_764 = arith.constant 0 : i32
      %dma_wait3A_765 = arith.constant 0 : i32
      %dma_wait3A_766 = tpu.memref_slice %arg8[%dma_wait3A_762, %dma_wait3A_764, %dma_wait3A_765] : memref<4x80x128xf32, #tpu.memory_space<vmem>> -> memref<1x80x128xf32, #tpu.memory_space<vmem>>
      %dma_wait3A_767 = tpu.memref_squeeze %dma_wait3A_766 : memref<1x80x128xf32, #tpu.memory_space<vmem>> -> memref<80x128xf32, #tpu.memory_space<vmem>>
      %dma_wait3A_768 = arith.constant 0 : i32
      %dma_wait3A_769 = tpu.memref_slice %arg7[%dma_wait3A_763, %dma_wait3A_768] : memref<8x80xi32, #tpu.memory_space<vmem>> -> memref<1x80xi32, #tpu.memory_space<vmem>>
      %dma_wait3A_770 = tpu.memref_squeeze %dma_wait3A_769 : memref<1x80xi32, #tpu.memory_space<vmem>> -> memref<80xi32, #tpu.memory_space<vmem>>
      %dma_wait3A_771 = arith.constant 0 : i32
      %dma_wait3A_772 = arith.constant 0 : i32
      %dma_wait3A_773 = tpu.memref_slice %arg9[%dma_wait3A_771, %dma_wait3A_772] : memref<10000x128xf32, #tpu.memory_space<vmem_shared>> -> memref<10000x128xf32, #tpu.memory_space<vmem_shared>>
      tpu.wait_indirect_dma semaphore(%arg24 : memref<!tpu.dma_semaphore, #tpu.memory_space<semaphore_mem>>) src(%dma_wait3A_767 : memref<80x128xf32, #tpu.memory_space<vmem>>) dst(%dma_wait3A_773 : memref<10000x128xf32, #tpu.memory_space<vmem_shared>>)
      %dma_start3A_774 = arith.constant 6 : i32
      %dma_start3A_775 = arith.constant 2 : i32
      %dma_start3A_776 = arith.constant 0 : i32
      %dma_start3A_777 = arith.constant 0 : i32
      %dma_start3A_778 = tpu.memref_slice %arg8[%dma_start3A_775, %dma_start3A_776, %dma_start3A_777] : memref<4x80x128xf32, #tpu.memory_space<vmem>> -> memref<1x80x128xf32, #tpu.memory_space<vmem>>
      %dma_start3A_779 = tpu.memref_squeeze %dma_start3A_778 : memref<1x80x128xf32, #tpu.memory_space<vmem>> -> memref<80x128xf32, #tpu.memory_space<vmem>>
      %dma_start3A_780 = arith.constant 0 : i32
      %dma_start3A_781 = tpu.memref_slice %arg6[%dma_start3A_774, %dma_start3A_780] : memref<8x80xi32, #tpu.memory_space<vmem>> -> memref<1x80xi32, #tpu.memory_space<vmem>>
      %dma_start3A_782 = tpu.memref_squeeze %dma_start3A_781 : memref<1x80xi32, #tpu.memory_space<vmem>> -> memref<80xi32, #tpu.memory_space<vmem>>
      %dma_start3A_783 = arith.constant 0 : i32
      %dma_start3A_784 = arith.constant 0 : i32
      %dma_start3A_785 = tpu.memref_slice %arg2[%dma_start3A_783, %dma_start3A_784] : memref<10000x128xf32, #tpu.memory_space<hbm>> -> memref<10000x128xf32, #tpu.memory_space<hbm>>
      tpu.enqueue_indirect_dma source(%dma_start3A_785 : memref<10000x128xf32, #tpu.memory_space<hbm>>) target(%dma_start3A_779 : memref<80x128xf32, #tpu.memory_space<vmem>>) offsets(%dma_start3A_782 : memref<80xi32, #tpu.memory_space<vmem>>) semaphore(%arg12 : memref<!tpu.dma_semaphore, #tpu.memory_space<semaphore_mem>>)
      %dma_wait3A_786 = arith.constant 4 : i32
      %dma_wait3A_787 = arith.constant 0 : i32
      %dma_wait3A_788 = arith.constant 0 : i32
      %dma_wait3A_789 = arith.constant 0 : i32
      %dma_wait3A_790 = tpu.memref_slice %arg8[%dma_wait3A_787, %dma_wait3A_788, %dma_wait3A_789] : memref<4x80x128xf32, #tpu.memory_space<vmem>> -> memref<1x80x128xf32, #tpu.memory_space<vmem>>
      %dma_wait3A_791 = tpu.memref_squeeze %dma_wait3A_790 : memref<1x80x128xf32, #tpu.memory_space<vmem>> -> memref<80x128xf32, #tpu.memory_space<vmem>>
      %dma_wait3A_792 = arith.constant 0 : i32
      %dma_wait3A_793 = tpu.memref_slice %arg6[%dma_wait3A_786, %dma_wait3A_792] : memref<8x80xi32, #tpu.memory_space<vmem>> -> memref<1x80xi32, #tpu.memory_space<vmem>>
      %dma_wait3A_794 = tpu.memref_squeeze %dma_wait3A_793 : memref<1x80xi32, #tpu.memory_space<vmem>> -> memref<80xi32, #tpu.memory_space<vmem>>
      %dma_wait3A_795 = arith.constant 0 : i32
      %dma_wait3A_796 = arith.constant 0 : i32
      %dma_wait3A_797 = tpu.memref_slice %arg2[%dma_wait3A_795, %dma_wait3A_796] : memref<10000x128xf32, #tpu.memory_space<hbm>> -> memref<10000x128xf32, #tpu.memory_space<hbm>>
      tpu.wait_indirect_dma semaphore(%arg10 : memref<!tpu.dma_semaphore, #tpu.memory_space<semaphore_mem>>) src(%dma_wait3A_797 : memref<10000x128xf32, #tpu.memory_space<hbm>>) dst(%dma_wait3A_791 : memref<80x128xf32, #tpu.memory_space<vmem>>)
      %dma_start3A_798 = arith.constant 0 : i32
      %dma_start3A_799 = arith.constant 4 : i32
      %dma_start3A_800 = arith.constant 0 : i32
      %dma_start3A_801 = arith.constant 0 : i32
      %dma_start3A_802 = tpu.memref_slice %arg8[%dma_start3A_798, %dma_start3A_800, %dma_start3A_801] : memref<4x80x128xf32, #tpu.memory_space<vmem>> -> memref<1x80x128xf32, #tpu.memory_space<vmem>>
      %dma_start3A_803 = tpu.memref_squeeze %dma_start3A_802 : memref<1x80x128xf32, #tpu.memory_space<vmem>> -> memref<80x128xf32, #tpu.memory_space<vmem>>
      %dma_start3A_804 = arith.constant 0 : i32
      %dma_start3A_805 = tpu.memref_slice %arg7[%dma_start3A_799, %dma_start3A_804] : memref<8x80xi32, #tpu.memory_space<vmem>> -> memref<1x80xi32, #tpu.memory_space<vmem>>
      %dma_start3A_806 = tpu.memref_squeeze %dma_start3A_805 : memref<1x80xi32, #tpu.memory_space<vmem>> -> memref<80xi32, #tpu.memory_space<vmem>>
      %dma_start3A_807 = arith.constant 0 : i32
      %dma_start3A_808 = arith.constant 0 : i32
      %dma_start3A_809 = tpu.memref_slice %arg9[%dma_start3A_807, %dma_start3A_808] : memref<10000x128xf32, #tpu.memory_space<vmem_shared>> -> memref<10000x128xf32, #tpu.memory_space<vmem_shared>>
      tpu.enqueue_indirect_dma source(%dma_start3A_803 : memref<80x128xf32, #tpu.memory_space<vmem>>) target(%dma_start3A_809 : memref<10000x128xf32, #tpu.memory_space<vmem_shared>>) offsets(%dma_start3A_806 : memref<80xi32, #tpu.memory_space<vmem>>) semaphore(%arg22 : memref<!tpu.dma_semaphore, #tpu.memory_space<semaphore_mem>>) {add = true}
      %add3A_810 = arith.constant 6 : i32
      %add3A_811 = arith.addi %add3A_735, %add3A_810 : i32
      %lt3A_812 = arith.constant 125 : i32
      %lt3A_813 = arith.cmpi slt, %add3A_811, %lt3A_812 : i32
      %convert_element_type3A_814 = arith.extui %lt3A_813 : i1 to i32
      %cond3A_815 = arith.constant 0 : i32
      %cond3A_816 = arith.cmpi ne, %convert_element_type3A_814, %cond3A_815 : i32
      scf.if %cond3A_816 {
        %add3A_1252 = arith.constant 6 : i32
        %add3A_1253 = arith.addi %add3A_735, %add3A_1252 : i32
        %mul3A_1254 = arith.constant 10000 : i32
        %mul3A_1255 = arith.muli %add3A, %mul3A_1254 : i32
        %mul3A_1256 = arith.constant 80 : i32
        %mul3A_1257 = arith.muli %add3A_1253, %mul3A_1256 : i32
        %add3A_1258 = arith.addi %mul3A_1255, %mul3A_1257 : i32
        %multiple_of3A_1259 = tpu.assume_multiple %add3A_1258, 8 : i32
        %dma_start3A_1260 = arith.constant 2 : i32
        %dma_start3A_1261 = arith.constant 0 : i32
        %dma_start3A_1262 = tpu.memref_slice %arg6[%dma_start3A_1260, %dma_start3A_1261] : memref<8x80xi32, #tpu.memory_space<vmem>> -> memref<1x80xi32, #tpu.memory_space<vmem>>
        %dma_start3A_1263 = tpu.memref_squeeze %dma_start3A_1262 : memref<1x80xi32, #tpu.memory_space<vmem>> -> memref<80xi32, #tpu.memory_space<vmem>>
        %dma_start3A_1264 = tpu.memref_slice %arg3[%multiple_of3A_1259] : memref<320000xi32, #tpu.memory_space<hbm>> -> memref<80xi32, #tpu.memory_space<hbm>>
        %dma_start3A_1265 = arith.constant 0 : i32
        %dma_start3A_1266 = tpu.memref_slice %arg6[%dma_start3A_1260, %dma_start3A_1265] : memref<8x80xi32, #tpu.memory_space<vmem>> -> memref<1x80xi32, #tpu.memory_space<vmem>>
        %dma_start3A_1267 = tpu.memref_squeeze %dma_start3A_1266 : memref<1x80xi32, #tpu.memory_space<vmem>> -> memref<80xi32, #tpu.memory_space<vmem>>
        %dma_start3A_1268 = tpu.memref_slice %arg3[%multiple_of3A_1259] : memref<320000xi32, #tpu.memory_space<hbm>> -> memref<80xi32, #tpu.memory_space<hbm>>
        tpu.enqueue_dma source(%dma_start3A_1268 : memref<80xi32, #tpu.memory_space<hbm>>) target(%dma_start3A_1267 : memref<80xi32, #tpu.memory_space<vmem>>) target_semaphore(%arg16 : memref<!tpu.dma_semaphore, #tpu.memory_space<semaphore_mem>>)
        %dma_start3A_1269 = arith.constant 2 : i32
        %dma_start3A_1270 = arith.constant 0 : i32
        %dma_start3A_1271 = tpu.memref_slice %arg7[%dma_start3A_1269, %dma_start3A_1270] : memref<8x80xi32, #tpu.memory_space<vmem>> -> memref<1x80xi32, #tpu.memory_space<vmem>>
        %dma_start3A_1272 = tpu.memref_squeeze %dma_start3A_1271 : memref<1x80xi32, #tpu.memory_space<vmem>> -> memref<80xi32, #tpu.memory_space<vmem>>
        %dma_start3A_1273 = tpu.memref_slice %arg4[%multiple_of3A_1259] : memref<320000xi32, #tpu.memory_space<hbm>> -> memref<80xi32, #tpu.memory_space<hbm>>
        %dma_start3A_1274 = arith.constant 0 : i32
        %dma_start3A_1275 = tpu.memref_slice %arg7[%dma_start3A_1269, %dma_start3A_1274] : memref<8x80xi32, #tpu.memory_space<vmem>> -> memref<1x80xi32, #tpu.memory_space<vmem>>
        %dma_start3A_1276 = tpu.memref_squeeze %dma_start3A_1275 : memref<1x80xi32, #tpu.memory_space<vmem>> -> memref<80xi32, #tpu.memory_space<vmem>>
        %dma_start3A_1277 = tpu.memref_slice %arg4[%multiple_of3A_1259] : memref<320000xi32, #tpu.memory_space<hbm>> -> memref<80xi32, #tpu.memory_space<hbm>>
        tpu.enqueue_dma source(%dma_start3A_1277 : memref<80xi32, #tpu.memory_space<hbm>>) target(%dma_start3A_1276 : memref<80xi32, #tpu.memory_space<vmem>>) target_semaphore(%arg16 : memref<!tpu.dma_semaphore, #tpu.memory_space<semaphore_mem>>)
      } else {
      }
      %mul3A_817 = arith.constant 8 : i32
      %mul3A_818 = arith.muli %mul3A_817, %add3A_556 : i32
      %add3A_819 = arith.constant 2 : i32
      %add3A_820 = arith.addi %add3A_819, %mul3A_818 : i32
      %add3A_821 = arith.constant 3 : i32
      %add3A_822 = arith.addi %add3A_820, %add3A_821 : i32
      %add3A_823 = arith.constant 2 : i32
      %add3A_824 = arith.addi %add3A_822, %add3A_823 : i32
      %mul3A_825 = arith.constant 10000 : i32
      %mul3A_826 = arith.muli %add3A, %mul3A_825 : i32
      %mul3A_827 = arith.constant 80 : i32
      %mul3A_828 = arith.muli %add3A_824, %mul3A_827 : i32
      %add3A_829 = arith.addi %mul3A_826, %mul3A_828 : i32
      %multiple_of3A_830 = tpu.assume_multiple %add3A_829, 8 : i32
      %dma_wait3A_831 = arith.constant 7 : i32
      %dma_wait3A_832 = arith.constant 0 : i32
      %dma_wait3A_833 = tpu.memref_slice %arg6[%dma_wait3A_831, %dma_wait3A_832] : memref<8x80xi32, #tpu.memory_space<vmem>> -> memref<1x80xi32, #tpu.memory_space<vmem>>
      %dma_wait3A_834 = tpu.memref_squeeze %dma_wait3A_833 : memref<1x80xi32, #tpu.memory_space<vmem>> -> memref<80xi32, #tpu.memory_space<vmem>>
      %dma_wait3A_835 = tpu.memref_slice %arg3[%multiple_of3A_830] : memref<320000xi32, #tpu.memory_space<hbm>> -> memref<80xi32, #tpu.memory_space<hbm>>
      %dma_wait3A_836 = arith.constant 0 : i32
      %dma_wait3A_837 = tpu.memref_slice %arg6[%dma_wait3A_831, %dma_wait3A_836] : memref<8x80xi32, #tpu.memory_space<vmem>> -> memref<1x80xi32, #tpu.memory_space<vmem>>
      %dma_wait3A_838 = tpu.memref_squeeze %dma_wait3A_837 : memref<1x80xi32, #tpu.memory_space<vmem>> -> memref<80xi32, #tpu.memory_space<vmem>>
      %dma_wait3A_839 = tpu.memref_slice %arg3[%multiple_of3A_830] : memref<320000xi32, #tpu.memory_space<hbm>> -> memref<80xi32, #tpu.memory_space<hbm>>
      tpu.wait_dma2 semaphore(%arg21 : memref<!tpu.dma_semaphore, #tpu.memory_space<semaphore_mem>>) src(%dma_wait3A_839 : memref<80xi32, #tpu.memory_space<hbm>>) dst(%dma_wait3A_838 : memref<80xi32, #tpu.memory_space<vmem>>)
      %dma_wait3A_840 = arith.constant 7 : i32
      %dma_wait3A_841 = arith.constant 0 : i32
      %dma_wait3A_842 = tpu.memref_slice %arg7[%dma_wait3A_840, %dma_wait3A_841] : memref<8x80xi32, #tpu.memory_space<vmem>> -> memref<1x80xi32, #tpu.memory_space<vmem>>
      %dma_wait3A_843 = tpu.memref_squeeze %dma_wait3A_842 : memref<1x80xi32, #tpu.memory_space<vmem>> -> memref<80xi32, #tpu.memory_space<vmem>>
      %dma_wait3A_844 = tpu.memref_slice %arg4[%multiple_of3A_830] : memref<320000xi32, #tpu.memory_space<hbm>> -> memref<80xi32, #tpu.memory_space<hbm>>
      %dma_wait3A_845 = arith.constant 0 : i32
      %dma_wait3A_846 = tpu.memref_slice %arg7[%dma_wait3A_840, %dma_wait3A_845] : memref<8x80xi32, #tpu.memory_space<vmem>> -> memref<1x80xi32, #tpu.memory_space<vmem>>
      %dma_wait3A_847 = tpu.memref_squeeze %dma_wait3A_846 : memref<1x80xi32, #tpu.memory_space<vmem>> -> memref<80xi32, #tpu.memory_space<vmem>>
      %dma_wait3A_848 = tpu.memref_slice %arg4[%multiple_of3A_830] : memref<320000xi32, #tpu.memory_space<hbm>> -> memref<80xi32, #tpu.memory_space<hbm>>
      tpu.wait_dma2 semaphore(%arg21 : memref<!tpu.dma_semaphore, #tpu.memory_space<semaphore_mem>>) src(%dma_wait3A_848 : memref<80xi32, #tpu.memory_space<hbm>>) dst(%dma_wait3A_847 : memref<80xi32, #tpu.memory_space<vmem>>)
      %dma_wait3A_849 = arith.constant 3 : i32
      %dma_wait3A_850 = arith.constant 3 : i32
      %dma_wait3A_851 = arith.constant 0 : i32
      %dma_wait3A_852 = arith.constant 0 : i32
      %dma_wait3A_853 = tpu.memref_slice %arg8[%dma_wait3A_849, %dma_wait3A_851, %dma_wait3A_852] : memref<4x80x128xf32, #tpu.memory_space<vmem>> -> memref<1x80x128xf32, #tpu.memory_space<vmem>>
      %dma_wait3A_854 = tpu.memref_squeeze %dma_wait3A_853 : memref<1x80x128xf32, #tpu.memory_space<vmem>> -> memref<80x128xf32, #tpu.memory_space<vmem>>
      %dma_wait3A_855 = arith.constant 0 : i32
      %dma_wait3A_856 = tpu.memref_slice %arg7[%dma_wait3A_850, %dma_wait3A_855] : memref<8x80xi32, #tpu.memory_space<vmem>> -> memref<1x80xi32, #tpu.memory_space<vmem>>
      %dma_wait3A_857 = tpu.memref_squeeze %dma_wait3A_856 : memref<1x80xi32, #tpu.memory_space<vmem>> -> memref<80xi32, #tpu.memory_space<vmem>>
      %dma_wait3A_858 = arith.constant 0 : i32
      %dma_wait3A_859 = arith.constant 0 : i32
      %dma_wait3A_860 = tpu.memref_slice %arg9[%dma_wait3A_858, %dma_wait3A_859] : memref<10000x128xf32, #tpu.memory_space<vmem_shared>> -> memref<10000x128xf32, #tpu.memory_space<vmem_shared>>
      tpu.wait_indirect_dma semaphore(%arg25 : memref<!tpu.dma_semaphore, #tpu.memory_space<semaphore_mem>>) src(%dma_wait3A_854 : memref<80x128xf32, #tpu.memory_space<vmem>>) dst(%dma_wait3A_860 : memref<10000x128xf32, #tpu.memory_space<vmem_shared>>)
      %dma_start3A_861 = arith.constant 7 : i32
      %dma_start3A_862 = arith.constant 3 : i32
      %dma_start3A_863 = arith.constant 0 : i32
      %dma_start3A_864 = arith.constant 0 : i32
      %dma_start3A_865 = tpu.memref_slice %arg8[%dma_start3A_862, %dma_start3A_863, %dma_start3A_864] : memref<4x80x128xf32, #tpu.memory_space<vmem>> -> memref<1x80x128xf32, #tpu.memory_space<vmem>>
      %dma_start3A_866 = tpu.memref_squeeze %dma_start3A_865 : memref<1x80x128xf32, #tpu.memory_space<vmem>> -> memref<80x128xf32, #tpu.memory_space<vmem>>
      %dma_start3A_867 = arith.constant 0 : i32
      %dma_start3A_868 = tpu.memref_slice %arg6[%dma_start3A_861, %dma_start3A_867] : memref<8x80xi32, #tpu.memory_space<vmem>> -> memref<1x80xi32, #tpu.memory_space<vmem>>
      %dma_start3A_869 = tpu.memref_squeeze %dma_start3A_868 : memref<1x80xi32, #tpu.memory_space<vmem>> -> memref<80xi32, #tpu.memory_space<vmem>>
      %dma_start3A_870 = arith.constant 0 : i32
      %dma_start3A_871 = arith.constant 0 : i32
      %dma_start3A_872 = tpu.memref_slice %arg2[%dma_start3A_870, %dma_start3A_871] : memref<10000x128xf32, #tpu.memory_space<hbm>> -> memref<10000x128xf32, #tpu.memory_space<hbm>>
      tpu.enqueue_indirect_dma source(%dma_start3A_872 : memref<10000x128xf32, #tpu.memory_space<hbm>>) target(%dma_start3A_866 : memref<80x128xf32, #tpu.memory_space<vmem>>) offsets(%dma_start3A_869 : memref<80xi32, #tpu.memory_space<vmem>>) semaphore(%arg13 : memref<!tpu.dma_semaphore, #tpu.memory_space<semaphore_mem>>)
      %dma_wait3A_873 = arith.constant 5 : i32
      %dma_wait3A_874 = arith.constant 1 : i32
      %dma_wait3A_875 = arith.constant 0 : i32
      %dma_wait3A_876 = arith.constant 0 : i32
      %dma_wait3A_877 = tpu.memref_slice %arg8[%dma_wait3A_874, %dma_wait3A_875, %dma_wait3A_876] : memref<4x80x128xf32, #tpu.memory_space<vmem>> -> memref<1x80x128xf32, #tpu.memory_space<vmem>>
      %dma_wait3A_878 = tpu.memref_squeeze %dma_wait3A_877 : memref<1x80x128xf32, #tpu.memory_space<vmem>> -> memref<80x128xf32, #tpu.memory_space<vmem>>
      %dma_wait3A_879 = arith.constant 0 : i32
      %dma_wait3A_880 = tpu.memref_slice %arg6[%dma_wait3A_873, %dma_wait3A_879] : memref<8x80xi32, #tpu.memory_space<vmem>> -> memref<1x80xi32, #tpu.memory_space<vmem>>
      %dma_wait3A_881 = tpu.memref_squeeze %dma_wait3A_880 : memref<1x80xi32, #tpu.memory_space<vmem>> -> memref<80xi32, #tpu.memory_space<vmem>>
      %dma_wait3A_882 = arith.constant 0 : i32
      %dma_wait3A_883 = arith.constant 0 : i32
      %dma_wait3A_884 = tpu.memref_slice %arg2[%dma_wait3A_882, %dma_wait3A_883] : memref<10000x128xf32, #tpu.memory_space<hbm>> -> memref<10000x128xf32, #tpu.memory_space<hbm>>
      tpu.wait_indirect_dma semaphore(%arg11 : memref<!tpu.dma_semaphore, #tpu.memory_space<semaphore_mem>>) src(%dma_wait3A_884 : memref<10000x128xf32, #tpu.memory_space<hbm>>) dst(%dma_wait3A_878 : memref<80x128xf32, #tpu.memory_space<vmem>>)
      %dma_start3A_885 = arith.constant 1 : i32
      %dma_start3A_886 = arith.constant 5 : i32
      %dma_start3A_887 = arith.constant 0 : i32
      %dma_start3A_888 = arith.constant 0 : i32
      %dma_start3A_889 = tpu.memref_slice %arg8[%dma_start3A_885, %dma_start3A_887, %dma_start3A_888] : memref<4x80x128xf32, #tpu.memory_space<vmem>> -> memref<1x80x128xf32, #tpu.memory_space<vmem>>
      %dma_start3A_890 = tpu.memref_squeeze %dma_start3A_889 : memref<1x80x128xf32, #tpu.memory_space<vmem>> -> memref<80x128xf32, #tpu.memory_space<vmem>>
      %dma_start3A_891 = arith.constant 0 : i32
      %dma_start3A_892 = tpu.memref_slice %arg7[%dma_start3A_886, %dma_start3A_891] : memref<8x80xi32, #tpu.memory_space<vmem>> -> memref<1x80xi32, #tpu.memory_space<vmem>>
      %dma_start3A_893 = tpu.memref_squeeze %dma_start3A_892 : memref<1x80xi32, #tpu.memory_space<vmem>> -> memref<80xi32, #tpu.memory_space<vmem>>
      %dma_start3A_894 = arith.constant 0 : i32
      %dma_start3A_895 = arith.constant 0 : i32
      %dma_start3A_896 = tpu.memref_slice %arg9[%dma_start3A_894, %dma_start3A_895] : memref<10000x128xf32, #tpu.memory_space<vmem_shared>> -> memref<10000x128xf32, #tpu.memory_space<vmem_shared>>
      tpu.enqueue_indirect_dma source(%dma_start3A_890 : memref<80x128xf32, #tpu.memory_space<vmem>>) target(%dma_start3A_896 : memref<10000x128xf32, #tpu.memory_space<vmem_shared>>) offsets(%dma_start3A_893 : memref<80xi32, #tpu.memory_space<vmem>>) semaphore(%arg23 : memref<!tpu.dma_semaphore, #tpu.memory_space<semaphore_mem>>) {add = true}
      %add3A_897 = arith.constant 6 : i32
      %add3A_898 = arith.addi %add3A_822, %add3A_897 : i32
      %lt3A_899 = arith.constant 125 : i32
      %lt3A_900 = arith.cmpi slt, %add3A_898, %lt3A_899 : i32
      %convert_element_type3A_901 = arith.extui %lt3A_900 : i1 to i32
      %cond3A_902 = arith.constant 0 : i32
      %cond3A_903 = arith.cmpi ne, %convert_element_type3A_901, %cond3A_902 : i32
      scf.if %cond3A_903 {
        %add3A_1252 = arith.constant 6 : i32
        %add3A_1253 = arith.addi %add3A_822, %add3A_1252 : i32
        %mul3A_1254 = arith.constant 10000 : i32
        %mul3A_1255 = arith.muli %add3A, %mul3A_1254 : i32
        %mul3A_1256 = arith.constant 80 : i32
        %mul3A_1257 = arith.muli %add3A_1253, %mul3A_1256 : i32
        %add3A_1258 = arith.addi %mul3A_1255, %mul3A_1257 : i32
        %multiple_of3A_1259 = tpu.assume_multiple %add3A_1258, 8 : i32
        %dma_start3A_1260 = arith.constant 3 : i32
        %dma_start3A_1261 = arith.constant 0 : i32
        %dma_start3A_1262 = tpu.memref_slice %arg6[%dma_start3A_1260, %dma_start3A_1261] : memref<8x80xi32, #tpu.memory_space<vmem>> -> memref<1x80xi32, #tpu.memory_space<vmem>>
        %dma_start3A_1263 = tpu.memref_squeeze %dma_start3A_1262 : memref<1x80xi32, #tpu.memory_space<vmem>> -> memref<80xi32, #tpu.memory_space<vmem>>
        %dma_start3A_1264 = tpu.memref_slice %arg3[%multiple_of3A_1259] : memref<320000xi32, #tpu.memory_space<hbm>> -> memref<80xi32, #tpu.memory_space<hbm>>
        %dma_start3A_1265 = arith.constant 0 : i32
        %dma_start3A_1266 = tpu.memref_slice %arg6[%dma_start3A_1260, %dma_start3A_1265] : memref<8x80xi32, #tpu.memory_space<vmem>> -> memref<1x80xi32, #tpu.memory_space<vmem>>
        %dma_start3A_1267 = tpu.memref_squeeze %dma_start3A_1266 : memref<1x80xi32, #tpu.memory_space<vmem>> -> memref<80xi32, #tpu.memory_space<vmem>>
        %dma_start3A_1268 = tpu.memref_slice %arg3[%multiple_of3A_1259] : memref<320000xi32, #tpu.memory_space<hbm>> -> memref<80xi32, #tpu.memory_space<hbm>>
        tpu.enqueue_dma source(%dma_start3A_1268 : memref<80xi32, #tpu.memory_space<hbm>>) target(%dma_start3A_1267 : memref<80xi32, #tpu.memory_space<vmem>>) target_semaphore(%arg17 : memref<!tpu.dma_semaphore, #tpu.memory_space<semaphore_mem>>)
        %dma_start3A_1269 = arith.constant 3 : i32
        %dma_start3A_1270 = arith.constant 0 : i32
        %dma_start3A_1271 = tpu.memref_slice %arg7[%dma_start3A_1269, %dma_start3A_1270] : memref<8x80xi32, #tpu.memory_space<vmem>> -> memref<1x80xi32, #tpu.memory_space<vmem>>
        %dma_start3A_1272 = tpu.memref_squeeze %dma_start3A_1271 : memref<1x80xi32, #tpu.memory_space<vmem>> -> memref<80xi32, #tpu.memory_space<vmem>>
        %dma_start3A_1273 = tpu.memref_slice %arg4[%multiple_of3A_1259] : memref<320000xi32, #tpu.memory_space<hbm>> -> memref<80xi32, #tpu.memory_space<hbm>>
        %dma_start3A_1274 = arith.constant 0 : i32
        %dma_start3A_1275 = tpu.memref_slice %arg7[%dma_start3A_1269, %dma_start3A_1274] : memref<8x80xi32, #tpu.memory_space<vmem>> -> memref<1x80xi32, #tpu.memory_space<vmem>>
        %dma_start3A_1276 = tpu.memref_squeeze %dma_start3A_1275 : memref<1x80xi32, #tpu.memory_space<vmem>> -> memref<80xi32, #tpu.memory_space<vmem>>
        %dma_start3A_1277 = tpu.memref_slice %arg4[%multiple_of3A_1259] : memref<320000xi32, #tpu.memory_space<hbm>> -> memref<80xi32, #tpu.memory_space<hbm>>
        tpu.enqueue_dma source(%dma_start3A_1277 : memref<80xi32, #tpu.memory_space<hbm>>) target(%dma_start3A_1276 : memref<80xi32, #tpu.memory_space<vmem>>) target_semaphore(%arg17 : memref<!tpu.dma_semaphore, #tpu.memory_space<semaphore_mem>>)
      } else {
      }
      %mul3A_904 = arith.constant 8 : i32
      %mul3A_905 = arith.muli %mul3A_904, %add3A_556 : i32
      %add3A_906 = arith.constant 2 : i32
      %add3A_907 = arith.addi %add3A_906, %mul3A_905 : i32
      %add3A_908 = arith.constant 4 : i32
      %add3A_909 = arith.addi %add3A_907, %add3A_908 : i32
      %add3A_910 = arith.constant 2 : i32
      %add3A_911 = arith.addi %add3A_909, %add3A_910 : i32
      %mul3A_912 = arith.constant 10000 : i32
      %mul3A_913 = arith.muli %add3A, %mul3A_912 : i32
      %mul3A_914 = arith.constant 80 : i32
      %mul3A_915 = arith.muli %add3A_911, %mul3A_914 : i32
      %add3A_916 = arith.addi %mul3A_913, %mul3A_915 : i32
      %multiple_of3A_917 = tpu.assume_multiple %add3A_916, 8 : i32
      %dma_wait3A_918 = arith.constant 0 : i32
      %dma_wait3A_919 = arith.constant 0 : i32
      %dma_wait3A_920 = tpu.memref_slice %arg6[%dma_wait3A_918, %dma_wait3A_919] : memref<8x80xi32, #tpu.memory_space<vmem>> -> memref<1x80xi32, #tpu.memory_space<vmem>>
      %dma_wait3A_921 = tpu.memref_squeeze %dma_wait3A_920 : memref<1x80xi32, #tpu.memory_space<vmem>> -> memref<80xi32, #tpu.memory_space<vmem>>
      %dma_wait3A_922 = tpu.memref_slice %arg3[%multiple_of3A_917] : memref<320000xi32, #tpu.memory_space<hbm>> -> memref<80xi32, #tpu.memory_space<hbm>>
      %dma_wait3A_923 = arith.constant 0 : i32
      %dma_wait3A_924 = tpu.memref_slice %arg6[%dma_wait3A_918, %dma_wait3A_923] : memref<8x80xi32, #tpu.memory_space<vmem>> -> memref<1x80xi32, #tpu.memory_space<vmem>>
      %dma_wait3A_925 = tpu.memref_squeeze %dma_wait3A_924 : memref<1x80xi32, #tpu.memory_space<vmem>> -> memref<80xi32, #tpu.memory_space<vmem>>
      %dma_wait3A_926 = tpu.memref_slice %arg3[%multiple_of3A_917] : memref<320000xi32, #tpu.memory_space<hbm>> -> memref<80xi32, #tpu.memory_space<hbm>>
      tpu.wait_dma2 semaphore(%arg14 : memref<!tpu.dma_semaphore, #tpu.memory_space<semaphore_mem>>) src(%dma_wait3A_926 : memref<80xi32, #tpu.memory_space<hbm>>) dst(%dma_wait3A_925 : memref<80xi32, #tpu.memory_space<vmem>>)
      %dma_wait3A_927 = arith.constant 0 : i32
      %dma_wait3A_928 = arith.constant 0 : i32
      %dma_wait3A_929 = tpu.memref_slice %arg7[%dma_wait3A_927, %dma_wait3A_928] : memref<8x80xi32, #tpu.memory_space<vmem>> -> memref<1x80xi32, #tpu.memory_space<vmem>>
      %dma_wait3A_930 = tpu.memref_squeeze %dma_wait3A_929 : memref<1x80xi32, #tpu.memory_space<vmem>> -> memref<80xi32, #tpu.memory_space<vmem>>
      %dma_wait3A_931 = tpu.memref_slice %arg4[%multiple_of3A_917] : memref<320000xi32, #tpu.memory_space<hbm>> -> memref<80xi32, #tpu.memory_space<hbm>>
      %dma_wait3A_932 = arith.constant 0 : i32
      %dma_wait3A_933 = tpu.memref_slice %arg7[%dma_wait3A_927, %dma_wait3A_932] : memref<8x80xi32, #tpu.memory_space<vmem>> -> memref<1x80xi32, #tpu.memory_space<vmem>>
      %dma_wait3A_934 = tpu.memref_squeeze %dma_wait3A_933 : memref<1x80xi32, #tpu.memory_space<vmem>> -> memref<80xi32, #tpu.memory_space<vmem>>
      %dma_wait3A_935 = tpu.memref_slice %arg4[%multiple_of3A_917] : memref<320000xi32, #tpu.memory_space<hbm>> -> memref<80xi32, #tpu.memory_space<hbm>>
      tpu.wait_dma2 semaphore(%arg14 : memref<!tpu.dma_semaphore, #tpu.memory_space<semaphore_mem>>) src(%dma_wait3A_935 : memref<80xi32, #tpu.memory_space<hbm>>) dst(%dma_wait3A_934 : memref<80xi32, #tpu.memory_space<vmem>>)
      %dma_wait3A_936 = arith.constant 0 : i32
      %dma_wait3A_937 = arith.constant 4 : i32
      %dma_wait3A_938 = arith.constant 0 : i32
      %dma_wait3A_939 = arith.constant 0 : i32
      %dma_wait3A_940 = tpu.memref_slice %arg8[%dma_wait3A_936, %dma_wait3A_938, %dma_wait3A_939] : memref<4x80x128xf32, #tpu.memory_space<vmem>> -> memref<1x80x128xf32, #tpu.memory_space<vmem>>
      %dma_wait3A_941 = tpu.memref_squeeze %dma_wait3A_940 : memref<1x80x128xf32, #tpu.memory_space<vmem>> -> memref<80x128xf32, #tpu.memory_space<vmem>>
      %dma_wait3A_942 = arith.constant 0 : i32
      %dma_wait3A_943 = tpu.memref_slice %arg7[%dma_wait3A_937, %dma_wait3A_942] : memref<8x80xi32, #tpu.memory_space<vmem>> -> memref<1x80xi32, #tpu.memory_space<vmem>>
      %dma_wait3A_944 = tpu.memref_squeeze %dma_wait3A_943 : memref<1x80xi32, #tpu.memory_space<vmem>> -> memref<80xi32, #tpu.memory_space<vmem>>
      %dma_wait3A_945 = arith.constant 0 : i32
      %dma_wait3A_946 = arith.constant 0 : i32
      %dma_wait3A_947 = tpu.memref_slice %arg9[%dma_wait3A_945, %dma_wait3A_946] : memref<10000x128xf32, #tpu.memory_space<vmem_shared>> -> memref<10000x128xf32, #tpu.memory_space<vmem_shared>>
      tpu.wait_indirect_dma semaphore(%arg22 : memref<!tpu.dma_semaphore, #tpu.memory_space<semaphore_mem>>) src(%dma_wait3A_941 : memref<80x128xf32, #tpu.memory_space<vmem>>) dst(%dma_wait3A_947 : memref<10000x128xf32, #tpu.memory_space<vmem_shared>>)
      %dma_start3A_948 = arith.constant 0 : i32
      %dma_start3A_949 = arith.constant 0 : i32
      %dma_start3A_950 = arith.constant 0 : i32
      %dma_start3A_951 = arith.constant 0 : i32
      %dma_start3A_952 = tpu.memref_slice %arg8[%dma_start3A_949, %dma_start3A_950, %dma_start3A_951] : memref<4x80x128xf32, #tpu.memory_space<vmem>> -> memref<1x80x128xf32, #tpu.memory_space<vmem>>
      %dma_start3A_953 = tpu.memref_squeeze %dma_start3A_952 : memref<1x80x128xf32, #tpu.memory_space<vmem>> -> memref<80x128xf32, #tpu.memory_space<vmem>>
      %dma_start3A_954 = arith.constant 0 : i32
      %dma_start3A_955 = tpu.memref_slice %arg6[%dma_start3A_948, %dma_start3A_954] : memref<8x80xi32, #tpu.memory_space<vmem>> -> memref<1x80xi32, #tpu.memory_space<vmem>>
      %dma_start3A_956 = tpu.memref_squeeze %dma_start3A_955 : memref<1x80xi32, #tpu.memory_space<vmem>> -> memref<80xi32, #tpu.memory_space<vmem>>
      %dma_start3A_957 = arith.constant 0 : i32
      %dma_start3A_958 = arith.constant 0 : i32
      %dma_start3A_959 = tpu.memref_slice %arg2[%dma_start3A_957, %dma_start3A_958] : memref<10000x128xf32, #tpu.memory_space<hbm>> -> memref<10000x128xf32, #tpu.memory_space<hbm>>
      tpu.enqueue_indirect_dma source(%dma_start3A_959 : memref<10000x128xf32, #tpu.memory_space<hbm>>) target(%dma_start3A_953 : memref<80x128xf32, #tpu.memory_space<vmem>>) offsets(%dma_start3A_956 : memref<80xi32, #tpu.memory_space<vmem>>) semaphore(%arg10 : memref<!tpu.dma_semaphore, #tpu.memory_space<semaphore_mem>>)
      %dma_wait3A_960 = arith.constant 6 : i32
      %dma_wait3A_961 = arith.constant 2 : i32
      %dma_wait3A_962 = arith.constant 0 : i32
      %dma_wait3A_963 = arith.constant 0 : i32
      %dma_wait3A_964 = tpu.memref_slice %arg8[%dma_wait3A_961, %dma_wait3A_962, %dma_wait3A_963] : memref<4x80x128xf32, #tpu.memory_space<vmem>> -> memref<1x80x128xf32, #tpu.memory_space<vmem>>
      %dma_wait3A_965 = tpu.memref_squeeze %dma_wait3A_964 : memref<1x80x128xf32, #tpu.memory_space<vmem>> -> memref<80x128xf32, #tpu.memory_space<vmem>>
      %dma_wait3A_966 = arith.constant 0 : i32
      %dma_wait3A_967 = tpu.memref_slice %arg6[%dma_wait3A_960, %dma_wait3A_966] : memref<8x80xi32, #tpu.memory_space<vmem>> -> memref<1x80xi32, #tpu.memory_space<vmem>>
      %dma_wait3A_968 = tpu.memref_squeeze %dma_wait3A_967 : memref<1x80xi32, #tpu.memory_space<vmem>> -> memref<80xi32, #tpu.memory_space<vmem>>
      %dma_wait3A_969 = arith.constant 0 : i32
      %dma_wait3A_970 = arith.constant 0 : i32
      %dma_wait3A_971 = tpu.memref_slice %arg2[%dma_wait3A_969, %dma_wait3A_970] : memref<10000x128xf32, #tpu.memory_space<hbm>> -> memref<10000x128xf32, #tpu.memory_space<hbm>>
      tpu.wait_indirect_dma semaphore(%arg12 : memref<!tpu.dma_semaphore, #tpu.memory_space<semaphore_mem>>) src(%dma_wait3A_971 : memref<10000x128xf32, #tpu.memory_space<hbm>>) dst(%dma_wait3A_965 : memref<80x128xf32, #tpu.memory_space<vmem>>)
      %dma_start3A_972 = arith.constant 2 : i32
      %dma_start3A_973 = arith.constant 6 : i32
      %dma_start3A_974 = arith.constant 0 : i32
      %dma_start3A_975 = arith.constant 0 : i32
      %dma_start3A_976 = tpu.memref_slice %arg8[%dma_start3A_972, %dma_start3A_974, %dma_start3A_975] : memref<4x80x128xf32, #tpu.memory_space<vmem>> -> memref<1x80x128xf32, #tpu.memory_space<vmem>>
      %dma_start3A_977 = tpu.memref_squeeze %dma_start3A_976 : memref<1x80x128xf32, #tpu.memory_space<vmem>> -> memref<80x128xf32, #tpu.memory_space<vmem>>
      %dma_start3A_978 = arith.constant 0 : i32
      %dma_start3A_979 = tpu.memref_slice %arg7[%dma_start3A_973, %dma_start3A_978] : memref<8x80xi32, #tpu.memory_space<vmem>> -> memref<1x80xi32, #tpu.memory_space<vmem>>
      %dma_start3A_980 = tpu.memref_squeeze %dma_start3A_979 : memref<1x80xi32, #tpu.memory_space<vmem>> -> memref<80xi32, #tpu.memory_space<vmem>>
      %dma_start3A_981 = arith.constant 0 : i32
      %dma_start3A_982 = arith.constant 0 : i32
      %dma_start3A_983 = tpu.memref_slice %arg9[%dma_start3A_981, %dma_start3A_982] : memref<10000x128xf32, #tpu.memory_space<vmem_shared>> -> memref<10000x128xf32, #tpu.memory_space<vmem_shared>>
      tpu.enqueue_indirect_dma source(%dma_start3A_977 : memref<80x128xf32, #tpu.memory_space<vmem>>) target(%dma_start3A_983 : memref<10000x128xf32, #tpu.memory_space<vmem_shared>>) offsets(%dma_start3A_980 : memref<80xi32, #tpu.memory_space<vmem>>) semaphore(%arg24 : memref<!tpu.dma_semaphore, #tpu.memory_space<semaphore_mem>>) {add = true}
      %add3A_984 = arith.constant 6 : i32
      %add3A_985 = arith.addi %add3A_909, %add3A_984 : i32
      %lt3A_986 = arith.constant 125 : i32
      %lt3A_987 = arith.cmpi slt, %add3A_985, %lt3A_986 : i32
      %convert_element_type3A_988 = arith.extui %lt3A_987 : i1 to i32
      %cond3A_989 = arith.constant 0 : i32
      %cond3A_990 = arith.cmpi ne, %convert_element_type3A_988, %cond3A_989 : i32
      scf.if %cond3A_990 {
        %add3A_1252 = arith.constant 6 : i32
        %add3A_1253 = arith.addi %add3A_909, %add3A_1252 : i32
        %mul3A_1254 = arith.constant 10000 : i32
        %mul3A_1255 = arith.muli %add3A, %mul3A_1254 : i32
        %mul3A_1256 = arith.constant 80 : i32
        %mul3A_1257 = arith.muli %add3A_1253, %mul3A_1256 : i32
        %add3A_1258 = arith.addi %mul3A_1255, %mul3A_1257 : i32
        %multiple_of3A_1259 = tpu.assume_multiple %add3A_1258, 8 : i32
        %dma_start3A_1260 = arith.constant 4 : i32
        %dma_start3A_1261 = arith.constant 0 : i32
        %dma_start3A_1262 = tpu.memref_slice %arg6[%dma_start3A_1260, %dma_start3A_1261] : memref<8x80xi32, #tpu.memory_space<vmem>> -> memref<1x80xi32, #tpu.memory_space<vmem>>
        %dma_start3A_1263 = tpu.memref_squeeze %dma_start3A_1262 : memref<1x80xi32, #tpu.memory_space<vmem>> -> memref<80xi32, #tpu.memory_space<vmem>>
        %dma_start3A_1264 = tpu.memref_slice %arg3[%multiple_of3A_1259] : memref<320000xi32, #tpu.memory_space<hbm>> -> memref<80xi32, #tpu.memory_space<hbm>>
        %dma_start3A_1265 = arith.constant 0 : i32
        %dma_start3A_1266 = tpu.memref_slice %arg6[%dma_start3A_1260, %dma_start3A_1265] : memref<8x80xi32, #tpu.memory_space<vmem>> -> memref<1x80xi32, #tpu.memory_space<vmem>>
        %dma_start3A_1267 = tpu.memref_squeeze %dma_start3A_1266 : memref<1x80xi32, #tpu.memory_space<vmem>> -> memref<80xi32, #tpu.memory_space<vmem>>
        %dma_start3A_1268 = tpu.memref_slice %arg3[%multiple_of3A_1259] : memref<320000xi32, #tpu.memory_space<hbm>> -> memref<80xi32, #tpu.memory_space<hbm>>
        tpu.enqueue_dma source(%dma_start3A_1268 : memref<80xi32, #tpu.memory_space<hbm>>) target(%dma_start3A_1267 : memref<80xi32, #tpu.memory_space<vmem>>) target_semaphore(%arg18 : memref<!tpu.dma_semaphore, #tpu.memory_space<semaphore_mem>>)
        %dma_start3A_1269 = arith.constant 4 : i32
        %dma_start3A_1270 = arith.constant 0 : i32
        %dma_start3A_1271 = tpu.memref_slice %arg7[%dma_start3A_1269, %dma_start3A_1270] : memref<8x80xi32, #tpu.memory_space<vmem>> -> memref<1x80xi32, #tpu.memory_space<vmem>>
        %dma_start3A_1272 = tpu.memref_squeeze %dma_start3A_1271 : memref<1x80xi32, #tpu.memory_space<vmem>> -> memref<80xi32, #tpu.memory_space<vmem>>
        %dma_start3A_1273 = tpu.memref_slice %arg4[%multiple_of3A_1259] : memref<320000xi32, #tpu.memory_space<hbm>> -> memref<80xi32, #tpu.memory_space<hbm>>
        %dma_start3A_1274 = arith.constant 0 : i32
        %dma_start3A_1275 = tpu.memref_slice %arg7[%dma_start3A_1269, %dma_start3A_1274] : memref<8x80xi32, #tpu.memory_space<vmem>> -> memref<1x80xi32, #tpu.memory_space<vmem>>
        %dma_start3A_1276 = tpu.memref_squeeze %dma_start3A_1275 : memref<1x80xi32, #tpu.memory_space<vmem>> -> memref<80xi32, #tpu.memory_space<vmem>>
        %dma_start3A_1277 = tpu.memref_slice %arg4[%multiple_of3A_1259] : memref<320000xi32, #tpu.memory_space<hbm>> -> memref<80xi32, #tpu.memory_space<hbm>>
        tpu.enqueue_dma source(%dma_start3A_1277 : memref<80xi32, #tpu.memory_space<hbm>>) target(%dma_start3A_1276 : memref<80xi32, #tpu.memory_space<vmem>>) target_semaphore(%arg18 : memref<!tpu.dma_semaphore, #tpu.memory_space<semaphore_mem>>)
      } else {
      }
      %mul3A_991 = arith.constant 8 : i32
      %mul3A_992 = arith.muli %mul3A_991, %add3A_556 : i32
      %add3A_993 = arith.constant 2 : i32
      %add3A_994 = arith.addi %add3A_993, %mul3A_992 : i32
      %add3A_995 = arith.constant 5 : i32
      %add3A_996 = arith.addi %add3A_994, %add3A_995 : i32
      %add3A_997 = arith.constant 2 : i32
      %add3A_998 = arith.addi %add3A_996, %add3A_997 : i32
      %mul3A_999 = arith.constant 10000 : i32
      %mul3A_1000 = arith.muli %add3A, %mul3A_999 : i32
      %mul3A_1001 = arith.constant 80 : i32
      %mul3A_1002 = arith.muli %add3A_998, %mul3A_1001 : i32
      %add3A_1003 = arith.addi %mul3A_1000, %mul3A_1002 : i32
      %multiple_of3A_1004 = tpu.assume_multiple %add3A_1003, 8 : i32
      %dma_wait3A_1005 = arith.constant 1 : i32
      %dma_wait3A_1006 = arith.constant 0 : i32
      %dma_wait3A_1007 = tpu.memref_slice %arg6[%dma_wait3A_1005, %dma_wait3A_1006] : memref<8x80xi32, #tpu.memory_space<vmem>> -> memref<1x80xi32, #tpu.memory_space<vmem>>
      %dma_wait3A_1008 = tpu.memref_squeeze %dma_wait3A_1007 : memref<1x80xi32, #tpu.memory_space<vmem>> -> memref<80xi32, #tpu.memory_space<vmem>>
      %dma_wait3A_1009 = tpu.memref_slice %arg3[%multiple_of3A_1004] : memref<320000xi32, #tpu.memory_space<hbm>> -> memref<80xi32, #tpu.memory_space<hbm>>
      %dma_wait3A_1010 = arith.constant 0 : i32
      %dma_wait3A_1011 = tpu.memref_slice %arg6[%dma_wait3A_1005, %dma_wait3A_1010] : memref<8x80xi32, #tpu.memory_space<vmem>> -> memref<1x80xi32, #tpu.memory_space<vmem>>
      %dma_wait3A_1012 = tpu.memref_squeeze %dma_wait3A_1011 : memref<1x80xi32, #tpu.memory_space<vmem>> -> memref<80xi32, #tpu.memory_space<vmem>>
      %dma_wait3A_1013 = tpu.memref_slice %arg3[%multiple_of3A_1004] : memref<320000xi32, #tpu.memory_space<hbm>> -> memref<80xi32, #tpu.memory_space<hbm>>
      tpu.wait_dma2 semaphore(%arg15 : memref<!tpu.dma_semaphore, #tpu.memory_space<semaphore_mem>>) src(%dma_wait3A_1013 : memref<80xi32, #tpu.memory_space<hbm>>) dst(%dma_wait3A_1012 : memref<80xi32, #tpu.memory_space<vmem>>)
      %dma_wait3A_1014 = arith.constant 1 : i32
      %dma_wait3A_1015 = arith.constant 0 : i32
      %dma_wait3A_1016 = tpu.memref_slice %arg7[%dma_wait3A_1014, %dma_wait3A_1015] : memref<8x80xi32, #tpu.memory_space<vmem>> -> memref<1x80xi32, #tpu.memory_space<vmem>>
      %dma_wait3A_1017 = tpu.memref_squeeze %dma_wait3A_1016 : memref<1x80xi32, #tpu.memory_space<vmem>> -> memref<80xi32, #tpu.memory_space<vmem>>
      %dma_wait3A_1018 = tpu.memref_slice %arg4[%multiple_of3A_1004] : memref<320000xi32, #tpu.memory_space<hbm>> -> memref<80xi32, #tpu.memory_space<hbm>>
      %dma_wait3A_1019 = arith.constant 0 : i32
      %dma_wait3A_1020 = tpu.memref_slice %arg7[%dma_wait3A_1014, %dma_wait3A_1019] : memref<8x80xi32, #tpu.memory_space<vmem>> -> memref<1x80xi32, #tpu.memory_space<vmem>>
      %dma_wait3A_1021 = tpu.memref_squeeze %dma_wait3A_1020 : memref<1x80xi32, #tpu.memory_space<vmem>> -> memref<80xi32, #tpu.memory_space<vmem>>
      %dma_wait3A_1022 = tpu.memref_slice %arg4[%multiple_of3A_1004] : memref<320000xi32, #tpu.memory_space<hbm>> -> memref<80xi32, #tpu.memory_space<hbm>>
      tpu.wait_dma2 semaphore(%arg15 : memref<!tpu.dma_semaphore, #tpu.memory_space<semaphore_mem>>) src(%dma_wait3A_1022 : memref<80xi32, #tpu.memory_space<hbm>>) dst(%dma_wait3A_1021 : memref<80xi32, #tpu.memory_space<vmem>>)
      %dma_wait3A_1023 = arith.constant 1 : i32
      %dma_wait3A_1024 = arith.constant 5 : i32
      %dma_wait3A_1025 = arith.constant 0 : i32
      %dma_wait3A_1026 = arith.constant 0 : i32
      %dma_wait3A_1027 = tpu.memref_slice %arg8[%dma_wait3A_1023, %dma_wait3A_1025, %dma_wait3A_1026] : memref<4x80x128xf32, #tpu.memory_space<vmem>> -> memref<1x80x128xf32, #tpu.memory_space<vmem>>
      %dma_wait3A_1028 = tpu.memref_squeeze %dma_wait3A_1027 : memref<1x80x128xf32, #tpu.memory_space<vmem>> -> memref<80x128xf32, #tpu.memory_space<vmem>>
      %dma_wait3A_1029 = arith.constant 0 : i32
      %dma_wait3A_1030 = tpu.memref_slice %arg7[%dma_wait3A_1024, %dma_wait3A_1029] : memref<8x80xi32, #tpu.memory_space<vmem>> -> memref<1x80xi32, #tpu.memory_space<vmem>>
      %dma_wait3A_1031 = tpu.memref_squeeze %dma_wait3A_1030 : memref<1x80xi32, #tpu.memory_space<vmem>> -> memref<80xi32, #tpu.memory_space<vmem>>
      %dma_wait3A_1032 = arith.constant 0 : i32
      %dma_wait3A_1033 = arith.constant 0 : i32
      %dma_wait3A_1034 = tpu.memref_slice %arg9[%dma_wait3A_1032, %dma_wait3A_1033] : memref<10000x128xf32, #tpu.memory_space<vmem_shared>> -> memref<10000x128xf32, #tpu.memory_space<vmem_shared>>
      tpu.wait_indirect_dma semaphore(%arg23 : memref<!tpu.dma_semaphore, #tpu.memory_space<semaphore_mem>>) src(%dma_wait3A_1028 : memref<80x128xf32, #tpu.memory_space<vmem>>) dst(%dma_wait3A_1034 : memref<10000x128xf32, #tpu.memory_space<vmem_shared>>)
      %dma_start3A_1035 = arith.constant 1 : i32
      %dma_start3A_1036 = arith.constant 1 : i32
      %dma_start3A_1037 = arith.constant 0 : i32
      %dma_start3A_1038 = arith.constant 0 : i32
      %dma_start3A_1039 = tpu.memref_slice %arg8[%dma_start3A_1036, %dma_start3A_1037, %dma_start3A_1038] : memref<4x80x128xf32, #tpu.memory_space<vmem>> -> memref<1x80x128xf32, #tpu.memory_space<vmem>>
      %dma_start3A_1040 = tpu.memref_squeeze %dma_start3A_1039 : memref<1x80x128xf32, #tpu.memory_space<vmem>> -> memref<80x128xf32, #tpu.memory_space<vmem>>
      %dma_start3A_1041 = arith.constant 0 : i32
      %dma_start3A_1042 = tpu.memref_slice %arg6[%dma_start3A_1035, %dma_start3A_1041] : memref<8x80xi32, #tpu.memory_space<vmem>> -> memref<1x80xi32, #tpu.memory_space<vmem>>
      %dma_start3A_1043 = tpu.memref_squeeze %dma_start3A_1042 : memref<1x80xi32, #tpu.memory_space<vmem>> -> memref<80xi32, #tpu.memory_space<vmem>>
      %dma_start3A_1044 = arith.constant 0 : i32
      %dma_start3A_1045 = arith.constant 0 : i32
      %dma_start3A_1046 = tpu.memref_slice %arg2[%dma_start3A_1044, %dma_start3A_1045] : memref<10000x128xf32, #tpu.memory_space<hbm>> -> memref<10000x128xf32, #tpu.memory_space<hbm>>
      tpu.enqueue_indirect_dma source(%dma_start3A_1046 : memref<10000x128xf32, #tpu.memory_space<hbm>>) target(%dma_start3A_1040 : memref<80x128xf32, #tpu.memory_space<vmem>>) offsets(%dma_start3A_1043 : memref<80xi32, #tpu.memory_space<vmem>>) semaphore(%arg11 : memref<!tpu.dma_semaphore, #tpu.memory_space<semaphore_mem>>)
      %dma_wait3A_1047 = arith.constant 7 : i32
      %dma_wait3A_1048 = arith.constant 3 : i32
      %dma_wait3A_1049 = arith.constant 0 : i32
      %dma_wait3A_1050 = arith.constant 0 : i32
      %dma_wait3A_1051 = tpu.memref_slice %arg8[%dma_wait3A_1048, %dma_wait3A_1049, %dma_wait3A_1050] : memref<4x80x128xf32, #tpu.memory_space<vmem>> -> memref<1x80x128xf32, #tpu.memory_space<vmem>>
      %dma_wait3A_1052 = tpu.memref_squeeze %dma_wait3A_1051 : memref<1x80x128xf32, #tpu.memory_space<vmem>> -> memref<80x128xf32, #tpu.memory_space<vmem>>
      %dma_wait3A_1053 = arith.constant 0 : i32
      %dma_wait3A_1054 = tpu.memref_slice %arg6[%dma_wait3A_1047, %dma_wait3A_1053] : memref<8x80xi32, #tpu.memory_space<vmem>> -> memref<1x80xi32, #tpu.memory_space<vmem>>
      %dma_wait3A_1055 = tpu.memref_squeeze %dma_wait3A_1054 : memref<1x80xi32, #tpu.memory_space<vmem>> -> memref<80xi32, #tpu.memory_space<vmem>>
      %dma_wait3A_1056 = arith.constant 0 : i32
      %dma_wait3A_1057 = arith.constant 0 : i32
      %dma_wait3A_1058 = tpu.memref_slice %arg2[%dma_wait3A_1056, %dma_wait3A_1057] : memref<10000x128xf32, #tpu.memory_space<hbm>> -> memref<10000x128xf32, #tpu.memory_space<hbm>>
      tpu.wait_indirect_dma semaphore(%arg13 : memref<!tpu.dma_semaphore, #tpu.memory_space<semaphore_mem>>) src(%dma_wait3A_1058 : memref<10000x128xf32, #tpu.memory_space<hbm>>) dst(%dma_wait3A_1052 : memref<80x128xf32, #tpu.memory_space<vmem>>)
      %dma_start3A_1059 = arith.constant 3 : i32
      %dma_start3A_1060 = arith.constant 7 : i32
      %dma_start3A_1061 = arith.constant 0 : i32
      %dma_start3A_1062 = arith.constant 0 : i32
      %dma_start3A_1063 = tpu.memref_slice %arg8[%dma_start3A_1059, %dma_start3A_1061, %dma_start3A_1062] : memref<4x80x128xf32, #tpu.memory_space<vmem>> -> memref<1x80x128xf32, #tpu.memory_space<vmem>>
      %dma_start3A_1064 = tpu.memref_squeeze %dma_start3A_1063 : memref<1x80x128xf32, #tpu.memory_space<vmem>> -> memref<80x128xf32, #tpu.memory_space<vmem>>
      %dma_start3A_1065 = arith.constant 0 : i32
      %dma_start3A_1066 = tpu.memref_slice %arg7[%dma_start3A_1060, %dma_start3A_1065] : memref<8x80xi32, #tpu.memory_space<vmem>> -> memref<1x80xi32, #tpu.memory_space<vmem>>
      %dma_start3A_1067 = tpu.memref_squeeze %dma_start3A_1066 : memref<1x80xi32, #tpu.memory_space<vmem>> -> memref<80xi32, #tpu.memory_space<vmem>>
      %dma_start3A_1068 = arith.constant 0 : i32
      %dma_start3A_1069 = arith.constant 0 : i32
      %dma_start3A_1070 = tpu.memref_slice %arg9[%dma_start3A_1068, %dma_start3A_1069] : memref<10000x128xf32, #tpu.memory_space<vmem_shared>> -> memref<10000x128xf32, #tpu.memory_space<vmem_shared>>
      tpu.enqueue_indirect_dma source(%dma_start3A_1064 : memref<80x128xf32, #tpu.memory_space<vmem>>) target(%dma_start3A_1070 : memref<10000x128xf32, #tpu.memory_space<vmem_shared>>) offsets(%dma_start3A_1067 : memref<80xi32, #tpu.memory_space<vmem>>) semaphore(%arg25 : memref<!tpu.dma_semaphore, #tpu.memory_space<semaphore_mem>>) {add = true}
      %add3A_1071 = arith.constant 6 : i32
      %add3A_1072 = arith.addi %add3A_996, %add3A_1071 : i32
      %lt3A_1073 = arith.constant 125 : i32
      %lt3A_1074 = arith.cmpi slt, %add3A_1072, %lt3A_1073 : i32
      %convert_element_type3A_1075 = arith.extui %lt3A_1074 : i1 to i32
      %cond3A_1076 = arith.constant 0 : i32
      %cond3A_1077 = arith.cmpi ne, %convert_element_type3A_1075, %cond3A_1076 : i32
      scf.if %cond3A_1077 {
        %add3A_1252 = arith.constant 6 : i32
        %add3A_1253 = arith.addi %add3A_996, %add3A_1252 : i32
        %mul3A_1254 = arith.constant 10000 : i32
        %mul3A_1255 = arith.muli %add3A, %mul3A_1254 : i32
        %mul3A_1256 = arith.constant 80 : i32
        %mul3A_1257 = arith.muli %add3A_1253, %mul3A_1256 : i32
        %add3A_1258 = arith.addi %mul3A_1255, %mul3A_1257 : i32
        %multiple_of3A_1259 = tpu.assume_multiple %add3A_1258, 8 : i32
        %dma_start3A_1260 = arith.constant 5 : i32
        %dma_start3A_1261 = arith.constant 0 : i32
        %dma_start3A_1262 = tpu.memref_slice %arg6[%dma_start3A_1260, %dma_start3A_1261] : memref<8x80xi32, #tpu.memory_space<vmem>> -> memref<1x80xi32, #tpu.memory_space<vmem>>
        %dma_start3A_1263 = tpu.memref_squeeze %dma_start3A_1262 : memref<1x80xi32, #tpu.memory_space<vmem>> -> memref<80xi32, #tpu.memory_space<vmem>>
        %dma_start3A_1264 = tpu.memref_slice %arg3[%multiple_of3A_1259] : memref<320000xi32, #tpu.memory_space<hbm>> -> memref<80xi32, #tpu.memory_space<hbm>>
        %dma_start3A_1265 = arith.constant 0 : i32
        %dma_start3A_1266 = tpu.memref_slice %arg6[%dma_start3A_1260, %dma_start3A_1265] : memref<8x80xi32, #tpu.memory_space<vmem>> -> memref<1x80xi32, #tpu.memory_space<vmem>>
        %dma_start3A_1267 = tpu.memref_squeeze %dma_start3A_1266 : memref<1x80xi32, #tpu.memory_space<vmem>> -> memref<80xi32, #tpu.memory_space<vmem>>
        %dma_start3A_1268 = tpu.memref_slice %arg3[%multiple_of3A_1259] : memref<320000xi32, #tpu.memory_space<hbm>> -> memref<80xi32, #tpu.memory_space<hbm>>
        tpu.enqueue_dma source(%dma_start3A_1268 : memref<80xi32, #tpu.memory_space<hbm>>) target(%dma_start3A_1267 : memref<80xi32, #tpu.memory_space<vmem>>) target_semaphore(%arg19 : memref<!tpu.dma_semaphore, #tpu.memory_space<semaphore_mem>>)
        %dma_start3A_1269 = arith.constant 5 : i32
        %dma_start3A_1270 = arith.constant 0 : i32
        %dma_start3A_1271 = tpu.memref_slice %arg7[%dma_start3A_1269, %dma_start3A_1270] : memref<8x80xi32, #tpu.memory_space<vmem>> -> memref<1x80xi32, #tpu.memory_space<vmem>>
        %dma_start3A_1272 = tpu.memref_squeeze %dma_start3A_1271 : memref<1x80xi32, #tpu.memory_space<vmem>> -> memref<80xi32, #tpu.memory_space<vmem>>
        %dma_start3A_1273 = tpu.memref_slice %arg4[%multiple_of3A_1259] : memref<320000xi32, #tpu.memory_space<hbm>> -> memref<80xi32, #tpu.memory_space<hbm>>
        %dma_start3A_1274 = arith.constant 0 : i32
        %dma_start3A_1275 = tpu.memref_slice %arg7[%dma_start3A_1269, %dma_start3A_1274] : memref<8x80xi32, #tpu.memory_space<vmem>> -> memref<1x80xi32, #tpu.memory_space<vmem>>
        %dma_start3A_1276 = tpu.memref_squeeze %dma_start3A_1275 : memref<1x80xi32, #tpu.memory_space<vmem>> -> memref<80xi32, #tpu.memory_space<vmem>>
        %dma_start3A_1277 = tpu.memref_slice %arg4[%multiple_of3A_1259] : memref<320000xi32, #tpu.memory_space<hbm>> -> memref<80xi32, #tpu.memory_space<hbm>>
        tpu.enqueue_dma source(%dma_start3A_1277 : memref<80xi32, #tpu.memory_space<hbm>>) target(%dma_start3A_1276 : memref<80xi32, #tpu.memory_space<vmem>>) target_semaphore(%arg19 : memref<!tpu.dma_semaphore, #tpu.memory_space<semaphore_mem>>)
      } else {
      }
      %mul3A_1078 = arith.constant 8 : i32
      %mul3A_1079 = arith.muli %mul3A_1078, %add3A_556 : i32
      %add3A_1080 = arith.constant 2 : i32
      %add3A_1081 = arith.addi %add3A_1080, %mul3A_1079 : i32
      %add3A_1082 = arith.constant 6 : i32
      %add3A_1083 = arith.addi %add3A_1081, %add3A_1082 : i32
      %add3A_1084 = arith.constant 2 : i32
      %add3A_1085 = arith.addi %add3A_1083, %add3A_1084 : i32
      %mul3A_1086 = arith.constant 10000 : i32
      %mul3A_1087 = arith.muli %add3A, %mul3A_1086 : i32
      %mul3A_1088 = arith.constant 80 : i32
      %mul3A_1089 = arith.muli %add3A_1085, %mul3A_1088 : i32
      %add3A_1090 = arith.addi %mul3A_1087, %mul3A_1089 : i32
      %multiple_of3A_1091 = tpu.assume_multiple %add3A_1090, 8 : i32
      %dma_wait3A_1092 = arith.constant 2 : i32
      %dma_wait3A_1093 = arith.constant 0 : i32
      %dma_wait3A_1094 = tpu.memref_slice %arg6[%dma_wait3A_1092, %dma_wait3A_1093] : memref<8x80xi32, #tpu.memory_space<vmem>> -> memref<1x80xi32, #tpu.memory_space<vmem>>
      %dma_wait3A_1095 = tpu.memref_squeeze %dma_wait3A_1094 : memref<1x80xi32, #tpu.memory_space<vmem>> -> memref<80xi32, #tpu.memory_space<vmem>>
      %dma_wait3A_1096 = tpu.memref_slice %arg3[%multiple_of3A_1091] : memref<320000xi32, #tpu.memory_space<hbm>> -> memref<80xi32, #tpu.memory_space<hbm>>
      %dma_wait3A_1097 = arith.constant 0 : i32
      %dma_wait3A_1098 = tpu.memref_slice %arg6[%dma_wait3A_1092, %dma_wait3A_1097] : memref<8x80xi32, #tpu.memory_space<vmem>> -> memref<1x80xi32, #tpu.memory_space<vmem>>
      %dma_wait3A_1099 = tpu.memref_squeeze %dma_wait3A_1098 : memref<1x80xi32, #tpu.memory_space<vmem>> -> memref<80xi32, #tpu.memory_space<vmem>>
      %dma_wait3A_1100 = tpu.memref_slice %arg3[%multiple_of3A_1091] : memref<320000xi32, #tpu.memory_space<hbm>> -> memref<80xi32, #tpu.memory_space<hbm>>
      tpu.wait_dma2 semaphore(%arg16 : memref<!tpu.dma_semaphore, #tpu.memory_space<semaphore_mem>>) src(%dma_wait3A_1100 : memref<80xi32, #tpu.memory_space<hbm>>) dst(%dma_wait3A_1099 : memref<80xi32, #tpu.memory_space<vmem>>)
      %dma_wait3A_1101 = arith.constant 2 : i32
      %dma_wait3A_1102 = arith.constant 0 : i32
      %dma_wait3A_1103 = tpu.memref_slice %arg7[%dma_wait3A_1101, %dma_wait3A_1102] : memref<8x80xi32, #tpu.memory_space<vmem>> -> memref<1x80xi32, #tpu.memory_space<vmem>>
      %dma_wait3A_1104 = tpu.memref_squeeze %dma_wait3A_1103 : memref<1x80xi32, #tpu.memory_space<vmem>> -> memref<80xi32, #tpu.memory_space<vmem>>
      %dma_wait3A_1105 = tpu.memref_slice %arg4[%multiple_of3A_1091] : memref<320000xi32, #tpu.memory_space<hbm>> -> memref<80xi32, #tpu.memory_space<hbm>>
      %dma_wait3A_1106 = arith.constant 0 : i32
      %dma_wait3A_1107 = tpu.memref_slice %arg7[%dma_wait3A_1101, %dma_wait3A_1106] : memref<8x80xi32, #tpu.memory_space<vmem>> -> memref<1x80xi32, #tpu.memory_space<vmem>>
      %dma_wait3A_1108 = tpu.memref_squeeze %dma_wait3A_1107 : memref<1x80xi32, #tpu.memory_space<vmem>> -> memref<80xi32, #tpu.memory_space<vmem>>
      %dma_wait3A_1109 = tpu.memref_slice %arg4[%multiple_of3A_1091] : memref<320000xi32, #tpu.memory_space<hbm>> -> memref<80xi32, #tpu.memory_space<hbm>>
      tpu.wait_dma2 semaphore(%arg16 : memref<!tpu.dma_semaphore, #tpu.memory_space<semaphore_mem>>) src(%dma_wait3A_1109 : memref<80xi32, #tpu.memory_space<hbm>>) dst(%dma_wait3A_1108 : memref<80xi32, #tpu.memory_space<vmem>>)
      %dma_wait3A_1110 = arith.constant 2 : i32
      %dma_wait3A_1111 = arith.constant 6 : i32
      %dma_wait3A_1112 = arith.constant 0 : i32
      %dma_wait3A_1113 = arith.constant 0 : i32
      %dma_wait3A_1114 = tpu.memref_slice %arg8[%dma_wait3A_1110, %dma_wait3A_1112, %dma_wait3A_1113] : memref<4x80x128xf32, #tpu.memory_space<vmem>> -> memref<1x80x128xf32, #tpu.memory_space<vmem>>
      %dma_wait3A_1115 = tpu.memref_squeeze %dma_wait3A_1114 : memref<1x80x128xf32, #tpu.memory_space<vmem>> -> memref<80x128xf32, #tpu.memory_space<vmem>>
      %dma_wait3A_1116 = arith.constant 0 : i32
      %dma_wait3A_1117 = tpu.memref_slice %arg7[%dma_wait3A_1111, %dma_wait3A_1116] : memref<8x80xi32, #tpu.memory_space<vmem>> -> memref<1x80xi32, #tpu.memory_space<vmem>>
      %dma_wait3A_1118 = tpu.memref_squeeze %dma_wait3A_1117 : memref<1x80xi32, #tpu.memory_space<vmem>> -> memref<80xi32, #tpu.memory_space<vmem>>
      %dma_wait3A_1119 = arith.constant 0 : i32
      %dma_wait3A_1120 = arith.constant 0 : i32
      %dma_wait3A_1121 = tpu.memref_slice %arg9[%dma_wait3A_1119, %dma_wait3A_1120] : memref<10000x128xf32, #tpu.memory_space<vmem_shared>> -> memref<10000x128xf32, #tpu.memory_space<vmem_shared>>
      tpu.wait_indirect_dma semaphore(%arg24 : memref<!tpu.dma_semaphore, #tpu.memory_space<semaphore_mem>>) src(%dma_wait3A_1115 : memref<80x128xf32, #tpu.memory_space<vmem>>) dst(%dma_wait3A_1121 : memref<10000x128xf32, #tpu.memory_space<vmem_shared>>)
      %dma_start3A_1122 = arith.constant 2 : i32
      %dma_start3A_1123 = arith.constant 2 : i32
      %dma_start3A_1124 = arith.constant 0 : i32
      %dma_start3A_1125 = arith.constant 0 : i32
      %dma_start3A_1126 = tpu.memref_slice %arg8[%dma_start3A_1123, %dma_start3A_1124, %dma_start3A_1125] : memref<4x80x128xf32, #tpu.memory_space<vmem>> -> memref<1x80x128xf32, #tpu.memory_space<vmem>>
      %dma_start3A_1127 = tpu.memref_squeeze %dma_start3A_1126 : memref<1x80x128xf32, #tpu.memory_space<vmem>> -> memref<80x128xf32, #tpu.memory_space<vmem>>
      %dma_start3A_1128 = arith.constant 0 : i32
      %dma_start3A_1129 = tpu.memref_slice %arg6[%dma_start3A_1122, %dma_start3A_1128] : memref<8x80xi32, #tpu.memory_space<vmem>> -> memref<1x80xi32, #tpu.memory_space<vmem>>
      %dma_start3A_1130 = tpu.memref_squeeze %dma_start3A_1129 : memref<1x80xi32, #tpu.memory_space<vmem>> -> memref<80xi32, #tpu.memory_space<vmem>>
      %dma_start3A_1131 = arith.constant 0 : i32
      %dma_start3A_1132 = arith.constant 0 : i32
      %dma_start3A_1133 = tpu.memref_slice %arg2[%dma_start3A_1131, %dma_start3A_1132] : memref<10000x128xf32, #tpu.memory_space<hbm>> -> memref<10000x128xf32, #tpu.memory_space<hbm>>
      tpu.enqueue_indirect_dma source(%dma_start3A_1133 : memref<10000x128xf32, #tpu.memory_space<hbm>>) target(%dma_start3A_1127 : memref<80x128xf32, #tpu.memory_space<vmem>>) offsets(%dma_start3A_1130 : memref<80xi32, #tpu.memory_space<vmem>>) semaphore(%arg12 : memref<!tpu.dma_semaphore, #tpu.memory_space<semaphore_mem>>)
      %dma_wait3A_1134 = arith.constant 0 : i32
      %dma_wait3A_1135 = arith.constant 0 : i32
      %dma_wait3A_1136 = arith.constant 0 : i32
      %dma_wait3A_1137 = arith.constant 0 : i32
      %dma_wait3A_1138 = tpu.memref_slice %arg8[%dma_wait3A_1135, %dma_wait3A_1136, %dma_wait3A_1137] : memref<4x80x128xf32, #tpu.memory_space<vmem>> -> memref<1x80x128xf32, #tpu.memory_space<vmem>>
      %dma_wait3A_1139 = tpu.memref_squeeze %dma_wait3A_1138 : memref<1x80x128xf32, #tpu.memory_space<vmem>> -> memref<80x128xf32, #tpu.memory_space<vmem>>
      %dma_wait3A_1140 = arith.constant 0 : i32
      %dma_wait3A_1141 = tpu.memref_slice %arg6[%dma_wait3A_1134, %dma_wait3A_1140] : memref<8x80xi32, #tpu.memory_space<vmem>> -> memref<1x80xi32, #tpu.memory_space<vmem>>
      %dma_wait3A_1142 = tpu.memref_squeeze %dma_wait3A_1141 : memref<1x80xi32, #tpu.memory_space<vmem>> -> memref<80xi32, #tpu.memory_space<vmem>>
      %dma_wait3A_1143 = arith.constant 0 : i32
      %dma_wait3A_1144 = arith.constant 0 : i32
      %dma_wait3A_1145 = tpu.memref_slice %arg2[%dma_wait3A_1143, %dma_wait3A_1144] : memref<10000x128xf32, #tpu.memory_space<hbm>> -> memref<10000x128xf32, #tpu.memory_space<hbm>>
      tpu.wait_indirect_dma semaphore(%arg10 : memref<!tpu.dma_semaphore, #tpu.memory_space<semaphore_mem>>) src(%dma_wait3A_1145 : memref<10000x128xf32, #tpu.memory_space<hbm>>) dst(%dma_wait3A_1139 : memref<80x128xf32, #tpu.memory_space<vmem>>)
      %dma_start3A_1146 = arith.constant 0 : i32
      %dma_start3A_1147 = arith.constant 0 : i32
      %dma_start3A_1148 = arith.constant 0 : i32
      %dma_start3A_1149 = arith.constant 0 : i32
      %dma_start3A_1150 = tpu.memref_slice %arg8[%dma_start3A_1146, %dma_start3A_1148, %dma_start3A_1149] : memref<4x80x128xf32, #tpu.memory_space<vmem>> -> memref<1x80x128xf32, #tpu.memory_space<vmem>>
      %dma_start3A_1151 = tpu.memref_squeeze %dma_start3A_1150 : memref<1x80x128xf32, #tpu.memory_space<vmem>> -> memref<80x128xf32, #tpu.memory_space<vmem>>
      %dma_start3A_1152 = arith.constant 0 : i32
      %dma_start3A_1153 = tpu.memref_slice %arg7[%dma_start3A_1147, %dma_start3A_1152] : memref<8x80xi32, #tpu.memory_space<vmem>> -> memref<1x80xi32, #tpu.memory_space<vmem>>
      %dma_start3A_1154 = tpu.memref_squeeze %dma_start3A_1153 : memref<1x80xi32, #tpu.memory_space<vmem>> -> memref<80xi32, #tpu.memory_space<vmem>>
      %dma_start3A_1155 = arith.constant 0 : i32
      %dma_start3A_1156 = arith.constant 0 : i32
      %dma_start3A_1157 = tpu.memref_slice %arg9[%dma_start3A_1155, %dma_start3A_1156] : memref<10000x128xf32, #tpu.memory_space<vmem_shared>> -> memref<10000x128xf32, #tpu.memory_space<vmem_shared>>
      tpu.enqueue_indirect_dma source(%dma_start3A_1151 : memref<80x128xf32, #tpu.memory_space<vmem>>) target(%dma_start3A_1157 : memref<10000x128xf32, #tpu.memory_space<vmem_shared>>) offsets(%dma_start3A_1154 : memref<80xi32, #tpu.memory_space<vmem>>) semaphore(%arg22 : memref<!tpu.dma_semaphore, #tpu.memory_space<semaphore_mem>>) {add = true}
      %add3A_1158 = arith.constant 6 : i32
      %add3A_1159 = arith.addi %add3A_1083, %add3A_1158 : i32
      %lt3A_1160 = arith.constant 125 : i32
      %lt3A_1161 = arith.cmpi slt, %add3A_1159, %lt3A_1160 : i32
      %convert_element_type3A_1162 = arith.extui %lt3A_1161 : i1 to i32
      %cond3A_1163 = arith.constant 0 : i32
      %cond3A_1164 = arith.cmpi ne, %convert_element_type3A_1162, %cond3A_1163 : i32
      scf.if %cond3A_1164 {
        %add3A_1252 = arith.constant 6 : i32
        %add3A_1253 = arith.addi %add3A_1083, %add3A_1252 : i32
        %mul3A_1254 = arith.constant 10000 : i32
        %mul3A_1255 = arith.muli %add3A, %mul3A_1254 : i32
        %mul3A_1256 = arith.constant 80 : i32
        %mul3A_1257 = arith.muli %add3A_1253, %mul3A_1256 : i32
        %add3A_1258 = arith.addi %mul3A_1255, %mul3A_1257 : i32
        %multiple_of3A_1259 = tpu.assume_multiple %add3A_1258, 8 : i32
        %dma_start3A_1260 = arith.constant 6 : i32
        %dma_start3A_1261 = arith.constant 0 : i32
        %dma_start3A_1262 = tpu.memref_slice %arg6[%dma_start3A_1260, %dma_start3A_1261] : memref<8x80xi32, #tpu.memory_space<vmem>> -> memref<1x80xi32, #tpu.memory_space<vmem>>
        %dma_start3A_1263 = tpu.memref_squeeze %dma_start3A_1262 : memref<1x80xi32, #tpu.memory_space<vmem>> -> memref<80xi32, #tpu.memory_space<vmem>>
        %dma_start3A_1264 = tpu.memref_slice %arg3[%multiple_of3A_1259] : memref<320000xi32, #tpu.memory_space<hbm>> -> memref<80xi32, #tpu.memory_space<hbm>>
        %dma_start3A_1265 = arith.constant 0 : i32
        %dma_start3A_1266 = tpu.memref_slice %arg6[%dma_start3A_1260, %dma_start3A_1265] : memref<8x80xi32, #tpu.memory_space<vmem>> -> memref<1x80xi32, #tpu.memory_space<vmem>>
        %dma_start3A_1267 = tpu.memref_squeeze %dma_start3A_1266 : memref<1x80xi32, #tpu.memory_space<vmem>> -> memref<80xi32, #tpu.memory_space<vmem>>
        %dma_start3A_1268 = tpu.memref_slice %arg3[%multiple_of3A_1259] : memref<320000xi32, #tpu.memory_space<hbm>> -> memref<80xi32, #tpu.memory_space<hbm>>
        tpu.enqueue_dma source(%dma_start3A_1268 : memref<80xi32, #tpu.memory_space<hbm>>) target(%dma_start3A_1267 : memref<80xi32, #tpu.memory_space<vmem>>) target_semaphore(%arg20 : memref<!tpu.dma_semaphore, #tpu.memory_space<semaphore_mem>>)
        %dma_start3A_1269 = arith.constant 6 : i32
        %dma_start3A_1270 = arith.constant 0 : i32
        %dma_start3A_1271 = tpu.memref_slice %arg7[%dma_start3A_1269, %dma_start3A_1270] : memref<8x80xi32, #tpu.memory_space<vmem>> -> memref<1x80xi32, #tpu.memory_space<vmem>>
        %dma_start3A_1272 = tpu.memref_squeeze %dma_start3A_1271 : memref<1x80xi32, #tpu.memory_space<vmem>> -> memref<80xi32, #tpu.memory_space<vmem>>
        %dma_start3A_1273 = tpu.memref_slice %arg4[%multiple_of3A_1259] : memref<320000xi32, #tpu.memory_space<hbm>> -> memref<80xi32, #tpu.memory_space<hbm>>
        %dma_start3A_1274 = arith.constant 0 : i32
        %dma_start3A_1275 = tpu.memref_slice %arg7[%dma_start3A_1269, %dma_start3A_1274] : memref<8x80xi32, #tpu.memory_space<vmem>> -> memref<1x80xi32, #tpu.memory_space<vmem>>
        %dma_start3A_1276 = tpu.memref_squeeze %dma_start3A_1275 : memref<1x80xi32, #tpu.memory_space<vmem>> -> memref<80xi32, #tpu.memory_space<vmem>>
        %dma_start3A_1277 = tpu.memref_slice %arg4[%multiple_of3A_1259] : memref<320000xi32, #tpu.memory_space<hbm>> -> memref<80xi32, #tpu.memory_space<hbm>>
        tpu.enqueue_dma source(%dma_start3A_1277 : memref<80xi32, #tpu.memory_space<hbm>>) target(%dma_start3A_1276 : memref<80xi32, #tpu.memory_space<vmem>>) target_semaphore(%arg20 : memref<!tpu.dma_semaphore, #tpu.memory_space<semaphore_mem>>)
      } else {
      }
      %mul3A_1165 = arith.constant 8 : i32
      %mul3A_1166 = arith.muli %mul3A_1165, %add3A_556 : i32
      %add3A_1167 = arith.constant 2 : i32
      %add3A_1168 = arith.addi %add3A_1167, %mul3A_1166 : i32
      %add3A_1169 = arith.constant 7 : i32
      %add3A_1170 = arith.addi %add3A_1168, %add3A_1169 : i32
      %add3A_1171 = arith.constant 2 : i32
      %add3A_1172 = arith.addi %add3A_1170, %add3A_1171 : i32
      %mul3A_1173 = arith.constant 10000 : i32
      %mul3A_1174 = arith.muli %add3A, %mul3A_1173 : i32
      %mul3A_1175 = arith.constant 80 : i32
      %mul3A_1176 = arith.muli %add3A_1172, %mul3A_1175 : i32
      %add3A_1177 = arith.addi %mul3A_1174, %mul3A_1176 : i32
      %multiple_of3A_1178 = tpu.assume_multiple %add3A_1177, 8 : i32
      %dma_wait3A_1179 = arith.constant 3 : i32
      %dma_wait3A_1180 = arith.constant 0 : i32
      %dma_wait3A_1181 = tpu.memref_slice %arg6[%dma_wait3A_1179, %dma_wait3A_1180] : memref<8x80xi32, #tpu.memory_space<vmem>> -> memref<1x80xi32, #tpu.memory_space<vmem>>
      %dma_wait3A_1182 = tpu.memref_squeeze %dma_wait3A_1181 : memref<1x80xi32, #tpu.memory_space<vmem>> -> memref<80xi32, #tpu.memory_space<vmem>>
      %dma_wait3A_1183 = tpu.memref_slice %arg3[%multiple_of3A_1178] : memref<320000xi32, #tpu.memory_space<hbm>> -> memref<80xi32, #tpu.memory_space<hbm>>
      %dma_wait3A_1184 = arith.constant 0 : i32
      %dma_wait3A_1185 = tpu.memref_slice %arg6[%dma_wait3A_1179, %dma_wait3A_1184] : memref<8x80xi32, #tpu.memory_space<vmem>> -> memref<1x80xi32, #tpu.memory_space<vmem>>
      %dma_wait3A_1186 = tpu.memref_squeeze %dma_wait3A_1185 : memref<1x80xi32, #tpu.memory_space<vmem>> -> memref<80xi32, #tpu.memory_space<vmem>>
      %dma_wait3A_1187 = tpu.memref_slice %arg3[%multiple_of3A_1178] : memref<320000xi32, #tpu.memory_space<hbm>> -> memref<80xi32, #tpu.memory_space<hbm>>
      tpu.wait_dma2 semaphore(%arg17 : memref<!tpu.dma_semaphore, #tpu.memory_space<semaphore_mem>>) src(%dma_wait3A_1187 : memref<80xi32, #tpu.memory_space<hbm>>) dst(%dma_wait3A_1186 : memref<80xi32, #tpu.memory_space<vmem>>)
      %dma_wait3A_1188 = arith.constant 3 : i32
      %dma_wait3A_1189 = arith.constant 0 : i32
      %dma_wait3A_1190 = tpu.memref_slice %arg7[%dma_wait3A_1188, %dma_wait3A_1189] : memref<8x80xi32, #tpu.memory_space<vmem>> -> memref<1x80xi32, #tpu.memory_space<vmem>>
      %dma_wait3A_1191 = tpu.memref_squeeze %dma_wait3A_1190 : memref<1x80xi32, #tpu.memory_space<vmem>> -> memref<80xi32, #tpu.memory_space<vmem>>
      %dma_wait3A_1192 = tpu.memref_slice %arg4[%multiple_of3A_1178] : memref<320000xi32, #tpu.memory_space<hbm>> -> memref<80xi32, #tpu.memory_space<hbm>>
      %dma_wait3A_1193 = arith.constant 0 : i32
      %dma_wait3A_1194 = tpu.memref_slice %arg7[%dma_wait3A_1188, %dma_wait3A_1193] : memref<8x80xi32, #tpu.memory_space<vmem>> -> memref<1x80xi32, #tpu.memory_space<vmem>>
      %dma_wait3A_1195 = tpu.memref_squeeze %dma_wait3A_1194 : memref<1x80xi32, #tpu.memory_space<vmem>> -> memref<80xi32, #tpu.memory_space<vmem>>
      %dma_wait3A_1196 = tpu.memref_slice %arg4[%multiple_of3A_1178] : memref<320000xi32, #tpu.memory_space<hbm>> -> memref<80xi32, #tpu.memory_space<hbm>>
      tpu.wait_dma2 semaphore(%arg17 : memref<!tpu.dma_semaphore, #tpu.memory_space<semaphore_mem>>) src(%dma_wait3A_1196 : memref<80xi32, #tpu.memory_space<hbm>>) dst(%dma_wait3A_1195 : memref<80xi32, #tpu.memory_space<vmem>>)
      %dma_wait3A_1197 = arith.constant 3 : i32
      %dma_wait3A_1198 = arith.constant 7 : i32
      %dma_wait3A_1199 = arith.constant 0 : i32
      %dma_wait3A_1200 = arith.constant 0 : i32
      %dma_wait3A_1201 = tpu.memref_slice %arg8[%dma_wait3A_1197, %dma_wait3A_1199, %dma_wait3A_1200] : memref<4x80x128xf32, #tpu.memory_space<vmem>> -> memref<1x80x128xf32, #tpu.memory_space<vmem>>
      %dma_wait3A_1202 = tpu.memref_squeeze %dma_wait3A_1201 : memref<1x80x128xf32, #tpu.memory_space<vmem>> -> memref<80x128xf32, #tpu.memory_space<vmem>>
      %dma_wait3A_1203 = arith.constant 0 : i32
      %dma_wait3A_1204 = tpu.memref_slice %arg7[%dma_wait3A_1198, %dma_wait3A_1203] : memref<8x80xi32, #tpu.memory_space<vmem>> -> memref<1x80xi32, #tpu.memory_space<vmem>>
      %dma_wait3A_1205 = tpu.memref_squeeze %dma_wait3A_1204 : memref<1x80xi32, #tpu.memory_space<vmem>> -> memref<80xi32, #tpu.memory_space<vmem>>
      %dma_wait3A_1206 = arith.constant 0 : i32
      %dma_wait3A_1207 = arith.constant 0 : i32
      %dma_wait3A_1208 = tpu.memref_slice %arg9[%dma_wait3A_1206, %dma_wait3A_1207] : memref<10000x128xf32, #tpu.memory_space<vmem_shared>> -> memref<10000x128xf32, #tpu.memory_space<vmem_shared>>
      tpu.wait_indirect_dma semaphore(%arg25 : memref<!tpu.dma_semaphore, #tpu.memory_space<semaphore_mem>>) src(%dma_wait3A_1202 : memref<80x128xf32, #tpu.memory_space<vmem>>) dst(%dma_wait3A_1208 : memref<10000x128xf32, #tpu.memory_space<vmem_shared>>)
      %dma_start3A_1209 = arith.constant 3 : i32
      %dma_start3A_1210 = arith.constant 3 : i32
      %dma_start3A_1211 = arith.constant 0 : i32
      %dma_start3A_1212 = arith.constant 0 : i32
      %dma_start3A_1213 = tpu.memref_slice %arg8[%dma_start3A_1210, %dma_start3A_1211, %dma_start3A_1212] : memref<4x80x128xf32, #tpu.memory_space<vmem>> -> memref<1x80x128xf32, #tpu.memory_space<vmem>>
      %dma_start3A_1214 = tpu.memref_squeeze %dma_start3A_1213 : memref<1x80x128xf32, #tpu.memory_space<vmem>> -> memref<80x128xf32, #tpu.memory_space<vmem>>
      %dma_start3A_1215 = arith.constant 0 : i32
      %dma_start3A_1216 = tpu.memref_slice %arg6[%dma_start3A_1209, %dma_start3A_1215] : memref<8x80xi32, #tpu.memory_space<vmem>> -> memref<1x80xi32, #tpu.memory_space<vmem>>
      %dma_start3A_1217 = tpu.memref_squeeze %dma_start3A_1216 : memref<1x80xi32, #tpu.memory_space<vmem>> -> memref<80xi32, #tpu.memory_space<vmem>>
      %dma_start3A_1218 = arith.constant 0 : i32
      %dma_start3A_1219 = arith.constant 0 : i32
      %dma_start3A_1220 = tpu.memref_slice %arg2[%dma_start3A_1218, %dma_start3A_1219] : memref<10000x128xf32, #tpu.memory_space<hbm>> -> memref<10000x128xf32, #tpu.memory_space<hbm>>
      tpu.enqueue_indirect_dma source(%dma_start3A_1220 : memref<10000x128xf32, #tpu.memory_space<hbm>>) target(%dma_start3A_1214 : memref<80x128xf32, #tpu.memory_space<vmem>>) offsets(%dma_start3A_1217 : memref<80xi32, #tpu.memory_space<vmem>>) semaphore(%arg13 : memref<!tpu.dma_semaphore, #tpu.memory_space<semaphore_mem>>)
      %dma_wait3A_1221 = arith.constant 1 : i32
      %dma_wait3A_1222 = arith.constant 1 : i32
      %dma_wait3A_1223 = arith.constant 0 : i32
      %dma_wait3A_1224 = arith.constant 0 : i32
      %dma_wait3A_1225 = tpu.memref_slice %arg8[%dma_wait3A_1222, %dma_wait3A_1223, %dma_wait3A_1224] : memref<4x80x128xf32, #tpu.memory_space<vmem>> -> memref<1x80x128xf32, #tpu.memory_space<vmem>>
      %dma_wait3A_1226 = tpu.memref_squeeze %dma_wait3A_1225 : memref<1x80x128xf32, #tpu.memory_space<vmem>> -> memref<80x128xf32, #tpu.memory_space<vmem>>
      %dma_wait3A_1227 = arith.constant 0 : i32
      %dma_wait3A_1228 = tpu.memref_slice %arg6[%dma_wait3A_1221, %dma_wait3A_1227] : memref<8x80xi32, #tpu.memory_space<vmem>> -> memref<1x80xi32, #tpu.memory_space<vmem>>
      %dma_wait3A_1229 = tpu.memref_squeeze %dma_wait3A_1228 : memref<1x80xi32, #tpu.memory_space<vmem>> -> memref<80xi32, #tpu.memory_space<vmem>>
      %dma_wait3A_1230 = arith.constant 0 : i32
      %dma_wait3A_1231 = arith.constant 0 : i32
      %dma_wait3A_1232 = tpu.memref_slice %arg2[%dma_wait3A_1230, %dma_wait3A_1231] : memref<10000x128xf32, #tpu.memory_space<hbm>> -> memref<10000x128xf32, #tpu.memory_space<hbm>>
      tpu.wait_indirect_dma semaphore(%arg11 : memref<!tpu.dma_semaphore, #tpu.memory_space<semaphore_mem>>) src(%dma_wait3A_1232 : memref<10000x128xf32, #tpu.memory_space<hbm>>) dst(%dma_wait3A_1226 : memref<80x128xf32, #tpu.memory_space<vmem>>)
      %dma_start3A_1233 = arith.constant 1 : i32
      %dma_start3A_1234 = arith.constant 1 : i32
      %dma_start3A_1235 = arith.constant 0 : i32
      %dma_start3A_1236 = arith.constant 0 : i32
      %dma_start3A_1237 = tpu.memref_slice %arg8[%dma_start3A_1233, %dma_start3A_1235, %dma_start3A_1236] : memref<4x80x128xf32, #tpu.memory_space<vmem>> -> memref<1x80x128xf32, #tpu.memory_space<vmem>>
      %dma_start3A_1238 = tpu.memref_squeeze %dma_start3A_1237 : memref<1x80x128xf32, #tpu.memory_space<vmem>> -> memref<80x128xf32, #tpu.memory_space<vmem>>
      %dma_start3A_1239 = arith.constant 0 : i32
      %dma_start3A_1240 = tpu.memref_slice %arg7[%dma_start3A_1234, %dma_start3A_1239] : memref<8x80xi32, #tpu.memory_space<vmem>> -> memref<1x80xi32, #tpu.memory_space<vmem>>
      %dma_start3A_1241 = tpu.memref_squeeze %dma_start3A_1240 : memref<1x80xi32, #tpu.memory_space<vmem>> -> memref<80xi32, #tpu.memory_space<vmem>>
      %dma_start3A_1242 = arith.constant 0 : i32
      %dma_start3A_1243 = arith.constant 0 : i32
      %dma_start3A_1244 = tpu.memref_slice %arg9[%dma_start3A_1242, %dma_start3A_1243] : memref<10000x128xf32, #tpu.memory_space<vmem_shared>> -> memref<10000x128xf32, #tpu.memory_space<vmem_shared>>
      tpu.enqueue_indirect_dma source(%dma_start3A_1238 : memref<80x128xf32, #tpu.memory_space<vmem>>) target(%dma_start3A_1244 : memref<10000x128xf32, #tpu.memory_space<vmem_shared>>) offsets(%dma_start3A_1241 : memref<80xi32, #tpu.memory_space<vmem>>) semaphore(%arg23 : memref<!tpu.dma_semaphore, #tpu.memory_space<semaphore_mem>>) {add = true}
      %add3A_1245 = arith.constant 6 : i32
      %add3A_1246 = arith.addi %add3A_1170, %add3A_1245 : i32
      %lt3A_1247 = arith.constant 125 : i32
      %lt3A_1248 = arith.cmpi slt, %add3A_1246, %lt3A_1247 : i32
      %convert_element_type3A_1249 = arith.extui %lt3A_1248 : i1 to i32
      %cond3A_1250 = arith.constant 0 : i32
      %cond3A_1251 = arith.cmpi ne, %convert_element_type3A_1249, %cond3A_1250 : i32
      scf.if %cond3A_1251 {
        %add3A_1252 = arith.constant 6 : i32
        %add3A_1253 = arith.addi %add3A_1170, %add3A_1252 : i32
        %mul3A_1254 = arith.constant 10000 : i32
        %mul3A_1255 = arith.muli %add3A, %mul3A_1254 : i32
        %mul3A_1256 = arith.constant 80 : i32
        %mul3A_1257 = arith.muli %add3A_1253, %mul3A_1256 : i32
        %add3A_1258 = arith.addi %mul3A_1255, %mul3A_1257 : i32
        %multiple_of3A_1259 = tpu.assume_multiple %add3A_1258, 8 : i32
        %dma_start3A_1260 = arith.constant 7 : i32
        %dma_start3A_1261 = arith.constant 0 : i32
        %dma_start3A_1262 = tpu.memref_slice %arg6[%dma_start3A_1260, %dma_start3A_1261] : memref<8x80xi32, #tpu.memory_space<vmem>> -> memref<1x80xi32, #tpu.memory_space<vmem>>
        %dma_start3A_1263 = tpu.memref_squeeze %dma_start3A_1262 : memref<1x80xi32, #tpu.memory_space<vmem>> -> memref<80xi32, #tpu.memory_space<vmem>>
        %dma_start3A_1264 = tpu.memref_slice %arg3[%multiple_of3A_1259] : memref<320000xi32, #tpu.memory_space<hbm>> -> memref<80xi32, #tpu.memory_space<hbm>>
        %dma_start3A_1265 = arith.constant 0 : i32
        %dma_start3A_1266 = tpu.memref_slice %arg6[%dma_start3A_1260, %dma_start3A_1265] : memref<8x80xi32, #tpu.memory_space<vmem>> -> memref<1x80xi32, #tpu.memory_space<vmem>>
        %dma_start3A_1267 = tpu.memref_squeeze %dma_start3A_1266 : memref<1x80xi32, #tpu.memory_space<vmem>> -> memref<80xi32, #tpu.memory_space<vmem>>
        %dma_start3A_1268 = tpu.memref_slice %arg3[%multiple_of3A_1259] : memref<320000xi32, #tpu.memory_space<hbm>> -> memref<80xi32, #tpu.memory_space<hbm>>
        tpu.enqueue_dma source(%dma_start3A_1268 : memref<80xi32, #tpu.memory_space<hbm>>) target(%dma_start3A_1267 : memref<80xi32, #tpu.memory_space<vmem>>) target_semaphore(%arg21 : memref<!tpu.dma_semaphore, #tpu.memory_space<semaphore_mem>>)
        %dma_start3A_1269 = arith.constant 7 : i32
        %dma_start3A_1270 = arith.constant 0 : i32
        %dma_start3A_1271 = tpu.memref_slice %arg7[%dma_start3A_1269, %dma_start3A_1270] : memref<8x80xi32, #tpu.memory_space<vmem>> -> memref<1x80xi32, #tpu.memory_space<vmem>>
        %dma_start3A_1272 = tpu.memref_squeeze %dma_start3A_1271 : memref<1x80xi32, #tpu.memory_space<vmem>> -> memref<80xi32, #tpu.memory_space<vmem>>
        %dma_start3A_1273 = tpu.memref_slice %arg4[%multiple_of3A_1259] : memref<320000xi32, #tpu.memory_space<hbm>> -> memref<80xi32, #tpu.memory_space<hbm>>
        %dma_start3A_1274 = arith.constant 0 : i32
        %dma_start3A_1275 = tpu.memref_slice %arg7[%dma_start3A_1269, %dma_start3A_1274] : memref<8x80xi32, #tpu.memory_space<vmem>> -> memref<1x80xi32, #tpu.memory_space<vmem>>
        %dma_start3A_1276 = tpu.memref_squeeze %dma_start3A_1275 : memref<1x80xi32, #tpu.memory_space<vmem>> -> memref<80xi32, #tpu.memory_space<vmem>>
        %dma_start3A_1277 = tpu.memref_slice %arg4[%multiple_of3A_1259] : memref<320000xi32, #tpu.memory_space<hbm>> -> memref<80xi32, #tpu.memory_space<hbm>>
        tpu.enqueue_dma source(%dma_start3A_1277 : memref<80xi32, #tpu.memory_space<hbm>>) target(%dma_start3A_1276 : memref<80xi32, #tpu.memory_space<vmem>>) target_semaphore(%arg21 : memref<!tpu.dma_semaphore, #tpu.memory_space<semaphore_mem>>)
      } else {
      }
    }
    %scan3A_378 = arith.constant 15 : i32
    %mul3A_379 = arith.constant 10000 : i32
    %mul3A_380 = arith.muli %add3A, %mul3A_379 : i32
    %add3A_381 = arith.constant 9920 : i32
    %add3A_382 = arith.addi %mul3A_380, %add3A_381 : i32
    %multiple_of3A_383 = tpu.assume_multiple %add3A_382, 8 : i32
    %dma_wait3A_384 = arith.constant 4 : i32
    %dma_wait3A_385 = arith.constant 0 : i32
    %dma_wait3A_386 = tpu.memref_slice %arg6[%dma_wait3A_384, %dma_wait3A_385] : memref<8x80xi32, #tpu.memory_space<vmem>> -> memref<1x80xi32, #tpu.memory_space<vmem>>
    %dma_wait3A_387 = tpu.memref_squeeze %dma_wait3A_386 : memref<1x80xi32, #tpu.memory_space<vmem>> -> memref<80xi32, #tpu.memory_space<vmem>>
    %dma_wait3A_388 = tpu.memref_slice %arg3[%multiple_of3A_383] : memref<320000xi32, #tpu.memory_space<hbm>> -> memref<80xi32, #tpu.memory_space<hbm>>
    %dma_wait3A_389 = arith.constant 0 : i32
    %dma_wait3A_390 = tpu.memref_slice %arg6[%dma_wait3A_384, %dma_wait3A_389] : memref<8x80xi32, #tpu.memory_space<vmem>> -> memref<1x80xi32, #tpu.memory_space<vmem>>
    %dma_wait3A_391 = tpu.memref_squeeze %dma_wait3A_390 : memref<1x80xi32, #tpu.memory_space<vmem>> -> memref<80xi32, #tpu.memory_space<vmem>>
    %dma_wait3A_392 = tpu.memref_slice %arg3[%multiple_of3A_383] : memref<320000xi32, #tpu.memory_space<hbm>> -> memref<80xi32, #tpu.memory_space<hbm>>
    tpu.wait_dma2 semaphore(%arg18 : memref<!tpu.dma_semaphore, #tpu.memory_space<semaphore_mem>>) src(%dma_wait3A_392 : memref<80xi32, #tpu.memory_space<hbm>>) dst(%dma_wait3A_391 : memref<80xi32, #tpu.memory_space<vmem>>)
    %dma_wait3A_393 = arith.constant 4 : i32
    %dma_wait3A_394 = arith.constant 0 : i32
    %dma_wait3A_395 = tpu.memref_slice %arg7[%dma_wait3A_393, %dma_wait3A_394] : memref<8x80xi32, #tpu.memory_space<vmem>> -> memref<1x80xi32, #tpu.memory_space<vmem>>
    %dma_wait3A_396 = tpu.memref_squeeze %dma_wait3A_395 : memref<1x80xi32, #tpu.memory_space<vmem>> -> memref<80xi32, #tpu.memory_space<vmem>>
    %dma_wait3A_397 = tpu.memref_slice %arg4[%multiple_of3A_383] : memref<320000xi32, #tpu.memory_space<hbm>> -> memref<80xi32, #tpu.memory_space<hbm>>
    %dma_wait3A_398 = arith.constant 0 : i32
    %dma_wait3A_399 = tpu.memref_slice %arg7[%dma_wait3A_393, %dma_wait3A_398] : memref<8x80xi32, #tpu.memory_space<vmem>> -> memref<1x80xi32, #tpu.memory_space<vmem>>
    %dma_wait3A_400 = tpu.memref_squeeze %dma_wait3A_399 : memref<1x80xi32, #tpu.memory_space<vmem>> -> memref<80xi32, #tpu.memory_space<vmem>>
    %dma_wait3A_401 = tpu.memref_slice %arg4[%multiple_of3A_383] : memref<320000xi32, #tpu.memory_space<hbm>> -> memref<80xi32, #tpu.memory_space<hbm>>
    tpu.wait_dma2 semaphore(%arg18 : memref<!tpu.dma_semaphore, #tpu.memory_space<semaphore_mem>>) src(%dma_wait3A_401 : memref<80xi32, #tpu.memory_space<hbm>>) dst(%dma_wait3A_400 : memref<80xi32, #tpu.memory_space<vmem>>)
    %dma_wait3A_402 = arith.constant 0 : i32
    %dma_wait3A_403 = arith.constant 0 : i32
    %dma_wait3A_404 = arith.constant 0 : i32
    %dma_wait3A_405 = arith.constant 0 : i32
    %dma_wait3A_406 = tpu.memref_slice %arg8[%dma_wait3A_402, %dma_wait3A_404, %dma_wait3A_405] : memref<4x80x128xf32, #tpu.memory_space<vmem>> -> memref<1x80x128xf32, #tpu.memory_space<vmem>>
    %dma_wait3A_407 = tpu.memref_squeeze %dma_wait3A_406 : memref<1x80x128xf32, #tpu.memory_space<vmem>> -> memref<80x128xf32, #tpu.memory_space<vmem>>
    %dma_wait3A_408 = arith.constant 0 : i32
    %dma_wait3A_409 = tpu.memref_slice %arg7[%dma_wait3A_403, %dma_wait3A_408] : memref<8x80xi32, #tpu.memory_space<vmem>> -> memref<1x80xi32, #tpu.memory_space<vmem>>
    %dma_wait3A_410 = tpu.memref_squeeze %dma_wait3A_409 : memref<1x80xi32, #tpu.memory_space<vmem>> -> memref<80xi32, #tpu.memory_space<vmem>>
    %dma_wait3A_411 = arith.constant 0 : i32
    %dma_wait3A_412 = arith.constant 0 : i32
    %dma_wait3A_413 = tpu.memref_slice %arg9[%dma_wait3A_411, %dma_wait3A_412] : memref<10000x128xf32, #tpu.memory_space<vmem_shared>> -> memref<10000x128xf32, #tpu.memory_space<vmem_shared>>
    tpu.wait_indirect_dma semaphore(%arg22 : memref<!tpu.dma_semaphore, #tpu.memory_space<semaphore_mem>>) src(%dma_wait3A_407 : memref<80x128xf32, #tpu.memory_space<vmem>>) dst(%dma_wait3A_413 : memref<10000x128xf32, #tpu.memory_space<vmem_shared>>)
    %dma_start3A_414 = arith.constant 4 : i32
    %dma_start3A_415 = arith.constant 0 : i32
    %dma_start3A_416 = arith.constant 0 : i32
    %dma_start3A_417 = arith.constant 0 : i32
    %dma_start3A_418 = tpu.memref_slice %arg8[%dma_start3A_415, %dma_start3A_416, %dma_start3A_417] : memref<4x80x128xf32, #tpu.memory_space<vmem>> -> memref<1x80x128xf32, #tpu.memory_space<vmem>>
    %dma_start3A_419 = tpu.memref_squeeze %dma_start3A_418 : memref<1x80x128xf32, #tpu.memory_space<vmem>> -> memref<80x128xf32, #tpu.memory_space<vmem>>
    %dma_start3A_420 = arith.constant 0 : i32
    %dma_start3A_421 = tpu.memref_slice %arg6[%dma_start3A_414, %dma_start3A_420] : memref<8x80xi32, #tpu.memory_space<vmem>> -> memref<1x80xi32, #tpu.memory_space<vmem>>
    %dma_start3A_422 = tpu.memref_squeeze %dma_start3A_421 : memref<1x80xi32, #tpu.memory_space<vmem>> -> memref<80xi32, #tpu.memory_space<vmem>>
    %dma_start3A_423 = arith.constant 0 : i32
    %dma_start3A_424 = arith.constant 0 : i32
    %dma_start3A_425 = tpu.memref_slice %arg2[%dma_start3A_423, %dma_start3A_424] : memref<10000x128xf32, #tpu.memory_space<hbm>> -> memref<10000x128xf32, #tpu.memory_space<hbm>>
    tpu.enqueue_indirect_dma source(%dma_start3A_425 : memref<10000x128xf32, #tpu.memory_space<hbm>>) target(%dma_start3A_419 : memref<80x128xf32, #tpu.memory_space<vmem>>) offsets(%dma_start3A_422 : memref<80xi32, #tpu.memory_space<vmem>>) semaphore(%arg10 : memref<!tpu.dma_semaphore, #tpu.memory_space<semaphore_mem>>)
    %dma_wait3A_426 = arith.constant 2 : i32
    %dma_wait3A_427 = arith.constant 2 : i32
    %dma_wait3A_428 = arith.constant 0 : i32
    %dma_wait3A_429 = arith.constant 0 : i32
    %dma_wait3A_430 = tpu.memref_slice %arg8[%dma_wait3A_427, %dma_wait3A_428, %dma_wait3A_429] : memref<4x80x128xf32, #tpu.memory_space<vmem>> -> memref<1x80x128xf32, #tpu.memory_space<vmem>>
    %dma_wait3A_431 = tpu.memref_squeeze %dma_wait3A_430 : memref<1x80x128xf32, #tpu.memory_space<vmem>> -> memref<80x128xf32, #tpu.memory_space<vmem>>
    %dma_wait3A_432 = arith.constant 0 : i32
    %dma_wait3A_433 = tpu.memref_slice %arg6[%dma_wait3A_426, %dma_wait3A_432] : memref<8x80xi32, #tpu.memory_space<vmem>> -> memref<1x80xi32, #tpu.memory_space<vmem>>
    %dma_wait3A_434 = tpu.memref_squeeze %dma_wait3A_433 : memref<1x80xi32, #tpu.memory_space<vmem>> -> memref<80xi32, #tpu.memory_space<vmem>>
    %dma_wait3A_435 = arith.constant 0 : i32
    %dma_wait3A_436 = arith.constant 0 : i32
    %dma_wait3A_437 = tpu.memref_slice %arg2[%dma_wait3A_435, %dma_wait3A_436] : memref<10000x128xf32, #tpu.memory_space<hbm>> -> memref<10000x128xf32, #tpu.memory_space<hbm>>
    tpu.wait_indirect_dma semaphore(%arg12 : memref<!tpu.dma_semaphore, #tpu.memory_space<semaphore_mem>>) src(%dma_wait3A_437 : memref<10000x128xf32, #tpu.memory_space<hbm>>) dst(%dma_wait3A_431 : memref<80x128xf32, #tpu.memory_space<vmem>>)
    %dma_start3A_438 = arith.constant 2 : i32
    %dma_start3A_439 = arith.constant 2 : i32
    %dma_start3A_440 = arith.constant 0 : i32
    %dma_start3A_441 = arith.constant 0 : i32
    %dma_start3A_442 = tpu.memref_slice %arg8[%dma_start3A_438, %dma_start3A_440, %dma_start3A_441] : memref<4x80x128xf32, #tpu.memory_space<vmem>> -> memref<1x80x128xf32, #tpu.memory_space<vmem>>
    %dma_start3A_443 = tpu.memref_squeeze %dma_start3A_442 : memref<1x80x128xf32, #tpu.memory_space<vmem>> -> memref<80x128xf32, #tpu.memory_space<vmem>>
    %dma_start3A_444 = arith.constant 0 : i32
    %dma_start3A_445 = tpu.memref_slice %arg7[%dma_start3A_439, %dma_start3A_444] : memref<8x80xi32, #tpu.memory_space<vmem>> -> memref<1x80xi32, #tpu.memory_space<vmem>>
    %dma_start3A_446 = tpu.memref_squeeze %dma_start3A_445 : memref<1x80xi32, #tpu.memory_space<vmem>> -> memref<80xi32, #tpu.memory_space<vmem>>
    %dma_start3A_447 = arith.constant 0 : i32
    %dma_start3A_448 = arith.constant 0 : i32
    %dma_start3A_449 = tpu.memref_slice %arg9[%dma_start3A_447, %dma_start3A_448] : memref<10000x128xf32, #tpu.memory_space<vmem_shared>> -> memref<10000x128xf32, #tpu.memory_space<vmem_shared>>
    tpu.enqueue_indirect_dma source(%dma_start3A_443 : memref<80x128xf32, #tpu.memory_space<vmem>>) target(%dma_start3A_449 : memref<10000x128xf32, #tpu.memory_space<vmem_shared>>) offsets(%dma_start3A_446 : memref<80xi32, #tpu.memory_space<vmem>>) semaphore(%arg24 : memref<!tpu.dma_semaphore, #tpu.memory_space<semaphore_mem>>) {add = true}
    %dma_wait3A_450 = arith.constant 1 : i32
    %dma_wait3A_451 = arith.constant 1 : i32
    %dma_wait3A_452 = arith.constant 0 : i32
    %dma_wait3A_453 = arith.constant 0 : i32
    %dma_wait3A_454 = tpu.memref_slice %arg8[%dma_wait3A_450, %dma_wait3A_452, %dma_wait3A_453] : memref<4x80x128xf32, #tpu.memory_space<vmem>> -> memref<1x80x128xf32, #tpu.memory_space<vmem>>
    %dma_wait3A_455 = tpu.memref_squeeze %dma_wait3A_454 : memref<1x80x128xf32, #tpu.memory_space<vmem>> -> memref<80x128xf32, #tpu.memory_space<vmem>>
    %dma_wait3A_456 = arith.constant 0 : i32
    %dma_wait3A_457 = tpu.memref_slice %arg7[%dma_wait3A_451, %dma_wait3A_456] : memref<8x80xi32, #tpu.memory_space<vmem>> -> memref<1x80xi32, #tpu.memory_space<vmem>>
    %dma_wait3A_458 = tpu.memref_squeeze %dma_wait3A_457 : memref<1x80xi32, #tpu.memory_space<vmem>> -> memref<80xi32, #tpu.memory_space<vmem>>
    %dma_wait3A_459 = arith.constant 0 : i32
    %dma_wait3A_460 = arith.constant 0 : i32
    %dma_wait3A_461 = tpu.memref_slice %arg9[%dma_wait3A_459, %dma_wait3A_460] : memref<10000x128xf32, #tpu.memory_space<vmem_shared>> -> memref<10000x128xf32, #tpu.memory_space<vmem_shared>>
    tpu.wait_indirect_dma semaphore(%arg23 : memref<!tpu.dma_semaphore, #tpu.memory_space<semaphore_mem>>) src(%dma_wait3A_455 : memref<80x128xf32, #tpu.memory_space<vmem>>) dst(%dma_wait3A_461 : memref<10000x128xf32, #tpu.memory_space<vmem_shared>>)
    %dma_wait3A_462 = arith.constant 3 : i32
    %dma_wait3A_463 = arith.constant 3 : i32
    %dma_wait3A_464 = arith.constant 0 : i32
    %dma_wait3A_465 = arith.constant 0 : i32
    %dma_wait3A_466 = tpu.memref_slice %arg8[%dma_wait3A_463, %dma_wait3A_464, %dma_wait3A_465] : memref<4x80x128xf32, #tpu.memory_space<vmem>> -> memref<1x80x128xf32, #tpu.memory_space<vmem>>
    %dma_wait3A_467 = tpu.memref_squeeze %dma_wait3A_466 : memref<1x80x128xf32, #tpu.memory_space<vmem>> -> memref<80x128xf32, #tpu.memory_space<vmem>>
    %dma_wait3A_468 = arith.constant 0 : i32
    %dma_wait3A_469 = tpu.memref_slice %arg6[%dma_wait3A_462, %dma_wait3A_468] : memref<8x80xi32, #tpu.memory_space<vmem>> -> memref<1x80xi32, #tpu.memory_space<vmem>>
    %dma_wait3A_470 = tpu.memref_squeeze %dma_wait3A_469 : memref<1x80xi32, #tpu.memory_space<vmem>> -> memref<80xi32, #tpu.memory_space<vmem>>
    %dma_wait3A_471 = arith.constant 0 : i32
    %dma_wait3A_472 = arith.constant 0 : i32
    %dma_wait3A_473 = tpu.memref_slice %arg2[%dma_wait3A_471, %dma_wait3A_472] : memref<10000x128xf32, #tpu.memory_space<hbm>> -> memref<10000x128xf32, #tpu.memory_space<hbm>>
    tpu.wait_indirect_dma semaphore(%arg13 : memref<!tpu.dma_semaphore, #tpu.memory_space<semaphore_mem>>) src(%dma_wait3A_473 : memref<10000x128xf32, #tpu.memory_space<hbm>>) dst(%dma_wait3A_467 : memref<80x128xf32, #tpu.memory_space<vmem>>)
    %dma_start3A_474 = arith.constant 3 : i32
    %dma_start3A_475 = arith.constant 3 : i32
    %dma_start3A_476 = arith.constant 0 : i32
    %dma_start3A_477 = arith.constant 0 : i32
    %dma_start3A_478 = tpu.memref_slice %arg8[%dma_start3A_474, %dma_start3A_476, %dma_start3A_477] : memref<4x80x128xf32, #tpu.memory_space<vmem>> -> memref<1x80x128xf32, #tpu.memory_space<vmem>>
    %dma_start3A_479 = tpu.memref_squeeze %dma_start3A_478 : memref<1x80x128xf32, #tpu.memory_space<vmem>> -> memref<80x128xf32, #tpu.memory_space<vmem>>
    %dma_start3A_480 = arith.constant 0 : i32
    %dma_start3A_481 = tpu.memref_slice %arg7[%dma_start3A_475, %dma_start3A_480] : memref<8x80xi32, #tpu.memory_space<vmem>> -> memref<1x80xi32, #tpu.memory_space<vmem>>
    %dma_start3A_482 = tpu.memref_squeeze %dma_start3A_481 : memref<1x80xi32, #tpu.memory_space<vmem>> -> memref<80xi32, #tpu.memory_space<vmem>>
    %dma_start3A_483 = arith.constant 0 : i32
    %dma_start3A_484 = arith.constant 0 : i32
    %dma_start3A_485 = tpu.memref_slice %arg9[%dma_start3A_483, %dma_start3A_484] : memref<10000x128xf32, #tpu.memory_space<vmem_shared>> -> memref<10000x128xf32, #tpu.memory_space<vmem_shared>>
    tpu.enqueue_indirect_dma source(%dma_start3A_479 : memref<80x128xf32, #tpu.memory_space<vmem>>) target(%dma_start3A_485 : memref<10000x128xf32, #tpu.memory_space<vmem_shared>>) offsets(%dma_start3A_482 : memref<80xi32, #tpu.memory_space<vmem>>) semaphore(%arg25 : memref<!tpu.dma_semaphore, #tpu.memory_space<semaphore_mem>>) {add = true}
    %dma_wait3A_486 = arith.constant 2 : i32
    %dma_wait3A_487 = arith.constant 2 : i32
    %dma_wait3A_488 = arith.constant 0 : i32
    %dma_wait3A_489 = arith.constant 0 : i32
    %dma_wait3A_490 = tpu.memref_slice %arg8[%dma_wait3A_486, %dma_wait3A_488, %dma_wait3A_489] : memref<4x80x128xf32, #tpu.memory_space<vmem>> -> memref<1x80x128xf32, #tpu.memory_space<vmem>>
    %dma_wait3A_491 = tpu.memref_squeeze %dma_wait3A_490 : memref<1x80x128xf32, #tpu.memory_space<vmem>> -> memref<80x128xf32, #tpu.memory_space<vmem>>
    %dma_wait3A_492 = arith.constant 0 : i32
    %dma_wait3A_493 = tpu.memref_slice %arg7[%dma_wait3A_487, %dma_wait3A_492] : memref<8x80xi32, #tpu.memory_space<vmem>> -> memref<1x80xi32, #tpu.memory_space<vmem>>
    %dma_wait3A_494 = tpu.memref_squeeze %dma_wait3A_493 : memref<1x80xi32, #tpu.memory_space<vmem>> -> memref<80xi32, #tpu.memory_space<vmem>>
    %dma_wait3A_495 = arith.constant 0 : i32
    %dma_wait3A_496 = arith.constant 0 : i32
    %dma_wait3A_497 = tpu.memref_slice %arg9[%dma_wait3A_495, %dma_wait3A_496] : memref<10000x128xf32, #tpu.memory_space<vmem_shared>> -> memref<10000x128xf32, #tpu.memory_space<vmem_shared>>
    tpu.wait_indirect_dma semaphore(%arg24 : memref<!tpu.dma_semaphore, #tpu.memory_space<semaphore_mem>>) src(%dma_wait3A_491 : memref<80x128xf32, #tpu.memory_space<vmem>>) dst(%dma_wait3A_497 : memref<10000x128xf32, #tpu.memory_space<vmem_shared>>)
    %dma_wait3A_498 = arith.constant 4 : i32
    %dma_wait3A_499 = arith.constant 0 : i32
    %dma_wait3A_500 = arith.constant 0 : i32
    %dma_wait3A_501 = arith.constant 0 : i32
    %dma_wait3A_502 = tpu.memref_slice %arg8[%dma_wait3A_499, %dma_wait3A_500, %dma_wait3A_501] : memref<4x80x128xf32, #tpu.memory_space<vmem>> -> memref<1x80x128xf32, #tpu.memory_space<vmem>>
    %dma_wait3A_503 = tpu.memref_squeeze %dma_wait3A_502 : memref<1x80x128xf32, #tpu.memory_space<vmem>> -> memref<80x128xf32, #tpu.memory_space<vmem>>
    %dma_wait3A_504 = arith.constant 0 : i32
    %dma_wait3A_505 = tpu.memref_slice %arg6[%dma_wait3A_498, %dma_wait3A_504] : memref<8x80xi32, #tpu.memory_space<vmem>> -> memref<1x80xi32, #tpu.memory_space<vmem>>
    %dma_wait3A_506 = tpu.memref_squeeze %dma_wait3A_505 : memref<1x80xi32, #tpu.memory_space<vmem>> -> memref<80xi32, #tpu.memory_space<vmem>>
    %dma_wait3A_507 = arith.constant 0 : i32
    %dma_wait3A_508 = arith.constant 0 : i32
    %dma_wait3A_509 = tpu.memref_slice %arg2[%dma_wait3A_507, %dma_wait3A_508] : memref<10000x128xf32, #tpu.memory_space<hbm>> -> memref<10000x128xf32, #tpu.memory_space<hbm>>
    tpu.wait_indirect_dma semaphore(%arg10 : memref<!tpu.dma_semaphore, #tpu.memory_space<semaphore_mem>>) src(%dma_wait3A_509 : memref<10000x128xf32, #tpu.memory_space<hbm>>) dst(%dma_wait3A_503 : memref<80x128xf32, #tpu.memory_space<vmem>>)
    %dma_start3A_510 = arith.constant 0 : i32
    %dma_start3A_511 = arith.constant 4 : i32
    %dma_start3A_512 = arith.constant 0 : i32
    %dma_start3A_513 = arith.constant 0 : i32
    %dma_start3A_514 = tpu.memref_slice %arg8[%dma_start3A_510, %dma_start3A_512, %dma_start3A_513] : memref<4x80x128xf32, #tpu.memory_space<vmem>> -> memref<1x80x128xf32, #tpu.memory_space<vmem>>
    %dma_start3A_515 = tpu.memref_squeeze %dma_start3A_514 : memref<1x80x128xf32, #tpu.memory_space<vmem>> -> memref<80x128xf32, #tpu.memory_space<vmem>>
    %dma_start3A_516 = arith.constant 0 : i32
    %dma_start3A_517 = tpu.memref_slice %arg7[%dma_start3A_511, %dma_start3A_516] : memref<8x80xi32, #tpu.memory_space<vmem>> -> memref<1x80xi32, #tpu.memory_space<vmem>>
    %dma_start3A_518 = tpu.memref_squeeze %dma_start3A_517 : memref<1x80xi32, #tpu.memory_space<vmem>> -> memref<80xi32, #tpu.memory_space<vmem>>
    %dma_start3A_519 = arith.constant 0 : i32
    %dma_start3A_520 = arith.constant 0 : i32
    %dma_start3A_521 = tpu.memref_slice %arg9[%dma_start3A_519, %dma_start3A_520] : memref<10000x128xf32, #tpu.memory_space<vmem_shared>> -> memref<10000x128xf32, #tpu.memory_space<vmem_shared>>
    tpu.enqueue_indirect_dma source(%dma_start3A_515 : memref<80x128xf32, #tpu.memory_space<vmem>>) target(%dma_start3A_521 : memref<10000x128xf32, #tpu.memory_space<vmem_shared>>) offsets(%dma_start3A_518 : memref<80xi32, #tpu.memory_space<vmem>>) semaphore(%arg22 : memref<!tpu.dma_semaphore, #tpu.memory_space<semaphore_mem>>) {add = true}
    %dma_wait3A_522 = arith.constant 3 : i32
    %dma_wait3A_523 = arith.constant 3 : i32
    %dma_wait3A_524 = arith.constant 0 : i32
    %dma_wait3A_525 = arith.constant 0 : i32
    %dma_wait3A_526 = tpu.memref_slice %arg8[%dma_wait3A_522, %dma_wait3A_524, %dma_wait3A_525] : memref<4x80x128xf32, #tpu.memory_space<vmem>> -> memref<1x80x128xf32, #tpu.memory_space<vmem>>
    %dma_wait3A_527 = tpu.memref_squeeze %dma_wait3A_526 : memref<1x80x128xf32, #tpu.memory_space<vmem>> -> memref<80x128xf32, #tpu.memory_space<vmem>>
    %dma_wait3A_528 = arith.constant 0 : i32
    %dma_wait3A_529 = tpu.memref_slice %arg7[%dma_wait3A_523, %dma_wait3A_528] : memref<8x80xi32, #tpu.memory_space<vmem>> -> memref<1x80xi32, #tpu.memory_space<vmem>>
    %dma_wait3A_530 = tpu.memref_squeeze %dma_wait3A_529 : memref<1x80xi32, #tpu.memory_space<vmem>> -> memref<80xi32, #tpu.memory_space<vmem>>
    %dma_wait3A_531 = arith.constant 0 : i32
    %dma_wait3A_532 = arith.constant 0 : i32
    %dma_wait3A_533 = tpu.memref_slice %arg9[%dma_wait3A_531, %dma_wait3A_532] : memref<10000x128xf32, #tpu.memory_space<vmem_shared>> -> memref<10000x128xf32, #tpu.memory_space<vmem_shared>>
    tpu.wait_indirect_dma semaphore(%arg25 : memref<!tpu.dma_semaphore, #tpu.memory_space<semaphore_mem>>) src(%dma_wait3A_527 : memref<80x128xf32, #tpu.memory_space<vmem>>) dst(%dma_wait3A_533 : memref<10000x128xf32, #tpu.memory_space<vmem_shared>>)
    %dma_wait3A_534 = arith.constant 0 : i32
    %dma_wait3A_535 = arith.constant 4 : i32
    %dma_wait3A_536 = arith.constant 0 : i32
    %dma_wait3A_537 = arith.constant 0 : i32
    %dma_wait3A_538 = tpu.memref_slice %arg8[%dma_wait3A_534, %dma_wait3A_536, %dma_wait3A_537] : memref<4x80x128xf32, #tpu.memory_space<vmem>> -> memref<1x80x128xf32, #tpu.memory_space<vmem>>
    %dma_wait3A_539 = tpu.memref_squeeze %dma_wait3A_538 : memref<1x80x128xf32, #tpu.memory_space<vmem>> -> memref<80x128xf32, #tpu.memory_space<vmem>>
    %dma_wait3A_540 = arith.constant 0 : i32
    %dma_wait3A_541 = tpu.memref_slice %arg7[%dma_wait3A_535, %dma_wait3A_540] : memref<8x80xi32, #tpu.memory_space<vmem>> -> memref<1x80xi32, #tpu.memory_space<vmem>>
    %dma_wait3A_542 = tpu.memref_squeeze %dma_wait3A_541 : memref<1x80xi32, #tpu.memory_space<vmem>> -> memref<80xi32, #tpu.memory_space<vmem>>
    %dma_wait3A_543 = arith.constant 0 : i32
    %dma_wait3A_544 = arith.constant 0 : i32
    %dma_wait3A_545 = tpu.memref_slice %arg9[%dma_wait3A_543, %dma_wait3A_544] : memref<10000x128xf32, #tpu.memory_space<vmem_shared>> -> memref<10000x128xf32, #tpu.memory_space<vmem_shared>>
    tpu.wait_indirect_dma semaphore(%arg22 : memref<!tpu.dma_semaphore, #tpu.memory_space<semaphore_mem>>) src(%dma_wait3A_539 : memref<80x128xf32, #tpu.memory_space<vmem>>) dst(%dma_wait3A_545 : memref<10000x128xf32, #tpu.memory_space<vmem_shared>>)
    %barrier3A_546 = arith.constant 0 : index
    tpu.barrier barrier_id(%barrier3A_546)
    "tpu.region"() ({
      %run_scoped3A = tpu.sem_alloc : memref<!tpu.dma_semaphore, #tpu.memory_space<semaphore_mem>>
      %dma_start3A_552 = arith.constant 0 : i32
      %dma_start3A_553 = tpu.memref_slice %arg5[%arg0, %multiple_of3A, %dma_start3A_552] : memref<2x10000x128xf32, #tpu.memory_space<hbm>> -> memref<1x624x128xf32, #tpu.memory_space<hbm>>
      %dma_start3A_554 = tpu.memref_squeeze %dma_start3A_553 : memref<1x624x128xf32, #tpu.memory_space<hbm>> -> memref<624x128xf32, #tpu.memory_space<hbm>>
      %dma_start3A_555 = arith.constant 0 : i32
      %dma_start3A_556 = tpu.memref_slice %arg9[%multiple_of3A, %dma_start3A_555] : memref<10000x128xf32, #tpu.memory_space<vmem_shared>> -> memref<624x128xf32, #tpu.memory_space<vmem_shared>>
      tpu.enqueue_dma source(%dma_start3A_556 : memref<624x128xf32, #tpu.memory_space<vmem_shared>>) target(%dma_start3A_554 : memref<624x128xf32, #tpu.memory_space<hbm>>) target_semaphore(%run_scoped3A : memref<!tpu.dma_semaphore, #tpu.memory_space<semaphore_mem>>)
      %dma_wait3A_557 = arith.constant 0 : i32
      %dma_wait3A_558 = tpu.memref_slice %arg5[%arg0, %multiple_of3A, %dma_wait3A_557] : memref<2x10000x128xf32, #tpu.memory_space<hbm>> -> memref<1x624x128xf32, #tpu.memory_space<hbm>>
      %dma_wait3A_559 = tpu.memref_squeeze %dma_wait3A_558 : memref<1x624x128xf32, #tpu.memory_space<hbm>> -> memref<624x128xf32, #tpu.memory_space<hbm>>
      %dma_wait3A_560 = arith.constant 0 : i32
      %dma_wait3A_561 = tpu.memref_slice %arg9[%multiple_of3A, %dma_wait3A_560] : memref<10000x128xf32, #tpu.memory_space<vmem_shared>> -> memref<624x128xf32, #tpu.memory_space<vmem_shared>>
      tpu.wait_dma2 semaphore(%run_scoped3A : memref<!tpu.dma_semaphore, #tpu.memory_space<semaphore_mem>>) src(%dma_wait3A_561 : memref<624x128xf32, #tpu.memory_space<vmem_shared>>) dst(%dma_wait3A_559 : memref<624x128xf32, #tpu.memory_space<hbm>>)
      tpu.yield
    }) : () -> ()
    %eq3A_547 = arith.constant 0 : i32
    %eq3A_548 = arith.cmpi eq, %arg1, %eq3A_547 : i32
    %convert_element_type3A_549 = arith.extui %eq3A_548 : i1 to i32
    %cond3A_550 = arith.constant 0 : i32
    %cond3A_551 = arith.cmpi ne, %convert_element_type3A_549, %cond3A_550 : i32
    scf.if %cond3A_551 {
      "tpu.region"() ({
        %run_scoped3A = tpu.sem_alloc : memref<!tpu.dma_semaphore, #tpu.memory_space<semaphore_mem>>
        %dma_start3A_552 = arith.constant 9984 : i32
        %dma_start3A_553 = arith.constant 0 : i32
        %dma_start3A_554 = tpu.memref_slice %arg5[%arg0, %dma_start3A_552, %dma_start3A_553] : memref<2x10000x128xf32, #tpu.memory_space<hbm>> -> memref<1x16x128xf32, #tpu.memory_space<hbm>>
        %dma_start3A_555 = tpu.memref_squeeze %dma_start3A_554 : memref<1x16x128xf32, #tpu.memory_space<hbm>> -> memref<16x128xf32, #tpu.memory_space<hbm>>
        %dma_start3A_556 = arith.constant 9984 : i32
        %dma_start3A_557 = arith.constant 0 : i32
        %dma_start3A_558 = tpu.memref_slice %arg9[%dma_start3A_556, %dma_start3A_557] : memref<10000x128xf32, #tpu.memory_space<vmem_shared>> -> memref<16x128xf32, #tpu.memory_space<vmem_shared>>
        tpu.enqueue_dma source(%dma_start3A_558 : memref<16x128xf32, #tpu.memory_space<vmem_shared>>) target(%dma_start3A_555 : memref<16x128xf32, #tpu.memory_space<hbm>>) target_semaphore(%run_scoped3A : memref<!tpu.dma_semaphore, #tpu.memory_space<semaphore_mem>>)
        %dma_wait3A_559 = arith.constant 9984 : i32
        %dma_wait3A_560 = arith.constant 0 : i32
        %dma_wait3A_561 = tpu.memref_slice %arg5[%arg0, %dma_wait3A_559, %dma_wait3A_560] : memref<2x10000x128xf32, #tpu.memory_space<hbm>> -> memref<1x16x128xf32, #tpu.memory_space<hbm>>
        %dma_wait3A_562 = tpu.memref_squeeze %dma_wait3A_561 : memref<1x16x128xf32, #tpu.memory_space<hbm>> -> memref<16x128xf32, #tpu.memory_space<hbm>>
        %dma_wait3A_563 = arith.constant 9984 : i32
        %dma_wait3A_564 = arith.constant 0 : i32
        %dma_wait3A_565 = tpu.memref_slice %arg9[%dma_wait3A_563, %dma_wait3A_564] : memref<10000x128xf32, #tpu.memory_space<vmem_shared>> -> memref<16x128xf32, #tpu.memory_space<vmem_shared>>
        tpu.wait_dma2 semaphore(%run_scoped3A : memref<!tpu.dma_semaphore, #tpu.memory_space<semaphore_mem>>) src(%dma_wait3A_565 : memref<16x128xf32, #tpu.memory_space<vmem_shared>>) dst(%dma_wait3A_562 : memref<16x128xf32, #tpu.memory_space<hbm>>)
        tpu.yield
      }) : () -> ()
    } else {
    }
    return
  }
}

module attributes {stable_mosaic.version = 14 : i64} {
  func.func @_mlp_body(%arg0: i32, %arg1: memref<2000x128xf32, #tpu.memory_space<vmem>>, %arg2: memref<2x2000x128xf32, #tpu.memory_space<vmem>>, %arg3: memref<128x128xf32, #tpu.memory_space<vmem>>, %arg4: memref<1x128xf32, #tpu.memory_space<vmem>>, %arg5: memref<128x128xf32, #tpu.memory_space<vmem>>, %arg6: memref<1x128xf32, #tpu.memory_space<vmem>>, %arg7: memref<128x128xf32, #tpu.memory_space<vmem>>, %arg8: memref<1x128xf32, #tpu.memory_space<vmem>>, %arg9: memref<2000x128xf32, #tpu.memory_space<vmem>>) attributes {dimension_semantics = [#tpu.dimension_semantics<arbitrary>], iteration_bounds = array<i64: 5>, scalar_prefetch = 0 : i64, scratch_operands = 0 : i64, tpu.core_type = #tpu.core_type<tc>, window_params = [{transform_indices = @transform_0, window_bounds = array<i64: 2000, 128>}, {transform_indices = @transform_1, window_bounds = array<i64: 2, 2000, 128>}, {pipeline_mode = #tpu.pipeline_mode<synchronous>, transform_indices = @transform_2, window_bounds = array<i64: 128, 128>}, {pipeline_mode = #tpu.pipeline_mode<synchronous>, transform_indices = @transform_3, window_bounds = array<i64: 1, 128>}, {pipeline_mode = #tpu.pipeline_mode<synchronous>, transform_indices = @transform_4, window_bounds = array<i64: 128, 128>}, {pipeline_mode = #tpu.pipeline_mode<synchronous>, transform_indices = @transform_5, window_bounds = array<i64: 1, 128>}, {pipeline_mode = #tpu.pipeline_mode<synchronous>, transform_indices = @transform_6, window_bounds = array<i64: 128, 128>}, {pipeline_mode = #tpu.pipeline_mode<synchronous>, transform_indices = @transform_7, window_bounds = array<i64: 1, 128>}, {transform_indices = @transform_8, window_bounds = array<i64: 2000, 128>}]} {
    %get3A = arith.constant 0 : index
    %get3A_0 = arith.constant 0 : index
    %get3A_1 = arith.constant 0 : index
    %get3A_2 = vector.load %arg2[%get3A, %get3A_0, %get3A_1] : memref<2x2000x128xf32, #tpu.memory_space<vmem>>, vector<1x2000x128xf32>
    %get3A_3 = vector.shape_cast %get3A_2 : vector<1x2000x128xf32> to vector<2000x128xf32>
    %get3A_4 = arith.constant 1 : index
    %get3A_5 = arith.constant 0 : index
    %get3A_6 = arith.constant 0 : index
    %get3A_7 = vector.load %arg2[%get3A_4, %get3A_5, %get3A_6] : memref<2x2000x128xf32, #tpu.memory_space<vmem>>, vector<1x2000x128xf32>
    %get3A_8 = vector.shape_cast %get3A_7 : vector<1x2000x128xf32> to vector<2000x128xf32>
    %add3A = arith.addf %get3A_3, %get3A_8 : vector<2000x128xf32>
    %get3A_9 = arith.constant 0 : index
    %get3A_10 = arith.constant 0 : index
    %get3A_11 = vector.load %arg1[%get3A_9, %get3A_10] : memref<2000x128xf32, #tpu.memory_space<vmem>>, vector<2000x128xf32>
    %sub3A = arith.subf %add3A, %get3A_11 : vector<2000x128xf32>
    %get3A_12 = arith.constant 0 : index
    %get3A_13 = arith.constant 0 : index
    %get3A_14 = vector.load %arg3[%get3A_12, %get3A_13] : memref<128x128xf32, #tpu.memory_space<vmem>>, vector<128x128xf32>
    %dot_general3A = arith.constant dense<0.000000e+00> : vector<2000x128xf32>
    %dot_general3A_15 = tpu.matmul %sub3A, %get3A_14, %dot_general3A {dimension_numbers = #tpu.dot_dimension_numbers<[1], [0], [0], [1], [0, 0, 1, 1], [], []>, transpose_lhs_hint = false} : vector<2000x128xf32>, vector<128x128xf32>, vector<2000x128xf32> -> vector<2000x128xf32>
    %get3A_16 = arith.constant 0 : index
    %get3A_17 = arith.constant 0 : index
    %get3A_18 = vector.load %arg4[%get3A_16, %get3A_17] : memref<1x128xf32, #tpu.memory_space<vmem>>, vector<1x128xf32>
    %add3A_19 = vector.broadcast %get3A_18 : vector<1x128xf32> to vector<2000x128xf32>
    %add3A_20 = arith.addf %dot_general3A_15, %add3A_19 : vector<2000x128xf32>
    %max3A = arith.constant 0.000000e+00 : f32
    %max3A_21 = vector.broadcast %max3A : f32 to vector<2000x128xf32>
    %max3A_22 = arith.maximumf %add3A_20, %max3A_21 : vector<2000x128xf32>
    %get3A_23 = arith.constant 0 : index
    %get3A_24 = arith.constant 0 : index
    %get3A_25 = vector.load %arg5[%get3A_23, %get3A_24] : memref<128x128xf32, #tpu.memory_space<vmem>>, vector<128x128xf32>
    %dot_general3A_26 = arith.constant dense<0.000000e+00> : vector<2000x128xf32>
    %dot_general3A_27 = tpu.matmul %max3A_22, %get3A_25, %dot_general3A_26 {dimension_numbers = #tpu.dot_dimension_numbers<[1], [0], [0], [1], [0, 0, 1, 1], [], []>, transpose_lhs_hint = false} : vector<2000x128xf32>, vector<128x128xf32>, vector<2000x128xf32> -> vector<2000x128xf32>
    %get3A_28 = arith.constant 0 : index
    %get3A_29 = arith.constant 0 : index
    %get3A_30 = vector.load %arg6[%get3A_28, %get3A_29] : memref<1x128xf32, #tpu.memory_space<vmem>>, vector<1x128xf32>
    %add3A_31 = vector.broadcast %get3A_30 : vector<1x128xf32> to vector<2000x128xf32>
    %add3A_32 = arith.addf %dot_general3A_27, %add3A_31 : vector<2000x128xf32>
    %reduce_max3A = arith.constant dense<0xFF800000> : vector<2000xf32>
    %reduce_max3A_33 = vector.multi_reduction <maximumf>, %add3A_32, %reduce_max3A [1] : vector<2000x128xf32> to vector<2000xf32>
    %broadcast_in_dim3A = vector.shape_cast %reduce_max3A_33 : vector<2000xf32> to vector<2000x1xf32>
    %sub3A_34 = vector.broadcast %broadcast_in_dim3A : vector<2000x1xf32> to vector<2000x128xf32>
    %sub3A_35 = arith.subf %add3A_32, %sub3A_34 : vector<2000x128xf32>
    %exp3A = math.exp %sub3A_35 : vector<2000x128xf32>
    %reduce_sum3A = arith.constant dense<0.000000e+00> : vector<2000xf32>
    %reduce_sum3A_36 = vector.multi_reduction <add>, %exp3A, %reduce_sum3A [1] : vector<2000x128xf32> to vector<2000xf32>
    %broadcast_in_dim3A_37 = vector.shape_cast %reduce_sum3A_36 : vector<2000xf32> to vector<2000x1xf32>
    %log3A = math.log %broadcast_in_dim3A_37 : vector<2000x1xf32>
    %sub3A_38 = vector.broadcast %log3A : vector<2000x1xf32> to vector<2000x128xf32>
    %sub3A_39 = arith.subf %sub3A_35, %sub3A_38 : vector<2000x128xf32>
    %get3A_40 = arith.constant 0 : index
    %get3A_41 = arith.constant 0 : index
    %get3A_42 = vector.load %arg7[%get3A_40, %get3A_41] : memref<128x128xf32, #tpu.memory_space<vmem>>, vector<128x128xf32>
    %dot_general3A_43 = arith.constant dense<0.000000e+00> : vector<2000x128xf32>
    %dot_general3A_44 = tpu.matmul %sub3A_39, %get3A_42, %dot_general3A_43 {dimension_numbers = #tpu.dot_dimension_numbers<[1], [0], [0], [1], [0, 0, 1, 1], [], []>, transpose_lhs_hint = false} : vector<2000x128xf32>, vector<128x128xf32>, vector<2000x128xf32> -> vector<2000x128xf32>
    %get3A_45 = arith.constant 0 : index
    %get3A_46 = arith.constant 0 : index
    %get3A_47 = vector.load %arg8[%get3A_45, %get3A_46] : memref<1x128xf32, #tpu.memory_space<vmem>>, vector<1x128xf32>
    %add3A_48 = vector.broadcast %get3A_47 : vector<1x128xf32> to vector<2000x128xf32>
    %add3A_49 = arith.addf %dot_general3A_44, %add3A_48 : vector<2000x128xf32>
    %reduce_max3A_50 = arith.constant dense<0xFF800000> : vector<2000xf32>
    %reduce_max3A_51 = vector.multi_reduction <maximumf>, %add3A_49, %reduce_max3A_50 [1] : vector<2000x128xf32> to vector<2000xf32>
    %broadcast_in_dim3A_52 = vector.shape_cast %reduce_max3A_51 : vector<2000xf32> to vector<2000x1xf32>
    %sub3A_53 = vector.broadcast %broadcast_in_dim3A_52 : vector<2000x1xf32> to vector<2000x128xf32>
    %sub3A_54 = arith.subf %add3A_49, %sub3A_53 : vector<2000x128xf32>
    %exp3A_55 = math.exp %sub3A_54 : vector<2000x128xf32>
    %reduce_sum3A_56 = arith.constant dense<0.000000e+00> : vector<2000xf32>
    %reduce_sum3A_57 = vector.multi_reduction <add>, %exp3A_55, %reduce_sum3A_56 [1] : vector<2000x128xf32> to vector<2000xf32>
    %broadcast_in_dim3A_58 = vector.shape_cast %reduce_sum3A_57 : vector<2000xf32> to vector<2000x1xf32>
    %div3A = vector.broadcast %broadcast_in_dim3A_58 : vector<2000x1xf32> to vector<2000x128xf32>
    %div3A_59 = arith.divf %exp3A_55, %div3A : vector<2000x128xf32>
    %swap3A = arith.constant 0 : index
    %swap3A_60 = arith.constant 0 : index
    %swap3A_61 = vector.load %arg9[%swap3A, %swap3A_60] : memref<2000x128xf32, #tpu.memory_space<vmem>>, vector<2000x128xf32>
    tpu.vector_store %arg9[%swap3A, %swap3A_60], %div3A_59 {strides = array<i32>} : memref<2000x128xf32, #tpu.memory_space<vmem>>, vector<2000x128xf32>,
    return
  }
  func.func @transform_0(%arg0: i32) -> (i32, i32) {
    %c0_i32 = arith.constant 0 : i32
    %c0_i32_0 = arith.constant 0 : i32
    return %arg0, %c0_i32 : i32, i32
  }
  func.func @transform_1(%arg0: i32) -> (i32, i32, i32) {
    %c0_i32 = arith.constant 0 : i32
    %c0_i32_0 = arith.constant 0 : i32
    %c0_i32_1 = arith.constant 0 : i32
    return %c0_i32, %arg0, %c0_i32_0 : i32, i32, i32
  }
  func.func @transform_2(%arg0: i32) -> (i32, i32) {
    %c0_i32 = arith.constant 0 : i32
    %c0_i32_0 = arith.constant 0 : i32
    %c0_i32_1 = arith.constant 0 : i32
    return %c0_i32, %c0_i32_0 : i32, i32
  }
  func.func @transform_3(%arg0: i32) -> (i32, i32) {
    %c0_i32 = arith.constant 0 : i32
    %c0_i32_0 = arith.constant 0 : i32
    %c0_i32_1 = arith.constant 0 : i32
    return %c0_i32, %c0_i32_0 : i32, i32
  }
  func.func @transform_4(%arg0: i32) -> (i32, i32) {
    %c0_i32 = arith.constant 0 : i32
    %c0_i32_0 = arith.constant 0 : i32
    %c0_i32_1 = arith.constant 0 : i32
    return %c0_i32, %c0_i32_0 : i32, i32
  }
  func.func @transform_5(%arg0: i32) -> (i32, i32) {
    %c0_i32 = arith.constant 0 : i32
    %c0_i32_0 = arith.constant 0 : i32
    %c0_i32_1 = arith.constant 0 : i32
    return %c0_i32, %c0_i32_0 : i32, i32
  }
  func.func @transform_6(%arg0: i32) -> (i32, i32) {
    %c0_i32 = arith.constant 0 : i32
    %c0_i32_0 = arith.constant 0 : i32
    %c0_i32_1 = arith.constant 0 : i32
    return %c0_i32, %c0_i32_0 : i32, i32
  }
  func.func @transform_7(%arg0: i32) -> (i32, i32) {
    %c0_i32 = arith.constant 0 : i32
    %c0_i32_0 = arith.constant 0 : i32
    %c0_i32_1 = arith.constant 0 : i32
    return %c0_i32, %c0_i32_0 : i32, i32
  }
  func.func @transform_8(%arg0: i32) -> (i32, i32) {
    %c0_i32 = arith.constant 0 : i32
    %c0_i32_0 = arith.constant 0 : i32
    return %arg0, %c0_i32 : i32, i32
  }
}

</mosaic_0001>

<sc_bundles>
// kernel: kernel.4.cloned.1.call-start
scs
__scs_entry_jumppad:
0x0: {  	(pc) =	sbr.rel $0x88, $3  }
0x1: {  	(tag) =	ssettag $0x0;
	lr =	simm.s32 $0x1  }
0x2: {  	[smem:$0x3F99] =	sst lr;
	_ =	strace $0xD0000000  }
0x3: {  	_ = 	snop  }
0x4: {  	_ = 	snop  }
0x5: {  	_ = 	snop  }
0x6: {  	_ = 	snop  }
0x7: {  	_ = 	snop  }
__scs_overlays_trampoline_lowered:
0x8: {  	[smem:$0x3FA8] =	sst s0  }
0x9: {  	[smem:$0x3FA9] =	sst s1  }
0xa: {  	[smem:$0x3FAA] =	sst s2  }
0xb: {  	[smem:$0x3FAB] =	sst s3  }
0xc: {  	[smem:$0x3FAC] =	sst s4  }
0xd: {  	[smem:$0x3FAD] =	sst s5  }
0xe: {  	[smem:$0x3FAE] =	sst s6  }
0xf: {  	[smem:$0x3FAF] =	sst s7  }
0x10: {  	[smem:$0x3FB0] =	sst s8  }
0x11: {  	[smem:$0x3FB1] =	sst s9;
	s0 =	simm.s32 @!p0 $0x0  }
0x12: {  	s1 =	sld [smem:$0x3F97];
	s0 =	simm.s32 @p0 $0x1  }
0x13: {  	[smem:$0x3FB2] =	sst s0;
	s0 =	simm.s32 @!p1 $0x0  }
0x14: {  	s2 =	sld [smem:$0x3F96];
	s0 =	simm.s32 @p1 $0x1  }
0x15: {  	[smem:$0x3FB3] =	sst s0;
	s0 =	simm.s32 @!p2 $0x0  }
0x16: {  	s3 =	sld [smem:$0x3FDB];
	s0 =	simm.s32 @p2 $0x1  }
0x17: {  	s4 =	simm.s32 $0x1BF5;
	[smem:$0x3FB5] =	sst s0  }
0x18: {  	s0 =	sld [smem:$0x3F98];
	_ =	swait.ge [sflag:s4], $0x0  }
0x19: {  	s7 =	sld [smem:$0x3F99]  }
0x1a: {  	s8 =	sadd.s32 $0xFFFFE003, lr  }
0x1b: {  	s9 =	sadd.s32 $0xFFFFFEF7, lr;
	s5 =	simm.s32 $0xFFFFFFFF;
	p2 =	slt.u32 s8, $0xFFFFF086  }
0x1c: {  	p1 =	slt.u32 s9, $0xF7A;
	s5 =	simm.s32 @!p2 $0x0  }
0x1d: {  	s5 =	simm.s32 @p1 $0x1;
	p0 =	seq.s32 s7, s2  }
0x1e: {  	s7 =	smul.u32 @!p0 $0xF7A, s2;
	p2 =	seq.s32 @!p0 s5, $0x0  }
0x1f: {  	s9 =	smul.u32 $0xF7A, s1;
	s8 =	simm.s32 @!p0 $0x1BF5;
	p2 =	por !p2, p0  }
0x20: {  	[sflag:s8] =	ssyncset.s32 @!p0 $0xFFFFF086;
	s6 =	sadd.s32 @!p0 s3, s7;
	s7 =	simm.s32 @!p0 $0x108  }
0x21: {  	s3 =	sadd.s32 s3, s9;
	s6 =	sadd.s32 @!p0 $0x88, s6;
	s7 =	simm.s32 @p2 $0x1082  }
0x22: {  	[simem:s7], [sflag:s8] =	dma.local @!p0 [hbm:s6], $0xF7A  }
0x23: {  	s9 =	sor.u32 $0xD0000000, s2;
	s6 =	simm.s32 $0x108;
	_ =	swait.ge @!p0 [sflag:s8], $0x0  }
0x24: {  	s3 =	sadd.s32 $0x88, s3;
	s6 =	simm.s32 @!p1 $0x1082;
	[sflag:s4] =	ssyncset.s32 $0xFFFFF086  }
0x25: {  	[simem:s6], [sflag:s4] =	dma.local [hbm:s3], $0xF7A  }
0x26: {  	[smem:$0x3F99] =	sst s1;
	(tag) =	ssettag s2;
	_ =	strace s9  }
0x27: {  	s1 =	sld [smem:$0x3FA9]  }
0x28: {  	s2 =	sld [smem:$0x3FAA]  }
0x29: {  	s4 =	sld [smem:$0x3FAC]  }
0x2a: {  	p0 =	seq.s32 s5, $0x0;
	s5 =	sld [smem:$0x3FAD]  }
0x2b: {  	s6 =	sld [smem:$0x3FAE]  }
0x2c: {  	s7 =	sld [smem:$0x3FAF]  }
0x2d: {  	s3 =	simm.s32 $0x108;
	s8 =	sld [smem:$0x3FB0]  }
0x2e: {  	s3 =	simm.s32 @!p0 $0x1082;
	s9 =	sld [smem:$0x3FB1]  }
0x2f: {  	lr =	sadd.s32 s0, s3;
	s0 =	sld [smem:$0x3FA8]  }
0x30: {  	s3 =	sld [smem:$0x3FAB]  }
0x31: {  	[smem:$0x3FB4] =	sst s10  }
0x32: {  	s10 =	sld [smem:$0x3FB2];
	_ =	sdelay $0x3  }
0x33: {  	p0 =	seq.s32 s10, $0x1;
	s10 =	sld [smem:$0x3FB4];
	_ =	sdelay $0x3  }
0x34: {  	[smem:$0x3FB4] =	sst s10  }
0x35: {  	s10 =	sld [smem:$0x3FB3];
	_ =	sdelay $0x3  }
0x36: {  	p1 =	seq.s32 s10, $0x1;
	s10 =	sld [smem:$0x3FB4];
	_ =	sdelay $0x3  }
0x37: {  	[smem:$0x3FB4] =	sst s10  }
0x38: {  	s10 =	sld [smem:$0x3FB5]  }
0x39: {  	_ = 	snop;
	(pc) =	sbr.ind lr, $3  }
0x3a: {  	_ = 	snop  }
0x3b: {  	_ = 	snop  }
0x3c: {  	p2 =	seq.s32 s10, $0x1;
	s10 =	sld [smem:$0x3FB4]  }
0x3d: {  	_ =	shalt  }
0x3e: {  	_ =	shalt  }
0x3f: {  	_ =	shalt  }
0x40: {  	_ =	shalt  }
0x41: {  	_ =	shalt  }
0x42: {  	_ =	shalt  }
0x43: {  	_ =	shalt  }
0x44: {  	_ =	shalt  }
0x45: {  	_ =	shalt  }
0x46: {  	_ =	shalt  }
0x47: {  	_ =	shalt  }
0x48: {  	_ =	shalt  }
0x49: {  	_ =	shalt  }
0x4a: {  	_ =	shalt  }
0x4b: {  	_ =	shalt  }
0x4c: {  	_ =	shalt  }
0x4d: {  	_ =	shalt  }
0x4e: {  	_ =	shalt  }
0x4f: {  	_ =	shalt  }
0x50: {  	_ =	shalt  }
0x51: {  	_ =	shalt  }
0x52: {  	_ =	shalt  }
0x53: {  	_ =	shalt  }
0x54: {  	_ =	shalt  }
0x55: {  	_ =	shalt  }
0x56: {  	_ =	shalt  }
0x57: {  	_ =	shalt  }
0x58: {  	_ =	shalt  }
0x59: {  	_ =	shalt  }
0x5a: {  	_ =	shalt  }
0x5b: {  	_ =	shalt  }
0x5c: {  	_ =	shalt  }
0x5d: {  	_ =	shalt  }
0x5e: {  	_ =	shalt  }
0x5f: {  	_ =	shalt  }
0x60: {  	_ =	shalt  }
0x61: {  	_ =	shalt  }
0x62: {  	_ =	shalt  }
0x63: {  	_ =	shalt  }
0x64: {  	_ =	shalt  }
0x65: {  	_ =	shalt  }
0x66: {  	_ =	shalt  }
0x67: {  	_ =	shalt  }
0x68: {  	_ =	shalt  }
0x69: {  	_ =	shalt  }
0x6a: {  	_ =	shalt  }
0x6b: {  	_ =	shalt  }
0x6c: {  	_ =	shalt  }
0x6d: {  	_ =	shalt  }
0x6e: {  	_ =	shalt  }
0x6f: {  	_ =	shalt  }
0x70: {  	_ =	shalt  }
0x71: {  	_ =	shalt  }
0x72: {  	_ =	shalt  }
0x73: {  	_ =	shalt  }
0x74: {  	_ =	shalt  }
0x75: {  	_ =	shalt  }
0x76: {  	_ =	shalt  }
0x77: {  	_ =	shalt  }
0x78: {  	_ =	shalt  }
0x79: {  	_ =	shalt  }
0x7a: {  	_ =	shalt  }
0x7b: {  	_ =	shalt  }
0x7c: {  	_ =	shalt  }
0x7d: {  	_ =	shalt  }
0x7e: {  	_ =	shalt  }
0x7f: {  	_ =	shalt  }
0x80: {  	_ =	shalt  }
0x81: {  	_ =	shalt  }
0x82: {  	_ =	shalt  }
0x83: {  	_ =	shalt  }
0x84: {  	_ =	shalt  }
0x85: {  	_ =	shalt  }
0x86: {  	_ =	shalt  }
0x87: {  	_ =	shalt  }
.Lfunc_end0:
.L_simem_size_0:
called_computation_lowered:
.L_overlay_start_0:
0x88: {  	s2 =	sld [smem:$0x3FD9]  }
0x89: {  	s3 =	sld [smem:$0x3FFE];
	_ =	sdelay $0x1  }
0x8a: {  	s1 =	srdreg.scid  }
0x8b: {  	s0 =	sand.u32 $0x1, s1  }
0x8c: {  	s17 =	sshll.u32 s0, $0xA;
	s2 =	sadd.s32 s3, s2  }
0x8d: {  	s2 =	sadd.s32 s2, s17  }
0x8e: {  	[smem:$0x3FC0] =	sst s2  }
0x8f: {  	_ = 	snop  }
0x90: {  	s2 =	sld [smem:$0x3FC9]  }
0x91: {  	s18 =	sld [smem:$0x3FD0];
	(tm) =	ssettm $0x1  }
0x92: {  	s4 =	sld [smem:$0x3FFB];
	_ =	sdelay $0x3  }
0x93: {  	_ =	strace s4  }
0x94: {  	s4 =	sld [smem:$0x3FFC];
	_ =	sdelay $0x3  }
0x95: {  	_ =	strace s4  }
0x96: {  	s4 =	sld [smem:$0x3FFD];
	_ =	sdelay $0x3  }
0x97: {  	_ =	strace s4  }
0x98: {  	_ =	strace $0x8FFFFFFF  }
0x99: {  	s19 =	sld [smem:$0x3FDB];
	_ =	sdelay $0x1  }
0x9a: {  	s5 =	simm.s32 $_scs_section_size  }
0x9b: {  	s6 =	simm.s32 $_size__tile_overlayer_lowered;
	s7 =	simm.s32 $_tile_overlayer_lowered  }
0x9c: {  	s22 =	simm.s32 $0x1BFF;
	s21 =	sshll.u32 s7, $0x1;
	s4 =	sadd.s32 s5, s19  }
0x9d: {  	s8 =	simm.s32 $0x0;
	s20 =	sshll.u32 s6, $0x1;
	s6 =	sadd.s32 s21, s4  }
0x9e: {  	[timem:s8], [sflag:s22] =	dma.local [hbm:s6], s20  }
0x9f: {  	_ =	swait.ge [sflag:s22], s20  }
0xa0: {  	s5 =	ssub.s32 $0x0, s20;
	[sflag:s22] =	ssyncset.done $0x0  }
0xa1: {  	[sflag:s22] =	ssyncadd.s32 s5;
	_ =	sdelay $0x1  }
0xa2: {  	s23 =	simm.s32 $0x1B8B  }
0xa3: {  	_ =	swait.ge [sflag:s23], $0x1  }
0xa4: {  	[sflag:s23] =	ssyncset.done $0x0  }
0xa5: {  	s25 =	simm.s32 $0x1B8E;
	s24 =	sld [smem:$0x3FFE];
	[sflag:s23] =	ssyncadd.s32 $0xFFFFFFFF  }
0xa6: {  	s26 =	simm.s32 $execute0_lowered;
	[smem:$0x3FD2] =	sst s25  }
0xa7: {  	s6 =	sshll.u32 s26, $0x1;
	_ =	strace $0x80000046;
	[dreg:$0x1] =	wrdreg $0xFFFFFFFF  }
0xa8: {  	s28 =	simm.s32 $_size_execute0_lowered;
	s4 =	sadd.s32 s4, s6;
	[dreg:$0x0] =	wrdreg $0x0  }
0xa9: {  	s6 =	sshll.u32 s28, $0x1;
	[dreg:$0x2] =	wrdreg s4  }
0xaa: {  	[dreg:$0x3] =	wrdreg s6  }
0xab: {  	[dreg:$0x4] =	wrdreg $0xC0  }
0xac: {  	_ =	task [dreg:s8], $0x5FFFF  }
0xad: {  	[dreg:$0x1] =	wrdreg $0xFFFFFFFF  }
0xae: {  	[dreg:$0x0] =	wrdreg $0x60  }
0xaf: {  	[dreg:$0x2] =	wrdreg s2  }
0xb0: {  	[dreg:$0x3] =	wrdreg s24  }
0xb1: {  	[dreg:$0x4] =	wrdreg s18  }
0xb2: {  	[dreg:$0x5] =	wrdreg $0xA8000  }
0xb3: {  	[dreg:$0x6] =	wrdreg $0x9  }
0xb4: {  	_ =	task.clear_ibuf [dreg:s8], $0x7FFFF;
	_ =	strace $0x90000046  }
0xb5: {  	s29 =	simm.s32 $0x9;
	_ =	strace $0x80000048  }
0xb6: {  	_ =	swait.ge [sflag:s29], $0x1  }
0xb7: {  	[sflag:s29] =	ssyncadd.s32 $0xFFFFFFFF  }
0xb8: {  	_ =	strace $0x90000048  }
0xb9: {  	_ =	sfence  }
0xba: {  	s30 =	sld [smem:$0x0];
	_ =	sdelay $0x2  }
0xbb: {  	s31 =	sshll.u32 s1, $0xD;
	s1 =	sshrl.u32 s1, $0x2  }
0xbc: {  	s3 =	sand.u32 $0x4000, s31;
	s1 =	sadd.s32 s1, s30  }
0xbd: {  	s0 =	sor.u32 s3, s0;
	s1 =	sshll.u32 s1, $0x11  }
0xbe: {  	s0 =	sor.u32 s1, s0  }
0xbf: {  	s0 =	sadd.s32 $0x8F2B, s0  }
0xc0: {  	[sflag:s0] =	ssyncadd.remote.s32 $0x1  }
0xc1: {  	_ =	sfence.sel $0xFFFF  }
0xc2: {  	[dreg:$0x0] =	wrdreg $0xFFFFFFFF;
	(pc) =	sbr.abs _section_cstart, $3  }
0xc3: {  	[dreg:$0x1] =	wrdreg $0xFFFFFFFF  }
0xc4: {  	_ =	task.clear_ibuf [dreg:s8], $0x2FFFF;
	_ =	strace $0x9FFFFFFF  }
0xc5: {  	(tm) =	ssettm $0x7FFFFFFF  }
tec
execute0_lowered:
.L_overlay_start_1:
0x0: {  	(tag) =	ssettag $0x1  }
0x1: {  	s0 =	rddreg [dreg:$0x0]  }
0x2: {  	s1 =	rddreg [dreg:$0x1]  }
0x3: {  	s13 =	rddreg [dreg:$0x2]  }
0x4: {  	s2 =	srdreg.scid;
	s5 =	stileid.u32  }
0x5: {  	s3 =	rddreg [dreg:$0x3];
	s4 =	simm.s32 $0x0;
	s30 =	simm.s32 $0x580  }
0x6: {  	s28 =	simm.s32 $0x800;
	s29 =	simm.s32 $0x5800;
	s31 =	simm.s32 $0x1  }
0x7: {  	s2 =	sand.u32 $0x1, s2;
	s6 =	sshll.u32 s5, $0x1;
	s19 =	smul.u32 $0x13800, s5  }
0x8: {  	[smem:$0x7FF] =	sst s4;
	s23 =	smul.u32 $0x4E000, s5;
	s6 =	sor.u32 s2, s6  }
0x9: {  	s14 =	sadd.s32 $0x1200, s1;
	s1 =	sadd.s32 $0xB000, s1;
	s6 =	smul.u32 $0x2710, s6  }
0xa: {  	p0 =	sne.s32 s5, $0x0;
	_ =	strace $0x80000047;
	s7 =	ssub.s32 $0x2, s2  }
0xb: {  	[dreg:$0x5] =	wrdreg s14;
	s8 =	sshrl.u32 s7, $0x1;
	s6 =	sshrl.u32 s6, $0x3  }
0xc: {  	s7 =	ssub.s32 s7, s8;
	s11 =	sadd.s32 s14, s6;
	s12 =	sadd.s32 s13, s6  }
0xd: {  	s15 =	sadd.s32 $0xA, s6;
	s9 =	sadd.s32 $0x14, s6;
	[dreg:$0x6] =	wrdreg s11  }
0xe: {  	s18 =	sadd.s32 $0x1E, s6;
	[dreg:$0x7] =	wrdreg s12;
	s10 =	sadd.s32 s14, s15  }
0xf: {  	s21 =	sadd.s32 $0x28, s6;
	s8 =	sadd.s32 s13, s15;
	[dreg:$0x8] =	wrdreg s10  }
0x10: {  	s25 =	sadd.s32 $0x32, s6;
	s16 =	sadd.s32 s14, s9;
	[dreg:$0x9] =	wrdreg s8  }
0x11: {  	s17 =	sadd.s32 s13, s9;
	s11 =	smul.u32 $0x138800, s2;
	[dreg:$0xa] =	wrdreg s16  }
0x12: {  	s20 =	sadd.s32 s14, s18;
	s12 =	smul.u32 $0x4E20, s5;
	[dreg:$0xb] =	wrdreg s17  }
0x13: {  	s22 =	sadd.s32 s14, s21;
	s2 =	smul.u32 $0x2710, s2;
	[dreg:$0xc] =	wrdreg s20  }
0x14: {  	s26 =	sadd.s32 s14, s25;
	s5 =	sshll.u32 s5, $0x6;
	[dreg:$0xe] =	wrdreg s22  }
0x15: {  	s15 =	sadd.s32 $0x3C, s6;
	s8 =	sadd.s32 s13, s18;
	[dreg:$0x11] =	wrdreg s26  }
0x16: {  	s6 =	sadd.s32 $0x46, s6;
	s10 =	sadd.s32 s13, s21;
	[dreg:$0xd] =	wrdreg s8  }
0x17: {  	s16 =	sadd.s32 s14, s15;
	s17 =	sadd.s32 s14, s6;
	[dreg:$0xf] =	wrdreg s10  }
0x18: {  	s18 =	sadd.s32 s13, s6;
	s20 =	smax.u32 s7, $0x1;
	[dreg:$0x16] =	wrdreg s16  }
0x19: {  	s6 =	simm.s32 $0x11;
	s24 =	sadd.s32 s19, s11;
	[dreg:$0x18] =	wrdreg s17  }
0x1a: {  	s11 =	sshrl.u32 s11, $0x3;
	s2 =	sadd.s32 s2, s12;
	[dreg:$0x19] =	wrdreg s18  }
0x1b: {  	s8 =	sshrl.u32 s23, $0x2;
	s12 =	sshrl.u32 s19, $0x3;
	[dreg:$0x1b] =	wrdreg s20  }
0x1c: {  	s10 =	sshrl.u32 s24, $0x3;
	s8 =	sadd.s32 s8, s3;
	s24 =	sor.u32 $0x1C11, s5  }
0x1d: {  	s5 =	sadd.s32 s13, s15;
	s19 =	sadd.s32 $0x4B0, s2;
	s21 =	sadd.s32 $0x460, s2  }
0x1e: {  	s23 =	sadd.s32 $0x410, s2;
	s9 =	sadd.s32 $0x3C0, s2;
	s16 =	sadd.s32 $0x320, s2  }
0x1f: {  	s17 =	sadd.s32 $0x2D0, s2;
	s10 =	sadd.s32 s1, s10;
	[dreg:$0x13] =	wrdreg s8  }
0x20: {  	s1 =	sadd.s32 s1, s11;
	s8 =	sadd.s32 s0, s12;
	[dreg:$0x17] =	wrdreg s5  }
0x21: {  	s5 =	sshrl.u32 s21, $0x3;
	s11 =	sadd.s32 $0x370, s2;
	[dreg:$0x15] =	wrdreg s24  }
0x22: {  	s18 =	sshrl.u32 s16, $0x3;
	[dreg:$0x10] =	wrdreg s10;
	s10 =	sadd.s32 s13, s25  }
0x23: {  	[dreg:$0x14] =	wrdreg s8;
	s8 =	smov.u32 s3;
	s1 =	sadd.s32 $0x27000, s1  }
0x24: {  	s25 =	sshrl.u32 s23, $0x3;
	s26 =	sadd.s32 s5, s13;
	[dreg:$0x12] =	wrdreg s10  }
0x25: {  	s5 =	sadd.s32 s5, s14;
	s15 =	sshrl.u32 s11, $0x3;
	[dreg:$0x1a] =	wrdreg s1  }
0x26: {  	s20 =	sadd.s32 s18, s13;
	s23 =	sadd.s32 $0x280, s2;
	[dreg:$0x1e] =	wrdreg s26  }
0x27: {  	s11 =	simm.s32 $0xD;
	s2 =	simm.s32 $0x0;
	[dreg:$0x1f] =	wrdreg s5  }
0x28: {  	s1 =	sshrl.u32 s19, $0x3;
	s7 =	sadd.s32 s25, s13;
	[smem:$0x7F7] =	sst s20  }
0x29: {  	s10 =	sshrl.u32 s9, $0x3;
	s5 =	sadd.s32 s15, s13;
	[smem:$0x7FB] =	sst s23  }
0x2a: {  	s19 =	sshrl.u32 s17, $0x3;
	s26 =	sadd.s32 $0x27000, s0;
	[smem:$0x7F1] =	sst s7  }
0x2b: {  	s20 =	simm.s32 $0xF;
	s23 =	simm.s32 $0x10;
	[smem:$0x7F5] =	sst s5  }
0x2c: {  	s22 =	sadd.s32 s1, s13;
	s1 =	sadd.s32 s1, s14;
	[smem:$0x7FD] =	sst s26  }
0x2d: {  	s12 =	sadd.s32 s10, s13;
	s21 =	sadd.s32 s19, s13;
	[dreg:$0x1c] =	wrdreg s22  }
0x2e: {  	s26 =	simm.s32 $0x500;
	s13 =	simm.s32 $0x380;
	[dreg:$0x1d] =	wrdreg s1  }
0x2f: {  	s7 =	simm.s32 $0x780;
	s1 =	sadd.s32 s25, s14;
	[smem:$0x7F3] =	sst s12  }
0x30: {  	[smem:$0x7F9] =	sst s21;
	s22 =	sadd.s32 s19, s14;
	s25 =	sadd.s32 $0x138000, s3  }
0x31: {  	s12 =	simm.s32 $0x3;
	s19 =	simm.s32 $0xB;
	[smem:$0x7F2] =	sst s1  }
.Ltmp0:
0x32: {  	s1 =	sadd.s32 s10, s14;
	[smem:$0x7FA] =	sst s22;
	(pc) =	sbr.rel .LBB2_1-.Ltmp0, $4  }
0x33: {  	[smem:$0x7FC] =	sst s25;
	s10 =	simm.s32 $0x9;
	s22 =	simm.s32 $0xC  }
0x34: {  	[smem:$0x7F4] =	sst s1;
	s1 =	sadd.s32 s15, s14;
	s15 =	simm.s32 $0x4  }
0x35: {  	[smem:$0x7F6] =	sst s1;
	s1 =	sadd.s32 s18, s14;
	s18 =	simm.s32 $0x200  }
0x36: {  	s14 =	simm.s32 $0xE;
	[smem:$0x7F8] =	sst s1;
	s1 =	simm.s32 $0x50  }
.LBB2_4:
0x37: {  	_ =	swait.ge [sflag:s10], $0x50  }
0x38: {  	[sflag:s10] =	ssyncset.done $0x0  }
0x39: {  	[sflag:s10] =	ssyncadd.s32 $0xFFFFFFB0  }
0x3a: {  	_ =	swait.ge [sflag:s10], $0x50  }
0x3b: {  	[sflag:s10] =	ssyncset.done $0x0  }
0x3c: {  	[sflag:s10] =	ssyncadd.s32 $0xFFFFFFB0  }
0x3d: {  	_ =	swait.ge [sflag:s11], $0x2800  }
0x3e: {  	[sflag:s11] =	ssyncset.done $0x0  }
0x3f: {  	[sflag:s11] =	ssyncadd.s32 $0xFFFFD800  }
0x40: {  	[tilespmem:s6], [sflag:$0x1] =	stream.indirect.gather [hbm4b:s21+s1], $0x80, s18, s1, $0xb8;
	[tilespmem:$0x1E080] =	vst v63  }
0x41: {  	_ =	swait.ge [sflag:s12], $0x2800  }
0x42: {  	[sflag:s12] =	ssyncset.done $0x0  }
0x43: {  	s26 =	simm.s32 $0x500;
	[sflag:s12] =	ssyncadd.s32 $0xFFFFD800  }
0x44: {  	[spmem:s8] =	stream.indirect.scatter.add.f32 [tilespmem:s0], [sflag:$0xF], $0x80, s26, s1, $0xb8;
	[tilespmem:$0x1E080] =	vst v63  }
0x45: {  	_ =	swait.ge [sflag:s14], $0x2800  }
0x46: {  	[sflag:s14] =	ssyncset.done $0x0  }
0x47: {  	[sflag:s14] =	ssyncadd.s32 $0xFFFFD800  }
0x48: {  	_ =	swait.ge [sflag:s15], $0x2800  }
0x49: {  	[sflag:s15] =	ssyncset.done $0x0  }
0x4a: {  	s30 =	simm.s32 $0x580;
	s3 =	simm.s32 $0x8000;
	[sflag:s15] =	ssyncadd.s32 $0xFFFFD800  }
0x4b: {  	[spmem:s8] =	stream.indirect.scatter.add.f32 [tilespmem:s3], [sflag:$0x10], $0x80, s30, s1, $0xb8;
	[tilespmem:$0x1E080] =	vst v63  }
0x4c: {  	_ =	swait.ge [sflag:s20], $0x2800  }
0x4d: {  	[sflag:s20] =	ssyncset.done $0x0  }
0x4e: {  	s31 =	simm.s32 $0x1;
	[sflag:s20] =	ssyncadd.s32 $0xFFFFD800  }
0x4f: {  	_ =	swait.ge [sflag:s31], $0x2800  }
0x50: {  	[sflag:s31] =	ssyncset.done $0x0  }
0x51: {  	s5 =	simm.s32 $0x600;
	[sflag:s31] =	ssyncadd.s32 $0xFFFFD800  }
0x52: {  	[spmem:s8] =	stream.indirect.scatter.add.f32 [tilespmem:s6], [sflag:$0xD], $0x80, s5, s1, $0xb8;
	[tilespmem:$0x1E080] =	vst v63  }
0x53: {  	_ =	swait.ge [sflag:s23], $0x2800  }
0x54: {  	[sflag:s23] =	ssyncset.done $0x0  }
0x55: {  	[sflag:s23] =	ssyncadd.s32 $0xFFFFD800  }
0x56: {  	_ =	swait.ge [sflag:s11], $0x2800  }
0x57: {  	[sflag:s11] =	ssyncset.done $0x0  }
0x58: {  	[sflag:s11] =	ssyncadd.s32 $0xFFFFD800  }
0x59: {  	[bflag:$0x0] =	sbarrier.arrive $0xFFFF  }
0x5a: {  	s2 =	sld [smem:$0x7EF]  }
0x5b: {  	s17 =	rddreg [dreg:$0x10]  }
0x5c: {  	s6 =	simm.s32 $0x11;
	s24 =	rddreg [dreg:$0x15]  }
0x5d: {  	[hbm:s17], [sflag:s24] =	dma.local [spmem:s2], $0x2700  }
0x5e: {  	_ =	swait.ge [sflag:s6], $0x2700  }
0x5f: {  	s2 =	sld [smem:$0x7F0]  }
0x60: {  	[sflag:s6] =	ssyncset.done $0x0  }
0x61: {  	s17 =	rddreg [dreg:$0x1a];
	[sflag:s6] =	ssyncadd.s32 $0xFFFFD900  }
0x62: {  	[hbm:s17], [sflag:s24] =	dma.local @!p0 [spmem:s2], $0x100  }
0x63: {  	s17 =	simm.s32 @!p0 $0x11  }
0x64: {  	_ =	swait.ge @!p0 [sflag:s17], $0x100  }
0x65: {  	s25 =	sld [smem:$0x7EE];
	_ =	sdelay $0x2  }
0x66: {  	s2 =	sadd.s32 $0x1, s25;
	s25 =	rddreg [dreg:$0x1b]  }
0x67: {  	p1 =	sne.s32 s2, s25  }
.Ltmp1:
0x68: {  	_ = 	snop;
	(pc) =	sbr.rel @!p1 .LBB2_5-.Ltmp1, $4  }
0x69: {  	_ = 	snop  }
0x6a: {  	s29 =	simm.s32 $0x5800  }
0x6b: {  	s28 =	simm.s32 $0x800;
	s13 =	simm.s32 $0x380;
	[sflag:s17] =	ssyncset.done @!p0 $0x0  }
0x6c: {  	s7 =	simm.s32 $0x780;
	s0 =	smov.u32 s21;
	[sflag:s17] =	ssyncadd.s32 @!p0 $0xFFFFFF00  }
.LBB2_1:
0x6d: {  	[smem:$0x7EE] =	sst s2  }
0x6e: {  	s17 =	rddreg [dreg:$0x6]  }
0x6f: {  	s25 =	rddreg [dreg:$0x7]  }
0x70: {  	[tilespmem:s4], [sflag:$0x5] =	stream.linear.gather [hbm4b:s17+s4], $0x50, $0x38;
	[tilespmem:$0x1E080] =	vst v63  }
0x71: {  	s9 =	simm.s32 $0x400;
	s2 =	rddreg [dreg:$0x8]  }
0x72: {  	[tilespmem:s9], [sflag:$0x5] =	stream.linear.gather [hbm4b:s25+s4], $0x50, $0x38;
	[tilespmem:$0x1E080] =	vst v63  }
0x73: {  	s3 =	rddreg [dreg:$0x9];
	s25 =	simm.s32 $0x80  }
0x74: {  	[tilespmem:s25], [sflag:$0x6] =	stream.linear.gather [hbm4b:s2+s4], $0x50, $0x38;
	[tilespmem:$0x1E080] =	vst v63  }
0x75: {  	s16 =	simm.s32 $0x480;
	s21 =	rddreg [dreg:$0xa]  }
0x76: {  	[tilespmem:s16], [sflag:$0x6] =	stream.linear.gather [hbm4b:s3+s4], $0x50, $0x38;
	[tilespmem:$0x1E080] =	vst v63  }
0x77: {  	s2 =	rddreg [dreg:$0xb];
	s16 =	smov.u32 s8;
	s8 =	simm.s32 $0x100  }
0x78: {  	[tilespmem:s8], [sflag:$0x7] =	stream.linear.gather [hbm4b:s21+s4], $0x50, $0x38;
	[tilespmem:$0x1E080] =	vst v63  }
0x79: {  	s3 =	rddreg [dreg:$0xc]  }
0x7a: {  	[tilespmem:s26], [sflag:$0x7] =	stream.linear.gather [hbm4b:s2+s4], $0x50, $0x38;
	[tilespmem:$0x1E080] =	vst v63  }
0x7b: {  	s21 =	simm.s32 $0x180;
	s2 =	rddreg [dreg:$0xd]  }
0x7c: {  	[tilespmem:s21], [sflag:$0x8] =	stream.linear.gather [hbm4b:s3+s4], $0x50, $0x38;
	[tilespmem:$0x1E080] =	vst v63  }
0x7d: {  	s3 =	rddreg [dreg:$0xe]  }
0x7e: {  	[tilespmem:s30], [sflag:$0x8] =	stream.linear.gather [hbm4b:s2+s4], $0x50, $0x38;
	[tilespmem:$0x1E080] =	vst v63  }
0x7f: {  	s30 =	rddreg [dreg:$0xf]  }
0x80: {  	[tilespmem:s18], [sflag:$0x9] =	stream.linear.gather [hbm4b:s3+s4], $0x50, $0x38;
	[tilespmem:$0x1E080] =	vst v63  }
0x81: {  	s5 =	simm.s32 $0x600;
	s2 =	rddreg [dreg:$0x11]  }
0x82: {  	[tilespmem:s5], [sflag:$0x9] =	stream.linear.gather [hbm4b:s30+s4], $0x50, $0x38;
	[tilespmem:$0x1E080] =	vst v63  }
0x83: {  	s3 =	simm.s32 $0x280;
	s5 =	rddreg [dreg:$0x12]  }
0x84: {  	[tilespmem:s3], [sflag:$0xA] =	stream.linear.gather [hbm4b:s2+s4], $0x50, $0x38;
	[tilespmem:$0x1E080] =	vst v63  }
0x85: {  	s30 =	simm.s32 $0x680;
	s2 =	rddreg [dreg:$0x13]  }
0x86: {  	[tilespmem:s30], [sflag:$0xA] =	stream.linear.gather [hbm4b:s5+s4], $0x50, $0x38;
	[tilespmem:$0x1E080] =	vst v63  }
0x87: {  	s3 =	sshrl.u32 s2, $0x3;
	s5 =	rddreg [dreg:$0x14]  }
0x88: {  	[smem:$0x7EF] =	sst s3  }
0x89: {  	[spmem:s3], [sflag:s24] =	dma.local [hbm:s5], $0x2700  }
0x8a: {  	_ =	swait.ge [sflag:s6], $0x2700  }
0x8b: {  	s17 =	sld [smem:$0x7FC];
	_ =	sdelay $0x2  }
0x8c: {  	s2 =	sshrl.u32 @!p0 s17, $0x3;
	s17 =	sld [smem:$0x7FD]  }
0x8d: {  	[sflag:s6] =	ssyncset.done $0x0  }
0x8e: {  	[sflag:s6] =	ssyncadd.s32 $0xFFFFD900;
	[smem:$0x7F0] =	sst s2  }
0x8f: {  	[spmem:s2], [sflag:s24] =	dma.local @!p0 [hbm:s17], $0x100  }
0x90: {  	s24 =	simm.s32 @!p0 $0x11  }
0x91: {  	_ =	swait.ge @!p0 [sflag:s24], $0x100  }
0x92: {  	[sflag:s24] =	ssyncset.done @!p0 $0x0  }
0x93: {  	[sflag:s24] =	ssyncadd.s32 @!p0 $0xFFFFFF00  }
0x94: {  	s24 =	simm.s32 $0x5;
	[bflag:$0x0] =	sbarrier.arrive $0xFFFF  }
0x95: {  	_ =	swait.ge [sflag:s24], $0x50  }
0x96: {  	[sflag:s24] =	ssyncset.done $0x0  }
0x97: {  	[sflag:s24] =	ssyncadd.s32 $0xFFFFFFB0  }
0x98: {  	_ =	swait.ge [sflag:s24], $0x50  }
0x99: {  	[sflag:s24] =	ssyncset.done $0x0  }
0x9a: {  	s3 =	simm.s32 $0x6;
	[sflag:s24] =	ssyncadd.s32 $0xFFFFFFB0  }
0x9b: {  	[tilespmem:s28], [sflag:$0x1] =	stream.indirect.gather [hbm4b:s0+s1], $0x80, s4, s1, $0xb8;
	[tilespmem:$0x1E080] =	vst v63  }
0x9c: {  	_ =	swait.ge [sflag:s3], $0x50  }
0x9d: {  	[sflag:s3] =	ssyncset.done $0x0  }
0x9e: {  	[sflag:s3] =	ssyncadd.s32 $0xFFFFFFB0  }
0x9f: {  	_ =	swait.ge [sflag:s3], $0x50  }
0xa0: {  	[sflag:s3] =	ssyncset.done $0x0  }
0xa1: {  	s30 =	simm.s32 $0x7;
	[sflag:s3] =	ssyncadd.s32 $0xFFFFFFB0;
	s3 =	simm.s32 $0x3000  }
0xa2: {  	[tilespmem:s3], [sflag:$0x2] =	stream.indirect.gather [hbm4b:s0+s1], $0x80, s25, s1, $0xb8;
	[tilespmem:$0x1E080] =	vst v63  }
0xa3: {  	_ =	swait.ge [sflag:s30], $0x50  }
0xa4: {  	[sflag:s30] =	ssyncset.done $0x0  }
0xa5: {  	[sflag:s30] =	ssyncadd.s32 $0xFFFFFFB0  }
0xa6: {  	_ =	swait.ge [sflag:s30], $0x50  }
0xa7: {  	[sflag:s30] =	ssyncset.done $0x0  }
0xa8: {  	[sflag:s30] =	ssyncadd.s32 $0xFFFFFFB0  }
0xa9: {  	[tilespmem:s29], [sflag:$0x3] =	stream.indirect.gather [hbm4b:s0+s1], $0x80, s8, s1, $0xb8;
	[tilespmem:$0x1E080] =	vst v63  }
0xaa: {  	_ =	swait.ge [sflag:s31], $0x2800  }
0xab: {  	[sflag:s31] =	ssyncset.done $0x0  }
0xac: {  	[sflag:s31] =	ssyncadd.s32 $0xFFFFD800  }
0xad: {  	[spmem:s16] =	stream.indirect.scatter.add.f32 [tilespmem:s28], [sflag:$0xD], $0x80, s9, s1, $0xb8;
	[tilespmem:$0x1E080] =	vst v63  }
0xae: {  	s2 =	simm.s32 $0x300;
	s31 =	rddreg [dreg:$0x16]  }
0xaf: {  	[tilespmem:s2], [sflag:$0xB] =	stream.linear.gather [hbm4b:s31+s4], $0x50, $0x38;
	[tilespmem:$0x1E080] =	vst v63  }
0xb0: {  	s24 =	simm.s32 $0x700;
	s25 =	simm.s32 $0x8;
	s9 =	rddreg [dreg:$0x17]  }
0xb1: {  	[tilespmem:s24], [sflag:$0xB] =	stream.linear.gather [hbm4b:s9+s4], $0x50, $0x38;
	[tilespmem:$0x1E080] =	vst v63  }
0xb2: {  	_ =	swait.ge [sflag:s25], $0x50  }
0xb3: {  	[sflag:s25] =	ssyncset.done $0x0  }
0xb4: {  	[sflag:s25] =	ssyncadd.s32 $0xFFFFFFB0  }
0xb5: {  	_ =	swait.ge [sflag:s25], $0x50  }
0xb6: {  	[sflag:s25] =	ssyncset.done $0x0  }
0xb7: {  	s6 =	simm.s32 $0x8000;
	s28 =	simm.s32 $0x2;
	[sflag:s25] =	ssyncadd.s32 $0xFFFFFFB0  }
0xb8: {  	[tilespmem:s6], [sflag:$0x4] =	stream.indirect.gather [hbm4b:s0+s1], $0x80, s21, s1, $0xb8;
	[tilespmem:$0x1E080] =	vst v63  }
0xb9: {  	_ =	swait.ge [sflag:s28], $0x2800  }
0xba: {  	s8 =	smov.u32 s16;
	[sflag:s28] =	ssyncset.done $0x0  }
0xbb: {  	s29 =	simm.s32 $0x480;
	s30 =	rddreg [dreg:$0x18];
	[sflag:s28] =	ssyncadd.s32 $0xFFFFD800  }
0xbc: {  	[spmem:s16] =	stream.indirect.scatter.add.f32 [tilespmem:s3], [sflag:$0xE], $0x80, s29, s1, $0xb8;
	[tilespmem:$0x1E080] =	vst v63  }
0xbd: {  	s25 =	simm.s32 $0x0;
	s6 =	simm.s32 $0x800;
	s31 =	rddreg [dreg:$0x19]  }
0xbe: {  	[tilespmem:s13], [sflag:$0xC] =	stream.linear.gather [hbm4b:s30+s4], $0x50, $0x38;
	[tilespmem:$0x1E080] =	vst v63  }
0xbf: {  	s21 =	smov.u32 s0;
	s0 =	simm.s32 $0x5800;
	s24 =	sld [smem:$0x7FB]  }
0xc0: {  	[tilespmem:s7], [sflag:$0xC] =	stream.linear.gather [hbm4b:s31+s4], $0x50, $0x38;
	[tilespmem:$0x1E080] =	vst v63  }
.LBB2_2:
0xc1: {  	_ =	swait.ge [sflag:s10], $0x50  }
0xc2: {  	[sflag:s10] =	ssyncset.done $0x0  }
0xc3: {  	[sflag:s10] =	ssyncadd.s32 $0xFFFFFFB0  }
0xc4: {  	_ =	swait.ge [sflag:s10], $0x50  }
0xc5: {  	[sflag:s10] =	ssyncset.done $0x0  }
0xc6: {  	[sflag:s10] =	ssyncadd.s32 $0xFFFFFFB0  }
0xc7: {  	_ =	swait.ge [sflag:s11], $0x2800  }
0xc8: {  	[sflag:s11] =	ssyncset.done $0x0  }
0xc9: {  	[sflag:s11] =	ssyncadd.s32 $0xFFFFD800  }
0xca: {  	[tilespmem:s6], [sflag:$0x1] =	stream.indirect.gather [hbm4b:s21+s1], $0x80, s18, s1, $0xb8;
	[tilespmem:$0x1E080] =	vst v63  }
0xcb: {  	_ =	swait.ge [sflag:s12], $0x2800  }
0xcc: {  	[sflag:s12] =	ssyncset.done $0x0  }
0xcd: {  	s5 =	sshrl.u32 s24, $0x3;
	s17 =	rddreg [dreg:$0x5];
	[sflag:s12] =	ssyncadd.s32 $0xFFFFD800  }
0xce: {  	[spmem:s8] =	stream.indirect.scatter.add.f32 [tilespmem:s0], [sflag:$0xF], $0x80, s26, s1, $0xb8;
	[tilespmem:$0x1E080] =	vst v63  }
0xcf: {  	s28 =	sadd.s32 s17, s5;
	s6 =	rddreg [dreg:$0x2]  }
0xd0: {  	[tilespmem:s4], [sflag:$0x5] =	stream.linear.gather [hbm4b:s28+s4], $0x50, $0x38;
	[tilespmem:$0x1E080] =	vst v63  }
0xd1: {  	s7 =	simm.s32 $0xA;
	s8 =	simm.s32 $0x400;
	s26 =	sadd.s32 s6, s5  }
0xd2: {  	[tilespmem:s8], [sflag:$0x5] =	stream.linear.gather [hbm4b:s26+s4], $0x50, $0x38;
	[tilespmem:$0x1E080] =	vst v63  }
0xd3: {  	_ =	swait.ge [sflag:s7], $0x50  }
0xd4: {  	[sflag:s7] =	ssyncset.done $0x0  }
0xd5: {  	[sflag:s7] =	ssyncadd.s32 $0xFFFFFFB0  }
0xd6: {  	_ =	swait.ge [sflag:s7], $0x50  }
0xd7: {  	[sflag:s7] =	ssyncset.done $0x0  }
0xd8: {  	[sflag:s7] =	ssyncadd.s32 $0xFFFFFFB0  }
0xd9: {  	_ =	swait.ge [sflag:s14], $0x2800  }
0xda: {  	[sflag:s14] =	ssyncset.done $0x0  }
0xdb: {  	s3 =	simm.s32 $0x3000;
	s5 =	simm.s32 $0x280;
	[sflag:s14] =	ssyncadd.s32 $0xFFFFD800  }
0xdc: {  	[tilespmem:s3], [sflag:$0x2] =	stream.indirect.gather [hbm4b:s21+s1], $0x80, s5, s1, $0xb8;
	[tilespmem:$0x1E080] =	vst v63  }
0xdd: {  	_ =	swait.ge [sflag:s15], $0x2800  }
0xde: {  	s31 =	simm.s32 $0x8000;
	[sflag:s15] =	ssyncset.done $0x0;
	s9 =	sld [smem:$0x7FA]  }
0xdf: {  	s18 =	simm.s32 $0x580;
	s26 =	sld [smem:$0x7F9];
	[sflag:s15] =	ssyncadd.s32 $0xFFFFD800  }
0xe0: {  	[spmem:s16] =	stream.indirect.scatter.add.f32 [tilespmem:s31], [sflag:$0x10], $0x80, s18, s1, $0xb8;
	[tilespmem:$0x1E080] =	vst v63  }
0xe1: {  	s28 =	simm.s32 $0x80;
	s17 =	sadd.s32 s25, s9  }
0xe2: {  	[tilespmem:s28], [sflag:$0x6] =	stream.linear.gather [hbm4b:s17+s4], $0x50, $0x38;
	[tilespmem:$0x1E080] =	vst v63  }
0xe3: {  	s0 =	sadd.s32 s25, s26;
	s9 =	simm.s32 $0x480  }
0xe4: {  	[tilespmem:s9], [sflag:$0x6] =	stream.linear.gather [hbm4b:s0+s4], $0x50, $0x38;
	[tilespmem:$0x1E080] =	vst v63  }
0xe5: {  	_ =	swait.ge [sflag:s19], $0x50  }
0xe6: {  	[sflag:s19] =	ssyncset.done $0x0  }
0xe7: {  	[sflag:s19] =	ssyncadd.s32 $0xFFFFFFB0  }
0xe8: {  	_ =	swait.ge [sflag:s19], $0x50  }
0xe9: {  	[sflag:s19] =	ssyncset.done $0x0  }
0xea: {  	[sflag:s19] =	ssyncadd.s32 $0xFFFFFFB0  }
0xeb: {  	_ =	swait.ge [sflag:s20], $0x2800  }
0xec: {  	s29 =	simm.s32 $0x5800;
	[sflag:s20] =	ssyncset.done $0x0  }
0xed: {  	s2 =	simm.s32 $0x300;
	s7 =	simm.s32 $0x1;
	[sflag:s20] =	ssyncadd.s32 $0xFFFFD800  }
0xee: {  	[tilespmem:s29], [sflag:$0x3] =	stream.indirect.gather [hbm4b:s21+s1], $0x80, s2, s1, $0xb8;
	[tilespmem:$0x1E080] =	vst v63  }
0xef: {  	_ =	swait.ge [sflag:s7], $0x2800  }
0xf0: {  	s6 =	simm.s32 $0x600;
	[sflag:s7] =	ssyncset.done $0x0;
	s5 =	sld [smem:$0x7F8]  }
0xf1: {  	s0 =	simm.s32 $0x800;
	s2 =	sld [smem:$0x7F7];
	[sflag:s7] =	ssyncadd.s32 $0xFFFFD800  }
0xf2: {  	[spmem:s16] =	stream.indirect.scatter.add.f32 [tilespmem:s0], [sflag:$0xD], $0x80, s6, s1, $0xb8;
	[tilespmem:$0x1E080] =	vst v63  }
0xf3: {  	s17 =	sadd.s32 s25, s5;
	s5 =	simm.s32 $0x100  }
0xf4: {  	[tilespmem:s5], [sflag:$0x7] =	stream.linear.gather [hbm4b:s17+s4], $0x50, $0x38;
	[tilespmem:$0x1E080] =	vst v63  }
0xf5: {  	s30 =	simm.s32 $0x500;
	s17 =	sadd.s32 s25, s2  }
0xf6: {  	[tilespmem:s30], [sflag:$0x7] =	stream.linear.gather [hbm4b:s17+s4], $0x50, $0x38;
	[tilespmem:$0x1E080] =	vst v63  }
0xf7: {  	_ =	swait.ge [sflag:s22], $0x50  }
0xf8: {  	[sflag:s22] =	ssyncset.done $0x0  }
0xf9: {  	[sflag:s22] =	ssyncadd.s32 $0xFFFFFFB0  }
0xfa: {  	_ =	swait.ge [sflag:s22], $0x50  }
0xfb: {  	[sflag:s22] =	ssyncset.done $0x0  }
0xfc: {  	[sflag:s22] =	ssyncadd.s32 $0xFFFFFFB0  }
0xfd: {  	_ =	swait.ge [sflag:s23], $0x2800  }
0xfe: {  	[sflag:s23] =	ssyncset.done $0x0  }
0xff: {  	[sflag:s23] =	ssyncadd.s32 $0xFFFFD800  }
0x100: {  	[tilespmem:s31], [sflag:$0x4] =	stream.indirect.gather [hbm4b:s21+s1], $0x80, s13, s1, $0xb8;
	[tilespmem:$0x1E080] =	vst v63  }
0x101: {  	s13 =	simm.s32 $0x2  }
0x102: {  	_ =	swait.ge [sflag:s13], $0x2800  }
0x103: {  	[sflag:s13] =	ssyncset.done $0x0  }
0x104: {  	s26 =	simm.s32 $0x680;
	s30 =	sld [smem:$0x7F6];
	[sflag:s13] =	ssyncadd.s32 $0xFFFFD800  }
0x105: {  	[spmem:s16] =	stream.indirect.scatter.add.f32 [tilespmem:s3], [sflag:$0xE], $0x80, s26, s1, $0xb8;
	[tilespmem:$0x1E080] =	vst v63  }
0x106: {  	s26 =	sld [smem:$0x7F5]  }
0x107: {  	s17 =	sadd.s32 s25, s30;
	s30 =	simm.s32 $0x180  }
0x108: {  	[tilespmem:s30], [sflag:$0x8] =	stream.linear.gather [hbm4b:s17+s4], $0x50, $0x38;
	[tilespmem:$0x1E080] =	vst v63  }
0x109: {  	s17 =	sadd.s32 s25, s26;
	s26 =	simm.s32 $0x5  }
0x10a: {  	[tilespmem:s18], [sflag:$0x8] =	stream.linear.gather [hbm4b:s17+s4], $0x50, $0x38;
	[tilespmem:$0x1E080] =	vst v63  }
0x10b: {  	_ =	swait.ge [sflag:s26], $0x50  }
0x10c: {  	[sflag:s26] =	ssyncset.done $0x0  }
0x10d: {  	[sflag:s26] =	ssyncadd.s32 $0xFFFFFFB0  }
0x10e: {  	_ =	swait.ge [sflag:s26], $0x50  }
0x10f: {  	[sflag:s26] =	ssyncset.done $0x0  }
0x110: {  	[sflag:s26] =	ssyncadd.s32 $0xFFFFFFB0  }
0x111: {  	_ =	swait.ge [sflag:s11], $0x2800  }
0x112: {  	[sflag:s11] =	ssyncset.done $0x0  }
0x113: {  	[sflag:s11] =	ssyncadd.s32 $0xFFFFD800  }
0x114: {  	[tilespmem:s0], [sflag:$0x1] =	stream.indirect.gather [hbm4b:s21+s1], $0x80, s4, s1, $0xb8;
	[tilespmem:$0x1E080] =	vst v63  }
0x115: {  	_ =	swait.ge [sflag:s12], $0x2800  }
0x116: {  	[sflag:s12] =	ssyncset.done $0x0;
	s0 =	sld [smem:$0x7F4]  }
0x117: {  	s26 =	simm.s32 $0x700;
	[sflag:s12] =	ssyncadd.s32 $0xFFFFD800  }
0x118: {  	[spmem:s16] =	stream.indirect.scatter.add.f32 [tilespmem:s29], [sflag:$0xF], $0x80, s26, s1, $0xb8;
	[tilespmem:$0x1E080] =	vst v63  }
0x119: {  	s17 =	sadd.s32 s25, s0;
	s0 =	sld [smem:$0x7F3]  }
0x11a: {  	s18 =	simm.s32 $0x200  }
0x11b: {  	[tilespmem:s18], [sflag:$0x9] =	stream.linear.gather [hbm4b:s17+s4], $0x50, $0x38;
	[tilespmem:$0x1E080] =	vst v63  }
0x11c: {  	s26 =	simm.s32 $0x6;
	s17 =	sadd.s32 s25, s0  }
0x11d: {  	[tilespmem:s6], [sflag:$0x9] =	stream.linear.gather [hbm4b:s17+s4], $0x50, $0x38;
	[tilespmem:$0x1E080] =	vst v63  }
0x11e: {  	_ =	swait.ge [sflag:s26], $0x50  }
0x11f: {  	[sflag:s26] =	ssyncset.done $0x0  }
0x120: {  	[sflag:s26] =	ssyncadd.s32 $0xFFFFFFB0  }
0x121: {  	_ =	swait.ge [sflag:s26], $0x50  }
0x122: {  	[sflag:s26] =	ssyncset.done $0x0  }
0x123: {  	[sflag:s26] =	ssyncadd.s32 $0xFFFFFFB0  }
0x124: {  	_ =	swait.ge [sflag:s14], $0x2800  }
0x125: {  	[sflag:s14] =	ssyncset.done $0x0  }
0x126: {  	[sflag:s14] =	ssyncadd.s32 $0xFFFFD800  }
0x127: {  	[tilespmem:s3], [sflag:$0x2] =	stream.indirect.gather [hbm4b:s21+s1], $0x80, s28, s1, $0xb8;
	[tilespmem:$0x1E080] =	vst v63  }
0x128: {  	_ =	swait.ge [sflag:s15], $0x2800  }
0x129: {  	[sflag:s15] =	ssyncset.done $0x0  }
0x12a: {  	s17 =	simm.s32 $0x780;
	[sflag:s15] =	ssyncadd.s32 $0xFFFFD800  }
0x12b: {  	[spmem:s16] =	stream.indirect.scatter.add.f32 [tilespmem:s31], [sflag:$0x10], $0x80, s17, s1, $0xb8;
	[tilespmem:$0x1E080] =	vst v63  }
0x12c: {  	s17 =	sld [smem:$0x7F2];
	_ =	sdelay $0x1  }
0x12d: {  	p1 =	seq.s32 s25, $0x460  }
0x12e: {  	s28 =	simm.s32 @!p1 $0x0;
	s26 =	sadd.s32 @!p1 s25, s17;
	s17 =	simm.s32 @!p1 $0x280  }
0x12f: {  	[tilespmem:s17], [sflag:$0xA] =	stream.linear.gather @!p1 [hbm4b:s26+s28], $0x50, $0x38;
	[tilespmem:$0x1E080] =	vst v63  }
0x130: {  	s17 =	sld [smem:$0x7F1];
	_ =	sdelay $0x2  }
0x131: {  	s26 =	simm.s32 @!p1 $0x680;
	s17 =	sadd.s32 @!p1 s25, s17  }
0x132: {  	[tilespmem:s26], [sflag:$0xA] =	stream.linear.gather @!p1 [hbm4b:s17+s28], $0x50, $0x38;
	[tilespmem:$0x1E080] =	vst v63  }
0x133: {  	s26 =	simm.s32 $0x7  }
0x134: {  	_ =	swait.ge [sflag:s26], $0x50  }
0x135: {  	[sflag:s26] =	ssyncset.done $0x0  }
0x136: {  	[sflag:s26] =	ssyncadd.s32 $0xFFFFFFB0  }
0x137: {  	_ =	swait.ge [sflag:s26], $0x50  }
0x138: {  	[sflag:s26] =	ssyncset.done $0x0  }
0x139: {  	[sflag:s26] =	ssyncadd.s32 $0xFFFFFFB0  }
0x13a: {  	_ =	swait.ge [sflag:s20], $0x2800  }
0x13b: {  	[sflag:s20] =	ssyncset.done $0x0  }
0x13c: {  	[sflag:s20] =	ssyncadd.s32 $0xFFFFD800  }
0x13d: {  	[tilespmem:s29], [sflag:$0x3] =	stream.indirect.gather [hbm4b:s21+s1], $0x80, s5, s1, $0xb8;
	[tilespmem:$0x1E080] =	vst v63  }
0x13e: {  	_ =	swait.ge [sflag:s7], $0x2800  }
0x13f: {  	[sflag:s7] =	ssyncset.done $0x0  }
0x140: {  	s6 =	simm.s32 $0x800;
	s17 =	rddreg [dreg:$0x1f];
	[sflag:s7] =	ssyncadd.s32 $0xFFFFD800  }
0x141: {  	[spmem:s16] =	stream.indirect.scatter.add.f32 [tilespmem:s6], [sflag:$0xD], $0x80, s8, s1, $0xb8;
	[tilespmem:$0x1E080] =	vst v63  }
0x142: {  	s26 =	simm.s32 @!p1 $0x300;
	s17 =	sadd.s32 @!p1 s25, s17  }
0x143: {  	[tilespmem:s26], [sflag:$0xB] =	stream.linear.gather @!p1 [hbm4b:s17+s28], $0x50, $0x38;
	[tilespmem:$0x1E080] =	vst v63  }
0x144: {  	s17 =	rddreg [dreg:$0x1e]  }
0x145: {  	s29 =	simm.s32 $0x8;
	s26 =	simm.s32 @!p1 $0x700;
	s17 =	sadd.s32 @!p1 s25, s17  }
0x146: {  	[tilespmem:s26], [sflag:$0xB] =	stream.linear.gather @!p1 [hbm4b:s17+s28], $0x50, $0x38;
	[tilespmem:$0x1E080] =	vst v63  }
0x147: {  	_ =	swait.ge [sflag:s29], $0x50  }
0x148: {  	[sflag:s29] =	ssyncset.done $0x0  }
0x149: {  	[sflag:s29] =	ssyncadd.s32 $0xFFFFFFB0  }
0x14a: {  	_ =	swait.ge [sflag:s29], $0x50  }
0x14b: {  	[sflag:s29] =	ssyncset.done $0x0  }
0x14c: {  	[sflag:s29] =	ssyncadd.s32 $0xFFFFFFB0  }
0x14d: {  	_ =	swait.ge [sflag:s23], $0x2800  }
0x14e: {  	[sflag:s23] =	ssyncset.done $0x0  }
0x14f: {  	[sflag:s23] =	ssyncadd.s32 $0xFFFFD800  }
0x150: {  	[tilespmem:s31], [sflag:$0x4] =	stream.indirect.gather [hbm4b:s21+s1], $0x80, s30, s1, $0xb8;
	[tilespmem:$0x1E080] =	vst v63  }
.Ltmp2:
0x151: {  	_ = 	snop;
	(pc) =	sbr.rel @p1 .LBB2_4-.Ltmp2, $4  }
0x152: {  	_ =	swait.ge [sflag:s13], $0x2800  }
0x153: {  	s2 =	simm.s32 $0x380;
	[sflag:s13] =	ssyncset.done $0x0  }
0x154: {  	s0 =	simm.s32 $0x5800;
	s8 =	smov.u32 s16;
	[sflag:s13] =	ssyncadd.s32 $0xFFFFD800  }
0x155: {  	[spmem:s16] =	stream.indirect.scatter.add.f32 [tilespmem:s3], [sflag:$0xE], $0x80, s9, s1, $0xb8;
	[tilespmem:$0x1E080] =	vst v63  }
0x156: {  	s17 =	rddreg [dreg:$0x1d]  }
.Ltmp3:
0x157: {  	s30 =	rddreg [dreg:$0x1c];
	s31 =	simm.s32 $0x780;
	(pc) =	sbr.rel .LBB2_2-.Ltmp3, $4  }
0x158: {  	s24 =	sadd.s32 $0x280, s24;
	s26 =	simm.s32 $0x500;
	s17 =	sadd.s32 s25, s17  }
0x159: {  	[tilespmem:s2], [sflag:$0xC] =	stream.linear.gather [hbm4b:s17+s4], $0x50, $0x38;
	[tilespmem:$0x1E080] =	vst v63  }
0x15a: {  	s13 =	simm.s32 $0x380;
	s17 =	sadd.s32 s25, s30;
	s25 =	sadd.s32 $0x50, s25  }
0x15b: {  	[tilespmem:s31], [sflag:$0xC] =	stream.linear.gather [hbm4b:s17+s4], $0x50, $0x38;
	[tilespmem:$0x1E080] =	vst v63  }
.LBB2_5:
0x15c: {  	_ =	sfence.sel $0x180000  }
0x15d: {  	[bflag:$0x0] =	sbarrier.arrive $0xFFFF  }
0x15e: {  	_ =	strace $0x90000047  }
0x15f: {  	[bflag:$0x2] =	sbarrier.arrive $0xFFFF  }
0x160: {  	s0 =	rddreg [dreg:$0x4]  }
0x161: {  	s0 =	sadd.s32 @!p0 $0x100000, s0  }
0x162: {  	[sflag:s0] =	ssyncadd.tile.s32 @!p0 $0x1;
	_ =	shalt  }
.Lfunc_end2:
_tile_overlayer_lowered:
.L_overlay_start_2:
0x163: {  	(tag) =	ssettag $0x2  }
0x164: {  	s0 =	rddreg [dreg:$0x0];
	s2 =	stileid.u32  }
0x165: {  	s1 =	rddreg [dreg:$0x1];
	p0 =	sne.s32 s2, $0x0  }
0x166: {  	s3 =	rddreg [dreg:$0x2];
	[bflag:$0x3] =	sbarrier.arrive $0xFFFF;
	s2 =	simm.s32 @!p0 $0x1C11  }
0x167: {  	[timem:s3], [sflag:s2] =	dma.local @!p0 [hbm:s0], s1  }
0x168: {  	s0 =	simm.s32 @!p0 $0x11  }
0x169: {  	_ =	swait.ge @!p0 [sflag:s0], s1  }
0x16a: {  	s1 =	ssub.s32 @!p0 $0x0, s1;
	[sflag:s0] =	ssyncset.done @!p0 $0x0  }
0x16b: {  	[sflag:s0] =	ssyncadd.s32 @!p0 s1  }
0x16c: {  	[bflag:$0x3] =	sbarrier.arrive $0xFFFF  }
0x16d: {  	_ =	shalt  }

</sc_bundles>
